<compile_context>
chip_gen: v7x
topology: tpu7x:2x2x1
jax: 0.10.2.dev20260603
libtpu: 0.0.44.dev20260713+nightly
codegen_flags: <defaults>
</compile_context>

<pallas_src>
import functools

import jax
import jax.numpy as jnp
from jax import lax
from jax.experimental import pallas as pl
from jax.experimental.pallas import tpu as pltpu
from jax.experimental.pallas import tpu_sc as plsc

N_NODES = 10000
N_PAD = 10240
D_FEAT = 128
HIDDEN = 128
N_CLASSES = 40
N_EDGES = 320000
CHUNK = 80


@functools.lru_cache(maxsize=None)
def _make_sc_segment_sum(d: int, with_counts: bool):
    info = plsc.get_sparse_core_info()
    nc, ns = info.num_cores, info.num_subcores
    nw = nc * ns
    e_per_w = N_EDGES // nw
    assert N_EDGES % nw == 0 and e_per_w % CHUNK == 0
    n_chunks = e_per_w // CHUNK
    rows_per_s = N_PAD // ns
    zcopies = rows_per_s // CHUNK
    dcol = d // 16

    NB = 3
    assert n_chunks % NB == 2

    out_type = [jax.ShapeDtypeStruct((nc, N_PAD, d), jnp.float32)]
    scratch = (
        [pltpu.VMEM((CHUNK, d), jnp.float32) for _ in range(NB)]
        + [pltpu.VMEM((CHUNK,), jnp.int32) for _ in range(NB)]
        + [pltpu.VMEM((CHUNK,), jnp.int32) for _ in range(NB)]
        + [pltpu.VMEM_SHARED((N_PAD, d), jnp.float32)]
        + [pltpu.SemaphoreType.DMA] * (4 * NB)
    )
    if with_counts:
        out_type.append(jax.ShapeDtypeStruct((nc, ns, N_PAD), jnp.float32))
        scratch.append(pltpu.VMEM((N_PAD,), jnp.float32))

    mesh = plsc.VectorSubcoreMesh(core_axis_name="c", subcore_axis_name="s")

    @functools.partial(
        pl.kernel, mesh=mesh, out_type=tuple(out_type),
        scratch_types=scratch,
        compiler_params=pltpu.CompilerParams(needs_layout_passes=False))
    def k(table_hbm, edge_hbm, *refs):
        if with_counts:
            agg_out, cnt_out, *rest = refs
            cntbuf = rest[-1]
            rest = rest[:-1]
        else:
            agg_out, *rest = refs
            cnt_out = cntbuf = None
        rbufs = rest[0:NB]
        sbufs = rest[NB:2 * NB]
        dbufs = rest[2 * NB:3 * NB]
        acc = rest[3 * NB]
        gsems = rest[3 * NB + 1:3 * NB + 1 + NB]
        isems = rest[3 * NB + 1 + NB:3 * NB + 1 + 2 * NB]
        jsems = rest[3 * NB + 1 + 2 * NB:3 * NB + 1 + 3 * NB]
        ssems = rest[3 * NB + 1 + 3 * NB:3 * NB + 1 + 4 * NB]
        cid = lax.axis_index("c")
        sid = lax.axis_index("s")
        wid = sid * nc + cid
        row0 = sid * rows_per_s
        ebase = wid * e_per_w

        def zrow(i, c):
            rbufs[0][i // dcol, pl.ds((i % dcol) * 16, 16)] = jnp.zeros(
                (16,), jnp.float32)
            return c
        lax.fori_loop(0, CHUNK * dcol, zrow, 0)
        for t in range(zcopies):
            pltpu.sync_copy(rbufs[0], acc.at[pl.ds(row0 + t * CHUNK, CHUNK)])
        if with_counts:
            def zcnt(i, c):
                cntbuf[pl.ds(i * 16, 16)] = jnp.zeros((16,), jnp.float32)
                return c
            lax.fori_loop(0, N_PAD // 16, zcnt, 0)
        plsc.subcore_barrier()

        def sload(t, b):
            off = pl.multiple_of(ebase + t * CHUNK, 8)
            return pltpu.make_async_copy(
                edge_hbm.at[pl.ds(off, CHUNK)], sbufs[b], isems[b])

        def dload(t, b):
            off = pl.multiple_of(N_EDGES + ebase + t * CHUNK, 8)
            return pltpu.make_async_copy(
                edge_hbm.at[pl.ds(off, CHUNK)], dbufs[b], jsems[b])

        def gath(b):
            return pltpu.make_async_copy(
                table_hbm.at[sbufs[b]], rbufs[b], gsems[b])

        def scat(b):
            return pltpu.make_async_copy(rbufs[b], acc.at[dbufs[b]],
                                         ssems[b])

        def counts(b):
            if with_counts:
                for j in range(CHUNK // 16):
                    dv = dbufs[b][pl.ds(j * 16, 16)]
                    plsc.addupdate_scatter(
                        cntbuf, [dv], jnp.full((16,), 1.0, jnp.float32))

        for t in (0, 1):
            sload(t, t).start()
            dload(t, t).start()
            sload(t, t).wait()
            gath(t).start()
        sload(2, 2).start()

        def step(t, b, has_next3, has_next2, has_prev):
            gath(b).wait()
            dload(t, b).wait()
            scat(b).start(add=True)
            if has_next3:
                sload(t + 3, b).start()
            b2 = (b + 2) % NB
            if has_next2:
                dload(t + 2, b2).start()
                sload(t + 2, b2).wait()
            counts(b)
            scat(b).wait()
            if has_next2:
                gath(b2).start()

        def tri_body(i, c):
            for b in range(NB):
                t3 = i * NB + b
                step(t3, b, True, True, True)
            return c
        for b in range(NB):
            step(b, b, True, True, b > 0)
        lax.fori_loop(1, n_chunks // NB, tri_body, 0)
        tail0 = n_chunks - 2
        step(tail0, tail0 % NB, False, False, False)
        step(tail0 + 1, (tail0 + 1) % NB, False, False, False)
        plsc.subcore_barrier()

        pltpu.sync_copy(acc.at[pl.ds(row0, rows_per_s)],
                        agg_out.at[cid, pl.ds(row0, rows_per_s)])
        if with_counts:
            pltpu.sync_copy(cntbuf, cnt_out.at[cid, sid])

    return k


_BR = 2000


def _tc_mid(aggp, cntp, x, w1l, w1r, b1):
    nb = N_NODES // _BR

    def body(aggp_ref, cntp_ref, x_ref, w1l_ref, w1r_ref, b1_ref, h_ref):
        agg = aggp_ref[0] + aggp_ref[1]
        cnt = jnp.sum(cntp_ref[...], axis=1)[:, None]
        mean = agg / jnp.maximum(cnt, 1.0)
        h_ref[...] = jnp.maximum(
            jnp.dot(mean, w1l_ref[...], preferred_element_type=jnp.float32)
            + jnp.dot(x_ref[...], w1r_ref[...],
                      preferred_element_type=jnp.float32)
            + b1_ref[...], 0.0)

    nsub = cntp.shape[1]
    return pl.pallas_call(
        body,
        grid=(nb,),
        in_specs=[
            pl.BlockSpec((2, _BR, D_FEAT), lambda i: (0, i, 0)),
            pl.BlockSpec((_BR, nsub), lambda i: (i, 0)),
            pl.BlockSpec((_BR, D_FEAT), lambda i: (i, 0)),
            pl.BlockSpec((D_FEAT, HIDDEN), lambda i: (0, 0)),
            pl.BlockSpec((D_FEAT, HIDDEN), lambda i: (0, 0)),
            pl.BlockSpec((1, HIDDEN), lambda i: (0, 0)),
        ],
        out_specs=pl.BlockSpec((_BR, HIDDEN), lambda i: (i, 0)),
        out_shape=jax.ShapeDtypeStruct((N_NODES, HIDDEN), jnp.float32),
    )(aggp, cntp, x, w1l, w1r, b1)


def _tc_final(agg2p, cntp, h, w2l, w2r, b2):
    nb = N_NODES // _BR

    def body(a2_ref, cntp_ref, h_ref, w2l_ref, w2r_ref, b2_ref, o_ref):
        s = a2_ref[0] + a2_ref[1]
        cnt = jnp.sum(cntp_ref[...], axis=1)[:, None]
        mean = s / jnp.maximum(cnt, 1.0)
        o_ref[...] = (
            jnp.dot(mean, w2l_ref[...], preferred_element_type=jnp.float32)
            + jnp.dot(h_ref[...], w2r_ref[...],
                      preferred_element_type=jnp.float32)
            + b2_ref[...])

    nsub = cntp.shape[1]
    return pl.pallas_call(
        body,
        grid=(nb,),
        in_specs=[
            pl.BlockSpec((2, _BR, HIDDEN), lambda i: (0, i, 0)),
            pl.BlockSpec((_BR, nsub), lambda i: (i, 0)),
            pl.BlockSpec((_BR, HIDDEN), lambda i: (i, 0)),
            pl.BlockSpec((HIDDEN, N_CLASSES), lambda i: (0, 0)),
            pl.BlockSpec((HIDDEN, N_CLASSES), lambda i: (0, 0)),
            pl.BlockSpec((1, N_CLASSES), lambda i: (0, 0)),
        ],
        out_specs=pl.BlockSpec((_BR, N_CLASSES), lambda i: (i, 0)),
        out_shape=jax.ShapeDtypeStruct((N_NODES, N_CLASSES), jnp.float32),
    )(agg2p, cntp, h, w2l, w2r, b2)


def kernel(x, edge_index, W1_l, W1_r, b1, W2_l, W2_r, b2):
    ei = edge_index.astype(jnp.int32).reshape(2 * N_EDGES)

    sc1 = _make_sc_segment_sum(D_FEAT, True)
    aggp, cntp = sc1(x, ei)
    cntp = cntp.reshape(-1, N_PAD).T

    h = _tc_mid(aggp, cntp, x, W1_l, W1_r, b1.reshape(1, -1))

    sc2 = _make_sc_segment_sum(HIDDEN, False)
    agg2p = sc2(h, ei)
    if isinstance(agg2p, (tuple, list)):
        agg2p = agg2p[0]

    return _tc_final(agg2p, cntp, h, W2_l, W2_r, b2.reshape(1, -1))

# --- scband reference (transcript-rebuilt; emitter-appended) ---
"""Pipeline reference for scband-graph-sage-32942399160960 (READ-ONLY COPY).

The authoritative reference and input builder live on the scoring server;
editing this copy changes nothing except your own understanding.
"""

import jax, jax.numpy as jnp
import numpy as np

N_NODES = 10000
N_EDGES = 320000
D_FEAT = 128
HIDDEN = 128
N_CLASSES = 40


def _glorot(key, shape):
    fan_in, fan_out = shape[0], shape[1]
    limit = np.sqrt(6.0 / (fan_in + fan_out))
    return jax.random.uniform(key, shape, dtype=jnp.float32, minval=-limit, maxval=limit)


def setup_inputs(seed: int = 0) -> dict:
    key = jax.random.key(seed)
    ks = jax.random.split(key, 10)
    x = jax.random.normal(ks[0], (N_NODES, D_FEAT), dtype=jnp.float32)
    edge_index = jax.random.randint(ks[1], (2, N_EDGES), 0, N_NODES, dtype=jnp.int64 if jax.config.jax_enable_x64 else jnp.int32)
    W1_l = _glorot(ks[2], (D_FEAT, HIDDEN))
    W1_r = _glorot(ks[3], (D_FEAT, HIDDEN))
    b1 = jnp.zeros((HIDDEN,), dtype=jnp.float32)
    W2_l = _glorot(ks[4], (HIDDEN, N_CLASSES))
    W2_r = _glorot(ks[5], (HIDDEN, N_CLASSES))
    b2 = jnp.zeros((N_CLASSES,), dtype=jnp.float32)
    return {"x": x, "edge_index": edge_index, "W1_l": W1_l, "W1_r": W1_r, "b1": b1, "W2_l": W2_l, "W2_r": W2_r, "b2": b2}


def _sage_conv(x, edge_index, W_l, W_r, b):
    # PyG SAGEConv with mean aggregation:
    #   out = lin_l(mean_{j in N(i)} x_j) + lin_r(x_i)
    src = edge_index[0]
    dst = edge_index[1]
    n = x.shape[0]
    msgs = jnp.take(x, src, axis=0)                      # gather [E, d]
    agg = jax.ops.segment_sum(msgs, dst, num_segments=n)  # scatter-add [N, d]
    cnt = jax.ops.segment_sum(jnp.ones((src.shape[0],), dtype=x.dtype), dst, num_segments=n)
    agg = agg / jnp.maximum(cnt, 1.0)[:, None]            # mean
    return agg @ W_l + x @ W_r + b


def reference(x, edge_index, W1_l, W1_r, b1, W2_l, W2_r, b2):
    h = _sage_conv(x, edge_index, W1_l, W1_r, b1)
    h = jax.nn.relu(h)
    # dropout is identity in eval mode
    out = _sage_conv(h, edge_index, W2_l, W2_r, b2)
    return out

if __name__ == "__main__":
    import jax
    _d = setup_inputs()
    print(jax.jit(kernel)(*tuple(_d.values())))

</pallas_src>

<mosaic_0001>
#map = affine_map<(d0, d1) -> (0, 0)>
#map1 = affine_map<(d0, d1) -> (0)>
#map2 = affine_map<(d0, d1) -> (0, 0, 0)>
module attributes {stable_mosaic.version = 14 : i64} {
  func.func @k(%arg0: i32, %arg1: i32, %arg2: memref<10000x128xf32, #tpu.memory_space<hbm>>, %arg3: memref<640000xi32, #tpu.memory_space<hbm>>, %arg4: memref<2x10240x128xf32, #tpu.memory_space<hbm>>, %arg5: memref<80x128xf32, #tpu.memory_space<vmem>>, %arg6: memref<80x128xf32, #tpu.memory_space<vmem>>, %arg7: memref<80x128xf32, #tpu.memory_space<vmem>>, %arg8: memref<80xi32, #tpu.memory_space<vmem>>, %arg9: memref<80xi32, #tpu.memory_space<vmem>>, %arg10: memref<80xi32, #tpu.memory_space<vmem>>, %arg11: memref<80xi32, #tpu.memory_space<vmem>>, %arg12: memref<80xi32, #tpu.memory_space<vmem>>, %arg13: memref<80xi32, #tpu.memory_space<vmem>>, %arg14: memref<10240x128xf32, #tpu.memory_space<vmem_shared>>, %arg15: memref<!tpu.dma_semaphore, #tpu.memory_space<semaphore_mem>>, %arg16: memref<!tpu.dma_semaphore, #tpu.memory_space<semaphore_mem>>, %arg17: memref<!tpu.dma_semaphore, #tpu.memory_space<semaphore_mem>>, %arg18: memref<!tpu.dma_semaphore, #tpu.memory_space<semaphore_mem>>, %arg19: memref<!tpu.dma_semaphore, #tpu.memory_space<semaphore_mem>>, %arg20: memref<!tpu.dma_semaphore, #tpu.memory_space<semaphore_mem>>, %arg21: memref<!tpu.dma_semaphore, #tpu.memory_space<semaphore_mem>>, %arg22: memref<!tpu.dma_semaphore, #tpu.memory_space<semaphore_mem>>, %arg23: memref<!tpu.dma_semaphore, #tpu.memory_space<semaphore_mem>>, %arg24: memref<!tpu.dma_semaphore, #tpu.memory_space<semaphore_mem>>, %arg25: memref<!tpu.dma_semaphore, #tpu.memory_space<semaphore_mem>>, %arg26: memref<!tpu.dma_semaphore, #tpu.memory_space<semaphore_mem>>) attributes {dimension_semantics = [#tpu.dimension_semantics<core_parallel>, #tpu.dimension_semantics<subcore_parallel>], iteration_bounds = array<i64: 2, 16>, scalar_prefetch = 0 : i64, scratch_operands = 22 : i64, tpu.core_type = #tpu.core_type<sc_vector_subcore>, window_params = [{transform_indices = #map}, {transform_indices = #map1}, {transform_indices = #map2}]} {
    %mul3A = arith.constant 2 : i32
    %mul3A_0 = arith.muli %arg1, %mul3A : i32
    %add3A = arith.addi %mul3A_0, %arg0 : i32
    %mul3A_1 = arith.constant 640 : i32
    %mul3A_2 = arith.muli %arg1, %mul3A_1 : i32
    %mul3A_3 = arith.constant 10000 : i32
    %mul3A_4 = arith.muli %add3A, %mul3A_3 : i32
    %scan3A = arith.constant 0 : i32
    %scan3A_5 = arith.constant 0 : i32
    %scan3A_6 = arith.constant 640 : i32
    %scan3A_7 = arith.addi %scan3A_5, %scan3A_6 : i32
    %scan3A_8 = arith.constant 1 : i32
    scf.for %scan3A_215 = %scan3A_5 to %scan3A_7 step %scan3A_8  : i32 {
      %broadcast_in_dim3A = arith.constant 0.000000e+00 : f32
      %broadcast_in_dim3A_216 = vector.broadcast %broadcast_in_dim3A : f32 to vector<16xf32>
      %jit3A = arith.constant 8 : i32
      %div3A = arith.divsi %scan3A_215, %jit3A : i32
      %sign3A = arith.constant 0 : i32
      %sign3A_217 = arith.cmpi sgt, %scan3A_215, %sign3A : i32
      %sign3A_218 = arith.extui %sign3A_217 : i1 to i32
      %sign3A_219 = arith.constant 0 : i32
      %sign3A_220 = arith.cmpi slt, %scan3A_215, %sign3A_219 : i32
      %sign3A_221 = arith.extui %sign3A_220 : i1 to i32
      %sign3A_222 = arith.subi %sign3A_218, %sign3A_221 : i32
      %sign3A_223 = arith.constant 0 : i32
      %sign3A_224 = arith.cmpi sgt, %jit3A, %sign3A_223 : i32
      %sign3A_225 = arith.extui %sign3A_224 : i1 to i32
      %sign3A_226 = arith.constant 0 : i32
      %sign3A_227 = arith.cmpi slt, %jit3A, %sign3A_226 : i32
      %sign3A_228 = arith.extui %sign3A_227 : i1 to i32
      %sign3A_229 = arith.subi %sign3A_225, %sign3A_228 : i32
      %ne3A = arith.cmpi ne, %sign3A_222, %sign3A_229 : i32
      %rem3A = arith.remsi %scan3A_215, %jit3A : i32
      %ne3A_230 = arith.constant 0 : i32
      %ne3A_231 = arith.cmpi ne, %rem3A, %ne3A_230 : i32
      %and3A = arith.andi %ne3A, %ne3A_231 : i1
      %sub3A = arith.constant 1 : i32
      %sub3A_232 = arith.subi %div3A, %sub3A : i32
      %select_n3A = arith.select %and3A, %sub3A_232, %div3A : i32
      %jit3A_233 = arith.constant 8 : i32
      %eq3A = arith.constant 0 : i32
      %eq3A_234 = arith.cmpi eq, %jit3A_233, %eq3A : i32
      %jit3A_235 = arith.constant 1 : i32
      %select_n3A_236 = arith.select %eq3A_234, %jit3A_235, %jit3A_233 : i32
      %rem3A_237 = arith.remsi %scan3A_215, %select_n3A_236 : i32
      %ne3A_238 = arith.constant 0 : i32
      %ne3A_239 = arith.cmpi ne, %rem3A_237, %ne3A_238 : i32
      %lt3A = arith.constant 0 : i32
      %lt3A_240 = arith.cmpi slt, %rem3A_237, %lt3A : i32
      %lt3A_241 = arith.constant 0 : i32
      %lt3A_242 = arith.cmpi slt, %select_n3A_236, %lt3A_241 : i32
      %ne3A_243 = arith.xori %lt3A_240, %lt3A_242 : i1
      %and3A_244 = arith.andi %ne3A_243, %ne3A_239 : i1
      %add3A_245 = arith.addi %rem3A_237, %select_n3A_236 : i32
      %select_n3A_246 = arith.select %and3A_244, %add3A_245, %rem3A_237 : i32
      %mul3A_247 = arith.constant 16 : i32
      %mul3A_248 = arith.muli %select_n3A_246, %mul3A_247 : i32
      %swap3A = arith.index_cast %select_n3A : i32 to index
      %swap3A_249 = arith.index_cast %mul3A_248 : i32 to index
      %swap3A_250 = tpu.vector_load %arg5[%swap3A, %swap3A_249] {strides = array<i32>} : memref<80x128xf32, #tpu.memory_space<vmem>>, vector<16xf32>,
      tpu.vector_store %arg5[%swap3A, %swap3A_249], %broadcast_in_dim3A_216 {strides = array<i32>} : memref<80x128xf32, #tpu.memory_space<vmem>>, vector<16xf32>,
    }
    %scan3A_9 = arith.constant 640 : i32
    %add3A_10 = arith.constant 0 : i32
    %add3A_11 = arith.addi %mul3A_2, %add3A_10 : i32
    "tpu.region"() ({
      %run_scoped3A = tpu.sem_alloc : memref<!tpu.dma_semaphore, #tpu.memory_space<semaphore_mem>>
      %dma_start3A_215 = arith.constant 0 : i32
      %dma_start3A_216 = tpu.memref_slice %arg14[%add3A_11, %dma_start3A_215] : memref<10240x128xf32, #tpu.memory_space<vmem_shared>> -> memref<80x128xf32, #tpu.memory_space<vmem_shared>>
      %dma_start3A_217 = arith.constant 0 : i32
      %dma_start3A_218 = tpu.memref_slice %arg14[%add3A_11, %dma_start3A_217] : memref<10240x128xf32, #tpu.memory_space<vmem_shared>> -> memref<80x128xf32, #tpu.memory_space<vmem_shared>>
      tpu.enqueue_dma source(%arg5 : memref<80x128xf32, #tpu.memory_space<vmem>>) target(%dma_start3A_218 : memref<80x128xf32, #tpu.memory_space<vmem_shared>>) target_semaphore(%run_scoped3A : memref<!tpu.dma_semaphore, #tpu.memory_space<semaphore_mem>>)
      %dma_wait3A_219 = arith.constant 0 : i32
      %dma_wait3A_220 = tpu.memref_slice %arg14[%add3A_11, %dma_wait3A_219] : memref<10240x128xf32, #tpu.memory_space<vmem_shared>> -> memref<80x128xf32, #tpu.memory_space<vmem_shared>>
      %dma_wait3A_221 = arith.constant 0 : i32
      %dma_wait3A_222 = tpu.memref_slice %arg14[%add3A_11, %dma_wait3A_221] : memref<10240x128xf32, #tpu.memory_space<vmem_shared>> -> memref<80x128xf32, #tpu.memory_space<vmem_shared>>
      tpu.wait_dma2 semaphore(%run_scoped3A : memref<!tpu.dma_semaphore, #tpu.memory_space<semaphore_mem>>) src(%arg5 : memref<80x128xf32, #tpu.memory_space<vmem>>) dst(%dma_wait3A_222 : memref<80x128xf32, #tpu.memory_space<vmem_shared>>)
      tpu.yield
    }) : () -> ()
    %add3A_12 = arith.constant 80 : i32
    %add3A_13 = arith.addi %mul3A_2, %add3A_12 : i32
    "tpu.region"() ({
      %run_scoped3A = tpu.sem_alloc : memref<!tpu.dma_semaphore, #tpu.memory_space<semaphore_mem>>
      %dma_start3A_215 = arith.constant 0 : i32
      %dma_start3A_216 = tpu.memref_slice %arg14[%add3A_13, %dma_start3A_215] : memref<10240x128xf32, #tpu.memory_space<vmem_shared>> -> memref<80x128xf32, #tpu.memory_space<vmem_shared>>
      %dma_start3A_217 = arith.constant 0 : i32
      %dma_start3A_218 = tpu.memref_slice %arg14[%add3A_13, %dma_start3A_217] : memref<10240x128xf32, #tpu.memory_space<vmem_shared>> -> memref<80x128xf32, #tpu.memory_space<vmem_shared>>
      tpu.enqueue_dma source(%arg5 : memref<80x128xf32, #tpu.memory_space<vmem>>) target(%dma_start3A_218 : memref<80x128xf32, #tpu.memory_space<vmem_shared>>) target_semaphore(%run_scoped3A : memref<!tpu.dma_semaphore, #tpu.memory_space<semaphore_mem>>)
      %dma_wait3A_219 = arith.constant 0 : i32
      %dma_wait3A_220 = tpu.memref_slice %arg14[%add3A_13, %dma_wait3A_219] : memref<10240x128xf32, #tpu.memory_space<vmem_shared>> -> memref<80x128xf32, #tpu.memory_space<vmem_shared>>
      %dma_wait3A_221 = arith.constant 0 : i32
      %dma_wait3A_222 = tpu.memref_slice %arg14[%add3A_13, %dma_wait3A_221] : memref<10240x128xf32, #tpu.memory_space<vmem_shared>> -> memref<80x128xf32, #tpu.memory_space<vmem_shared>>
      tpu.wait_dma2 semaphore(%run_scoped3A : memref<!tpu.dma_semaphore, #tpu.memory_space<semaphore_mem>>) src(%arg5 : memref<80x128xf32, #tpu.memory_space<vmem>>) dst(%dma_wait3A_222 : memref<80x128xf32, #tpu.memory_space<vmem_shared>>)
      tpu.yield
    }) : () -> ()
    %add3A_14 = arith.constant 160 : i32
    %add3A_15 = arith.addi %mul3A_2, %add3A_14 : i32
    "tpu.region"() ({
      %run_scoped3A = tpu.sem_alloc : memref<!tpu.dma_semaphore, #tpu.memory_space<semaphore_mem>>
      %dma_start3A_215 = arith.constant 0 : i32
      %dma_start3A_216 = tpu.memref_slice %arg14[%add3A_15, %dma_start3A_215] : memref<10240x128xf32, #tpu.memory_space<vmem_shared>> -> memref<80x128xf32, #tpu.memory_space<vmem_shared>>
      %dma_start3A_217 = arith.constant 0 : i32
      %dma_start3A_218 = tpu.memref_slice %arg14[%add3A_15, %dma_start3A_217] : memref<10240x128xf32, #tpu.memory_space<vmem_shared>> -> memref<80x128xf32, #tpu.memory_space<vmem_shared>>
      tpu.enqueue_dma source(%arg5 : memref<80x128xf32, #tpu.memory_space<vmem>>) target(%dma_start3A_218 : memref<80x128xf32, #tpu.memory_space<vmem_shared>>) target_semaphore(%run_scoped3A : memref<!tpu.dma_semaphore, #tpu.memory_space<semaphore_mem>>)
      %dma_wait3A_219 = arith.constant 0 : i32
      %dma_wait3A_220 = tpu.memref_slice %arg14[%add3A_15, %dma_wait3A_219] : memref<10240x128xf32, #tpu.memory_space<vmem_shared>> -> memref<80x128xf32, #tpu.memory_space<vmem_shared>>
      %dma_wait3A_221 = arith.constant 0 : i32
      %dma_wait3A_222 = tpu.memref_slice %arg14[%add3A_15, %dma_wait3A_221] : memref<10240x128xf32, #tpu.memory_space<vmem_shared>> -> memref<80x128xf32, #tpu.memory_space<vmem_shared>>
      tpu.wait_dma2 semaphore(%run_scoped3A : memref<!tpu.dma_semaphore, #tpu.memory_space<semaphore_mem>>) src(%arg5 : memref<80x128xf32, #tpu.memory_space<vmem>>) dst(%dma_wait3A_222 : memref<80x128xf32, #tpu.memory_space<vmem_shared>>)
      tpu.yield
    }) : () -> ()
    %add3A_16 = arith.constant 240 : i32
    %add3A_17 = arith.addi %mul3A_2, %add3A_16 : i32
    "tpu.region"() ({
      %run_scoped3A = tpu.sem_alloc : memref<!tpu.dma_semaphore, #tpu.memory_space<semaphore_mem>>
      %dma_start3A_215 = arith.constant 0 : i32
      %dma_start3A_216 = tpu.memref_slice %arg14[%add3A_17, %dma_start3A_215] : memref<10240x128xf32, #tpu.memory_space<vmem_shared>> -> memref<80x128xf32, #tpu.memory_space<vmem_shared>>
      %dma_start3A_217 = arith.constant 0 : i32
      %dma_start3A_218 = tpu.memref_slice %arg14[%add3A_17, %dma_start3A_217] : memref<10240x128xf32, #tpu.memory_space<vmem_shared>> -> memref<80x128xf32, #tpu.memory_space<vmem_shared>>
      tpu.enqueue_dma source(%arg5 : memref<80x128xf32, #tpu.memory_space<vmem>>) target(%dma_start3A_218 : memref<80x128xf32, #tpu.memory_space<vmem_shared>>) target_semaphore(%run_scoped3A : memref<!tpu.dma_semaphore, #tpu.memory_space<semaphore_mem>>)
      %dma_wait3A_219 = arith.constant 0 : i32
      %dma_wait3A_220 = tpu.memref_slice %arg14[%add3A_17, %dma_wait3A_219] : memref<10240x128xf32, #tpu.memory_space<vmem_shared>> -> memref<80x128xf32, #tpu.memory_space<vmem_shared>>
      %dma_wait3A_221 = arith.constant 0 : i32
      %dma_wait3A_222 = tpu.memref_slice %arg14[%add3A_17, %dma_wait3A_221] : memref<10240x128xf32, #tpu.memory_space<vmem_shared>> -> memref<80x128xf32, #tpu.memory_space<vmem_shared>>
      tpu.wait_dma2 semaphore(%run_scoped3A : memref<!tpu.dma_semaphore, #tpu.memory_space<semaphore_mem>>) src(%arg5 : memref<80x128xf32, #tpu.memory_space<vmem>>) dst(%dma_wait3A_222 : memref<80x128xf32, #tpu.memory_space<vmem_shared>>)
      tpu.yield
    }) : () -> ()
    %add3A_18 = arith.constant 320 : i32
    %add3A_19 = arith.addi %mul3A_2, %add3A_18 : i32
    "tpu.region"() ({
      %run_scoped3A = tpu.sem_alloc : memref<!tpu.dma_semaphore, #tpu.memory_space<semaphore_mem>>
      %dma_start3A_215 = arith.constant 0 : i32
      %dma_start3A_216 = tpu.memref_slice %arg14[%add3A_19, %dma_start3A_215] : memref<10240x128xf32, #tpu.memory_space<vmem_shared>> -> memref<80x128xf32, #tpu.memory_space<vmem_shared>>
      %dma_start3A_217 = arith.constant 0 : i32
      %dma_start3A_218 = tpu.memref_slice %arg14[%add3A_19, %dma_start3A_217] : memref<10240x128xf32, #tpu.memory_space<vmem_shared>> -> memref<80x128xf32, #tpu.memory_space<vmem_shared>>
      tpu.enqueue_dma source(%arg5 : memref<80x128xf32, #tpu.memory_space<vmem>>) target(%dma_start3A_218 : memref<80x128xf32, #tpu.memory_space<vmem_shared>>) target_semaphore(%run_scoped3A : memref<!tpu.dma_semaphore, #tpu.memory_space<semaphore_mem>>)
      %dma_wait3A_219 = arith.constant 0 : i32
      %dma_wait3A_220 = tpu.memref_slice %arg14[%add3A_19, %dma_wait3A_219] : memref<10240x128xf32, #tpu.memory_space<vmem_shared>> -> memref<80x128xf32, #tpu.memory_space<vmem_shared>>
      %dma_wait3A_221 = arith.constant 0 : i32
      %dma_wait3A_222 = tpu.memref_slice %arg14[%add3A_19, %dma_wait3A_221] : memref<10240x128xf32, #tpu.memory_space<vmem_shared>> -> memref<80x128xf32, #tpu.memory_space<vmem_shared>>
      tpu.wait_dma2 semaphore(%run_scoped3A : memref<!tpu.dma_semaphore, #tpu.memory_space<semaphore_mem>>) src(%arg5 : memref<80x128xf32, #tpu.memory_space<vmem>>) dst(%dma_wait3A_222 : memref<80x128xf32, #tpu.memory_space<vmem_shared>>)
      tpu.yield
    }) : () -> ()
    %add3A_20 = arith.constant 400 : i32
    %add3A_21 = arith.addi %mul3A_2, %add3A_20 : i32
    "tpu.region"() ({
      %run_scoped3A = tpu.sem_alloc : memref<!tpu.dma_semaphore, #tpu.memory_space<semaphore_mem>>
      %dma_start3A_215 = arith.constant 0 : i32
      %dma_start3A_216 = tpu.memref_slice %arg14[%add3A_21, %dma_start3A_215] : memref<10240x128xf32, #tpu.memory_space<vmem_shared>> -> memref<80x128xf32, #tpu.memory_space<vmem_shared>>
      %dma_start3A_217 = arith.constant 0 : i32
      %dma_start3A_218 = tpu.memref_slice %arg14[%add3A_21, %dma_start3A_217] : memref<10240x128xf32, #tpu.memory_space<vmem_shared>> -> memref<80x128xf32, #tpu.memory_space<vmem_shared>>
      tpu.enqueue_dma source(%arg5 : memref<80x128xf32, #tpu.memory_space<vmem>>) target(%dma_start3A_218 : memref<80x128xf32, #tpu.memory_space<vmem_shared>>) target_semaphore(%run_scoped3A : memref<!tpu.dma_semaphore, #tpu.memory_space<semaphore_mem>>)
      %dma_wait3A_219 = arith.constant 0 : i32
      %dma_wait3A_220 = tpu.memref_slice %arg14[%add3A_21, %dma_wait3A_219] : memref<10240x128xf32, #tpu.memory_space<vmem_shared>> -> memref<80x128xf32, #tpu.memory_space<vmem_shared>>
      %dma_wait3A_221 = arith.constant 0 : i32
      %dma_wait3A_222 = tpu.memref_slice %arg14[%add3A_21, %dma_wait3A_221] : memref<10240x128xf32, #tpu.memory_space<vmem_shared>> -> memref<80x128xf32, #tpu.memory_space<vmem_shared>>
      tpu.wait_dma2 semaphore(%run_scoped3A : memref<!tpu.dma_semaphore, #tpu.memory_space<semaphore_mem>>) src(%arg5 : memref<80x128xf32, #tpu.memory_space<vmem>>) dst(%dma_wait3A_222 : memref<80x128xf32, #tpu.memory_space<vmem_shared>>)
      tpu.yield
    }) : () -> ()
    %add3A_22 = arith.constant 480 : i32
    %add3A_23 = arith.addi %mul3A_2, %add3A_22 : i32
    "tpu.region"() ({
      %run_scoped3A = tpu.sem_alloc : memref<!tpu.dma_semaphore, #tpu.memory_space<semaphore_mem>>
      %dma_start3A_215 = arith.constant 0 : i32
      %dma_start3A_216 = tpu.memref_slice %arg14[%add3A_23, %dma_start3A_215] : memref<10240x128xf32, #tpu.memory_space<vmem_shared>> -> memref<80x128xf32, #tpu.memory_space<vmem_shared>>
      %dma_start3A_217 = arith.constant 0 : i32
      %dma_start3A_218 = tpu.memref_slice %arg14[%add3A_23, %dma_start3A_217] : memref<10240x128xf32, #tpu.memory_space<vmem_shared>> -> memref<80x128xf32, #tpu.memory_space<vmem_shared>>
      tpu.enqueue_dma source(%arg5 : memref<80x128xf32, #tpu.memory_space<vmem>>) target(%dma_start3A_218 : memref<80x128xf32, #tpu.memory_space<vmem_shared>>) target_semaphore(%run_scoped3A : memref<!tpu.dma_semaphore, #tpu.memory_space<semaphore_mem>>)
      %dma_wait3A_219 = arith.constant 0 : i32
      %dma_wait3A_220 = tpu.memref_slice %arg14[%add3A_23, %dma_wait3A_219] : memref<10240x128xf32, #tpu.memory_space<vmem_shared>> -> memref<80x128xf32, #tpu.memory_space<vmem_shared>>
      %dma_wait3A_221 = arith.constant 0 : i32
      %dma_wait3A_222 = tpu.memref_slice %arg14[%add3A_23, %dma_wait3A_221] : memref<10240x128xf32, #tpu.memory_space<vmem_shared>> -> memref<80x128xf32, #tpu.memory_space<vmem_shared>>
      tpu.wait_dma2 semaphore(%run_scoped3A : memref<!tpu.dma_semaphore, #tpu.memory_space<semaphore_mem>>) src(%arg5 : memref<80x128xf32, #tpu.memory_space<vmem>>) dst(%dma_wait3A_222 : memref<80x128xf32, #tpu.memory_space<vmem_shared>>)
      tpu.yield
    }) : () -> ()
    %add3A_24 = arith.constant 560 : i32
    %add3A_25 = arith.addi %mul3A_2, %add3A_24 : i32
    "tpu.region"() ({
      %run_scoped3A = tpu.sem_alloc : memref<!tpu.dma_semaphore, #tpu.memory_space<semaphore_mem>>
      %dma_start3A_215 = arith.constant 0 : i32
      %dma_start3A_216 = tpu.memref_slice %arg14[%add3A_25, %dma_start3A_215] : memref<10240x128xf32, #tpu.memory_space<vmem_shared>> -> memref<80x128xf32, #tpu.memory_space<vmem_shared>>
      %dma_start3A_217 = arith.constant 0 : i32
      %dma_start3A_218 = tpu.memref_slice %arg14[%add3A_25, %dma_start3A_217] : memref<10240x128xf32, #tpu.memory_space<vmem_shared>> -> memref<80x128xf32, #tpu.memory_space<vmem_shared>>
      tpu.enqueue_dma source(%arg5 : memref<80x128xf32, #tpu.memory_space<vmem>>) target(%dma_start3A_218 : memref<80x128xf32, #tpu.memory_space<vmem_shared>>) target_semaphore(%run_scoped3A : memref<!tpu.dma_semaphore, #tpu.memory_space<semaphore_mem>>)
      %dma_wait3A_219 = arith.constant 0 : i32
      %dma_wait3A_220 = tpu.memref_slice %arg14[%add3A_25, %dma_wait3A_219] : memref<10240x128xf32, #tpu.memory_space<vmem_shared>> -> memref<80x128xf32, #tpu.memory_space<vmem_shared>>
      %dma_wait3A_221 = arith.constant 0 : i32
      %dma_wait3A_222 = tpu.memref_slice %arg14[%add3A_25, %dma_wait3A_221] : memref<10240x128xf32, #tpu.memory_space<vmem_shared>> -> memref<80x128xf32, #tpu.memory_space<vmem_shared>>
      tpu.wait_dma2 semaphore(%run_scoped3A : memref<!tpu.dma_semaphore, #tpu.memory_space<semaphore_mem>>) src(%arg5 : memref<80x128xf32, #tpu.memory_space<vmem>>) dst(%dma_wait3A_222 : memref<80x128xf32, #tpu.memory_space<vmem_shared>>)
      tpu.yield
    }) : () -> ()
    %barrier3A = arith.constant 0 : index
    tpu.barrier barrier_id(%barrier3A)
    %add3A_26 = arith.constant 0 : i32
    %add3A_27 = arith.addi %mul3A_4, %add3A_26 : i32
    %multiple_of3A = tpu.assume_multiple %add3A_27, 8 : i32
    %dma_start3A = tpu.memref_slice %arg3[%multiple_of3A] : memref<640000xi32, #tpu.memory_space<hbm>> -> memref<80xi32, #tpu.memory_space<hbm>>
    %dma_start3A_28 = tpu.memref_slice %arg3[%multiple_of3A] : memref<640000xi32, #tpu.memory_space<hbm>> -> memref<80xi32, #tpu.memory_space<hbm>>
    tpu.enqueue_dma source(%dma_start3A_28 : memref<80xi32, #tpu.memory_space<hbm>>) target(%arg8 : memref<80xi32, #tpu.memory_space<vmem>>) target_semaphore(%arg18 : memref<!tpu.dma_semaphore, #tpu.memory_space<semaphore_mem>>)
    %add3A_29 = arith.constant 320000 : i32
    %add3A_30 = arith.addi %add3A_29, %mul3A_4 : i32
    %add3A_31 = arith.constant 0 : i32
    %add3A_32 = arith.addi %add3A_30, %add3A_31 : i32
    %multiple_of3A_33 = tpu.assume_multiple %add3A_32, 8 : i32
    %dma_start3A_34 = tpu.memref_slice %arg3[%multiple_of3A_33] : memref<640000xi32, #tpu.memory_space<hbm>> -> memref<80xi32, #tpu.memory_space<hbm>>
    %dma_start3A_35 = tpu.memref_slice %arg3[%multiple_of3A_33] : memref<640000xi32, #tpu.memory_space<hbm>> -> memref<80xi32, #tpu.memory_space<hbm>>
    tpu.enqueue_dma source(%dma_start3A_35 : memref<80xi32, #tpu.memory_space<hbm>>) target(%arg11 : memref<80xi32, #tpu.memory_space<vmem>>) target_semaphore(%arg21 : memref<!tpu.dma_semaphore, #tpu.memory_space<semaphore_mem>>)
    %add3A_36 = arith.constant 0 : i32
    %add3A_37 = arith.addi %mul3A_4, %add3A_36 : i32
    %multiple_of3A_38 = tpu.assume_multiple %add3A_37, 8 : i32
    %dma_wait3A = tpu.memref_slice %arg3[%multiple_of3A_38] : memref<640000xi32, #tpu.memory_space<hbm>> -> memref<80xi32, #tpu.memory_space<hbm>>
    %dma_wait3A_39 = tpu.memref_slice %arg3[%multiple_of3A_38] : memref<640000xi32, #tpu.memory_space<hbm>> -> memref<80xi32, #tpu.memory_space<hbm>>
    tpu.wait_dma2 semaphore(%arg18 : memref<!tpu.dma_semaphore, #tpu.memory_space<semaphore_mem>>) src(%dma_wait3A_39 : memref<80xi32, #tpu.memory_space<hbm>>) dst(%arg8 : memref<80xi32, #tpu.memory_space<vmem>>)
    %dma_start3A_40 = arith.constant 0 : i32
    %dma_start3A_41 = arith.constant 0 : i32
    %dma_start3A_42 = tpu.memref_slice %arg2[%dma_start3A_40, %dma_start3A_41] : memref<10000x128xf32, #tpu.memory_space<hbm>> -> memref<10000x128xf32, #tpu.memory_space<hbm>>
    tpu.enqueue_indirect_dma source(%dma_start3A_42 : memref<10000x128xf32, #tpu.memory_space<hbm>>) target(%arg5 : memref<80x128xf32, #tpu.memory_space<vmem>>) offsets(%arg8 : memref<80xi32, #tpu.memory_space<vmem>>) semaphore(%arg15 : memref<!tpu.dma_semaphore, #tpu.memory_space<semaphore_mem>>)
    %add3A_43 = arith.constant 80 : i32
    %add3A_44 = arith.addi %mul3A_4, %add3A_43 : i32
    %multiple_of3A_45 = tpu.assume_multiple %add3A_44, 8 : i32
    %dma_start3A_46 = tpu.memref_slice %arg3[%multiple_of3A_45] : memref<640000xi32, #tpu.memory_space<hbm>> -> memref<80xi32, #tpu.memory_space<hbm>>
    %dma_start3A_47 = tpu.memref_slice %arg3[%multiple_of3A_45] : memref<640000xi32, #tpu.memory_space<hbm>> -> memref<80xi32, #tpu.memory_space<hbm>>
    tpu.enqueue_dma source(%dma_start3A_47 : memref<80xi32, #tpu.memory_space<hbm>>) target(%arg9 : memref<80xi32, #tpu.memory_space<vmem>>) target_semaphore(%arg19 : memref<!tpu.dma_semaphore, #tpu.memory_space<semaphore_mem>>)
    %add3A_48 = arith.constant 320000 : i32
    %add3A_49 = arith.addi %add3A_48, %mul3A_4 : i32
    %add3A_50 = arith.constant 80 : i32
    %add3A_51 = arith.addi %add3A_49, %add3A_50 : i32
    %multiple_of3A_52 = tpu.assume_multiple %add3A_51, 8 : i32
    %dma_start3A_53 = tpu.memref_slice %arg3[%multiple_of3A_52] : memref<640000xi32, #tpu.memory_space<hbm>> -> memref<80xi32, #tpu.memory_space<hbm>>
    %dma_start3A_54 = tpu.memref_slice %arg3[%multiple_of3A_52] : memref<640000xi32, #tpu.memory_space<hbm>> -> memref<80xi32, #tpu.memory_space<hbm>>
    tpu.enqueue_dma source(%dma_start3A_54 : memref<80xi32, #tpu.memory_space<hbm>>) target(%arg12 : memref<80xi32, #tpu.memory_space<vmem>>) target_semaphore(%arg22 : memref<!tpu.dma_semaphore, #tpu.memory_space<semaphore_mem>>)
    %add3A_55 = arith.constant 80 : i32
    %add3A_56 = arith.addi %mul3A_4, %add3A_55 : i32
    %multiple_of3A_57 = tpu.assume_multiple %add3A_56, 8 : i32
    %dma_wait3A_58 = tpu.memref_slice %arg3[%multiple_of3A_57] : memref<640000xi32, #tpu.memory_space<hbm>> -> memref<80xi32, #tpu.memory_space<hbm>>
    %dma_wait3A_59 = tpu.memref_slice %arg3[%multiple_of3A_57] : memref<640000xi32, #tpu.memory_space<hbm>> -> memref<80xi32, #tpu.memory_space<hbm>>
    tpu.wait_dma2 semaphore(%arg19 : memref<!tpu.dma_semaphore, #tpu.memory_space<semaphore_mem>>) src(%dma_wait3A_59 : memref<80xi32, #tpu.memory_space<hbm>>) dst(%arg9 : memref<80xi32, #tpu.memory_space<vmem>>)
    %dma_start3A_60 = arith.constant 0 : i32
    %dma_start3A_61 = arith.constant 0 : i32
    %dma_start3A_62 = tpu.memref_slice %arg2[%dma_start3A_60, %dma_start3A_61] : memref<10000x128xf32, #tpu.memory_space<hbm>> -> memref<10000x128xf32, #tpu.memory_space<hbm>>
    tpu.enqueue_indirect_dma source(%dma_start3A_62 : memref<10000x128xf32, #tpu.memory_space<hbm>>) target(%arg6 : memref<80x128xf32, #tpu.memory_space<vmem>>) offsets(%arg9 : memref<80xi32, #tpu.memory_space<vmem>>) semaphore(%arg16 : memref<!tpu.dma_semaphore, #tpu.memory_space<semaphore_mem>>)
    %add3A_63 = arith.constant 160 : i32
    %add3A_64 = arith.addi %mul3A_4, %add3A_63 : i32
    %multiple_of3A_65 = tpu.assume_multiple %add3A_64, 8 : i32
    %dma_start3A_66 = tpu.memref_slice %arg3[%multiple_of3A_65] : memref<640000xi32, #tpu.memory_space<hbm>> -> memref<80xi32, #tpu.memory_space<hbm>>
    %dma_start3A_67 = tpu.memref_slice %arg3[%multiple_of3A_65] : memref<640000xi32, #tpu.memory_space<hbm>> -> memref<80xi32, #tpu.memory_space<hbm>>
    tpu.enqueue_dma source(%dma_start3A_67 : memref<80xi32, #tpu.memory_space<hbm>>) target(%arg10 : memref<80xi32, #tpu.memory_space<vmem>>) target_semaphore(%arg20 : memref<!tpu.dma_semaphore, #tpu.memory_space<semaphore_mem>>)
    %dma_wait3A_68 = arith.constant 0 : i32
    %dma_wait3A_69 = arith.constant 0 : i32
    %dma_wait3A_70 = tpu.memref_slice %arg2[%dma_wait3A_68, %dma_wait3A_69] : memref<10000x128xf32, #tpu.memory_space<hbm>> -> memref<10000x128xf32, #tpu.memory_space<hbm>>
    tpu.wait_indirect_dma semaphore(%arg15 : memref<!tpu.dma_semaphore, #tpu.memory_space<semaphore_mem>>) src(%dma_wait3A_70 : memref<10000x128xf32, #tpu.memory_space<hbm>>) dst(%arg5 : memref<80x128xf32, #tpu.memory_space<vmem>>)
    %add3A_71 = arith.constant 320000 : i32
    %add3A_72 = arith.addi %add3A_71, %mul3A_4 : i32
    %add3A_73 = arith.constant 0 : i32
    %add3A_74 = arith.addi %add3A_72, %add3A_73 : i32
    %multiple_of3A_75 = tpu.assume_multiple %add3A_74, 8 : i32
    %dma_wait3A_76 = tpu.memref_slice %arg3[%multiple_of3A_75] : memref<640000xi32, #tpu.memory_space<hbm>> -> memref<80xi32, #tpu.memory_space<hbm>>
    %dma_wait3A_77 = tpu.memref_slice %arg3[%multiple_of3A_75] : memref<640000xi32, #tpu.memory_space<hbm>> -> memref<80xi32, #tpu.memory_space<hbm>>
    tpu.wait_dma2 semaphore(%arg21 : memref<!tpu.dma_semaphore, #tpu.memory_space<semaphore_mem>>) src(%dma_wait3A_77 : memref<80xi32, #tpu.memory_space<hbm>>) dst(%arg11 : memref<80xi32, #tpu.memory_space<vmem>>)
    %dma_start3A_78 = arith.constant 0 : i32
    %dma_start3A_79 = arith.constant 0 : i32
    %dma_start3A_80 = tpu.memref_slice %arg14[%dma_start3A_78, %dma_start3A_79] : memref<10240x128xf32, #tpu.memory_space<vmem_shared>> -> memref<10240x128xf32, #tpu.memory_space<vmem_shared>>
    tpu.enqueue_indirect_dma source(%arg5 : memref<80x128xf32, #tpu.memory_space<vmem>>) target(%dma_start3A_80 : memref<10240x128xf32, #tpu.memory_space<vmem_shared>>) offsets(%arg11 : memref<80xi32, #tpu.memory_space<vmem>>) semaphore(%arg24 : memref<!tpu.dma_semaphore, #tpu.memory_space<semaphore_mem>>) {add = true}
    %add3A_81 = arith.constant 240 : i32
    %add3A_82 = arith.addi %mul3A_4, %add3A_81 : i32
    %multiple_of3A_83 = tpu.assume_multiple %add3A_82, 8 : i32
    %dma_start3A_84 = tpu.memref_slice %arg3[%multiple_of3A_83] : memref<640000xi32, #tpu.memory_space<hbm>> -> memref<80xi32, #tpu.memory_space<hbm>>
    %dma_start3A_85 = tpu.memref_slice %arg3[%multiple_of3A_83] : memref<640000xi32, #tpu.memory_space<hbm>> -> memref<80xi32, #tpu.memory_space<hbm>>
    tpu.enqueue_dma source(%dma_start3A_85 : memref<80xi32, #tpu.memory_space<hbm>>) target(%arg8 : memref<80xi32, #tpu.memory_space<vmem>>) target_semaphore(%arg18 : memref<!tpu.dma_semaphore, #tpu.memory_space<semaphore_mem>>)
    %add3A_86 = arith.constant 320000 : i32
    %add3A_87 = arith.addi %add3A_86, %mul3A_4 : i32
    %add3A_88 = arith.constant 160 : i32
    %add3A_89 = arith.addi %add3A_87, %add3A_88 : i32
    %multiple_of3A_90 = tpu.assume_multiple %add3A_89, 8 : i32
    %dma_start3A_91 = tpu.memref_slice %arg3[%multiple_of3A_90] : memref<640000xi32, #tpu.memory_space<hbm>> -> memref<80xi32, #tpu.memory_space<hbm>>
    %dma_start3A_92 = tpu.memref_slice %arg3[%multiple_of3A_90] : memref<640000xi32, #tpu.memory_space<hbm>> -> memref<80xi32, #tpu.memory_space<hbm>>
    tpu.enqueue_dma source(%dma_start3A_92 : memref<80xi32, #tpu.memory_space<hbm>>) target(%arg13 : memref<80xi32, #tpu.memory_space<vmem>>) target_semaphore(%arg23 : memref<!tpu.dma_semaphore, #tpu.memory_space<semaphore_mem>>)
    %add3A_93 = arith.constant 160 : i32
    %add3A_94 = arith.addi %mul3A_4, %add3A_93 : i32
    %multiple_of3A_95 = tpu.assume_multiple %add3A_94, 8 : i32
    %dma_wait3A_96 = tpu.memref_slice %arg3[%multiple_of3A_95] : memref<640000xi32, #tpu.memory_space<hbm>> -> memref<80xi32, #tpu.memory_space<hbm>>
    %dma_wait3A_97 = tpu.memref_slice %arg3[%multiple_of3A_95] : memref<640000xi32, #tpu.memory_space<hbm>> -> memref<80xi32, #tpu.memory_space<hbm>>
    tpu.wait_dma2 semaphore(%arg20 : memref<!tpu.dma_semaphore, #tpu.memory_space<semaphore_mem>>) src(%dma_wait3A_97 : memref<80xi32, #tpu.memory_space<hbm>>) dst(%arg10 : memref<80xi32, #tpu.memory_space<vmem>>)
    %dma_wait3A_98 = arith.constant 0 : i32
    %dma_wait3A_99 = arith.constant 0 : i32
    %dma_wait3A_100 = tpu.memref_slice %arg14[%dma_wait3A_98, %dma_wait3A_99] : memref<10240x128xf32, #tpu.memory_space<vmem_shared>> -> memref<10240x128xf32, #tpu.memory_space<vmem_shared>>
    tpu.wait_indirect_dma semaphore(%arg24 : memref<!tpu.dma_semaphore, #tpu.memory_space<semaphore_mem>>) src(%arg5 : memref<80x128xf32, #tpu.memory_space<vmem>>) dst(%dma_wait3A_100 : memref<10240x128xf32, #tpu.memory_space<vmem_shared>>)
    %dma_start3A_101 = arith.constant 0 : i32
    %dma_start3A_102 = arith.constant 0 : i32
    %dma_start3A_103 = tpu.memref_slice %arg2[%dma_start3A_101, %dma_start3A_102] : memref<10000x128xf32, #tpu.memory_space<hbm>> -> memref<10000x128xf32, #tpu.memory_space<hbm>>
    tpu.enqueue_indirect_dma source(%dma_start3A_103 : memref<10000x128xf32, #tpu.memory_space<hbm>>) target(%arg7 : memref<80x128xf32, #tpu.memory_space<vmem>>) offsets(%arg10 : memref<80xi32, #tpu.memory_space<vmem>>) semaphore(%arg17 : memref<!tpu.dma_semaphore, #tpu.memory_space<semaphore_mem>>)
    %dma_wait3A_104 = arith.constant 0 : i32
    %dma_wait3A_105 = arith.constant 0 : i32
    %dma_wait3A_106 = tpu.memref_slice %arg2[%dma_wait3A_104, %dma_wait3A_105] : memref<10000x128xf32, #tpu.memory_space<hbm>> -> memref<10000x128xf32, #tpu.memory_space<hbm>>
    tpu.wait_indirect_dma semaphore(%arg16 : memref<!tpu.dma_semaphore, #tpu.memory_space<semaphore_mem>>) src(%dma_wait3A_106 : memref<10000x128xf32, #tpu.memory_space<hbm>>) dst(%arg6 : memref<80x128xf32, #tpu.memory_space<vmem>>)
    %add3A_107 = arith.constant 320000 : i32
    %add3A_108 = arith.addi %add3A_107, %mul3A_4 : i32
    %add3A_109 = arith.constant 80 : i32
    %add3A_110 = arith.addi %add3A_108, %add3A_109 : i32
    %multiple_of3A_111 = tpu.assume_multiple %add3A_110, 8 : i32
    %dma_wait3A_112 = tpu.memref_slice %arg3[%multiple_of3A_111] : memref<640000xi32, #tpu.memory_space<hbm>> -> memref<80xi32, #tpu.memory_space<hbm>>
    %dma_wait3A_113 = tpu.memref_slice %arg3[%multiple_of3A_111] : memref<640000xi32, #tpu.memory_space<hbm>> -> memref<80xi32, #tpu.memory_space<hbm>>
    tpu.wait_dma2 semaphore(%arg22 : memref<!tpu.dma_semaphore, #tpu.memory_space<semaphore_mem>>) src(%dma_wait3A_113 : memref<80xi32, #tpu.memory_space<hbm>>) dst(%arg12 : memref<80xi32, #tpu.memory_space<vmem>>)
    %dma_start3A_114 = arith.constant 0 : i32
    %dma_start3A_115 = arith.constant 0 : i32
    %dma_start3A_116 = tpu.memref_slice %arg14[%dma_start3A_114, %dma_start3A_115] : memref<10240x128xf32, #tpu.memory_space<vmem_shared>> -> memref<10240x128xf32, #tpu.memory_space<vmem_shared>>
    tpu.enqueue_indirect_dma source(%arg6 : memref<80x128xf32, #tpu.memory_space<vmem>>) target(%dma_start3A_116 : memref<10240x128xf32, #tpu.memory_space<vmem_shared>>) offsets(%arg12 : memref<80xi32, #tpu.memory_space<vmem>>) semaphore(%arg25 : memref<!tpu.dma_semaphore, #tpu.memory_space<semaphore_mem>>) {add = true}
    %add3A_117 = arith.constant 320 : i32
    %add3A_118 = arith.addi %mul3A_4, %add3A_117 : i32
    %multiple_of3A_119 = tpu.assume_multiple %add3A_118, 8 : i32
    %dma_start3A_120 = tpu.memref_slice %arg3[%multiple_of3A_119] : memref<640000xi32, #tpu.memory_space<hbm>> -> memref<80xi32, #tpu.memory_space<hbm>>
    %dma_start3A_121 = tpu.memref_slice %arg3[%multiple_of3A_119] : memref<640000xi32, #tpu.memory_space<hbm>> -> memref<80xi32, #tpu.memory_space<hbm>>
    tpu.enqueue_dma source(%dma_start3A_121 : memref<80xi32, #tpu.memory_space<hbm>>) target(%arg9 : memref<80xi32, #tpu.memory_space<vmem>>) target_semaphore(%arg19 : memref<!tpu.dma_semaphore, #tpu.memory_space<semaphore_mem>>)
    %add3A_122 = arith.constant 320000 : i32
    %add3A_123 = arith.addi %add3A_122, %mul3A_4 : i32
    %add3A_124 = arith.constant 240 : i32
    %add3A_125 = arith.addi %add3A_123, %add3A_124 : i32
    %multiple_of3A_126 = tpu.assume_multiple %add3A_125, 8 : i32
    %dma_start3A_127 = tpu.memref_slice %arg3[%multiple_of3A_126] : memref<640000xi32, #tpu.memory_space<hbm>> -> memref<80xi32, #tpu.memory_space<hbm>>
    %dma_start3A_128 = tpu.memref_slice %arg3[%multiple_of3A_126] : memref<640000xi32, #tpu.memory_space<hbm>> -> memref<80xi32, #tpu.memory_space<hbm>>
    tpu.enqueue_dma source(%dma_start3A_128 : memref<80xi32, #tpu.memory_space<hbm>>) target(%arg11 : memref<80xi32, #tpu.memory_space<vmem>>) target_semaphore(%arg21 : memref<!tpu.dma_semaphore, #tpu.memory_space<semaphore_mem>>)
    %add3A_129 = arith.constant 240 : i32
    %add3A_130 = arith.addi %mul3A_4, %add3A_129 : i32
    %multiple_of3A_131 = tpu.assume_multiple %add3A_130, 8 : i32
    %dma_wait3A_132 = tpu.memref_slice %arg3[%multiple_of3A_131] : memref<640000xi32, #tpu.memory_space<hbm>> -> memref<80xi32, #tpu.memory_space<hbm>>
    %dma_wait3A_133 = tpu.memref_slice %arg3[%multiple_of3A_131] : memref<640000xi32, #tpu.memory_space<hbm>> -> memref<80xi32, #tpu.memory_space<hbm>>
    tpu.wait_dma2 semaphore(%arg18 : memref<!tpu.dma_semaphore, #tpu.memory_space<semaphore_mem>>) src(%dma_wait3A_133 : memref<80xi32, #tpu.memory_space<hbm>>) dst(%arg8 : memref<80xi32, #tpu.memory_space<vmem>>)
    %dma_wait3A_134 = arith.constant 0 : i32
    %dma_wait3A_135 = arith.constant 0 : i32
    %dma_wait3A_136 = tpu.memref_slice %arg14[%dma_wait3A_134, %dma_wait3A_135] : memref<10240x128xf32, #tpu.memory_space<vmem_shared>> -> memref<10240x128xf32, #tpu.memory_space<vmem_shared>>
    tpu.wait_indirect_dma semaphore(%arg25 : memref<!tpu.dma_semaphore, #tpu.memory_space<semaphore_mem>>) src(%arg6 : memref<80x128xf32, #tpu.memory_space<vmem>>) dst(%dma_wait3A_136 : memref<10240x128xf32, #tpu.memory_space<vmem_shared>>)
    %dma_start3A_137 = arith.constant 0 : i32
    %dma_start3A_138 = arith.constant 0 : i32
    %dma_start3A_139 = tpu.memref_slice %arg2[%dma_start3A_137, %dma_start3A_138] : memref<10000x128xf32, #tpu.memory_space<hbm>> -> memref<10000x128xf32, #tpu.memory_space<hbm>>
    tpu.enqueue_indirect_dma source(%dma_start3A_139 : memref<10000x128xf32, #tpu.memory_space<hbm>>) target(%arg5 : memref<80x128xf32, #tpu.memory_space<vmem>>) offsets(%arg8 : memref<80xi32, #tpu.memory_space<vmem>>) semaphore(%arg15 : memref<!tpu.dma_semaphore, #tpu.memory_space<semaphore_mem>>)
    %dma_wait3A_140 = arith.constant 0 : i32
    %dma_wait3A_141 = arith.constant 0 : i32
    %dma_wait3A_142 = tpu.memref_slice %arg2[%dma_wait3A_140, %dma_wait3A_141] : memref<10000x128xf32, #tpu.memory_space<hbm>> -> memref<10000x128xf32, #tpu.memory_space<hbm>>
    tpu.wait_indirect_dma semaphore(%arg17 : memref<!tpu.dma_semaphore, #tpu.memory_space<semaphore_mem>>) src(%dma_wait3A_142 : memref<10000x128xf32, #tpu.memory_space<hbm>>) dst(%arg7 : memref<80x128xf32, #tpu.memory_space<vmem>>)
    %add3A_143 = arith.constant 320000 : i32
    %add3A_144 = arith.addi %add3A_143, %mul3A_4 : i32
    %add3A_145 = arith.constant 160 : i32
    %add3A_146 = arith.addi %add3A_144, %add3A_145 : i32
    %multiple_of3A_147 = tpu.assume_multiple %add3A_146, 8 : i32
    %dma_wait3A_148 = tpu.memref_slice %arg3[%multiple_of3A_147] : memref<640000xi32, #tpu.memory_space<hbm>> -> memref<80xi32, #tpu.memory_space<hbm>>
    %dma_wait3A_149 = tpu.memref_slice %arg3[%multiple_of3A_147] : memref<640000xi32, #tpu.memory_space<hbm>> -> memref<80xi32, #tpu.memory_space<hbm>>
    tpu.wait_dma2 semaphore(%arg23 : memref<!tpu.dma_semaphore, #tpu.memory_space<semaphore_mem>>) src(%dma_wait3A_149 : memref<80xi32, #tpu.memory_space<hbm>>) dst(%arg13 : memref<80xi32, #tpu.memory_space<vmem>>)
    %dma_start3A_150 = arith.constant 0 : i32
    %dma_start3A_151 = arith.constant 0 : i32
    %dma_start3A_152 = tpu.memref_slice %arg14[%dma_start3A_150, %dma_start3A_151] : memref<10240x128xf32, #tpu.memory_space<vmem_shared>> -> memref<10240x128xf32, #tpu.memory_space<vmem_shared>>
    tpu.enqueue_indirect_dma source(%arg7 : memref<80x128xf32, #tpu.memory_space<vmem>>) target(%dma_start3A_152 : memref<10240x128xf32, #tpu.memory_space<vmem_shared>>) offsets(%arg13 : memref<80xi32, #tpu.memory_space<vmem>>) semaphore(%arg26 : memref<!tpu.dma_semaphore, #tpu.memory_space<semaphore_mem>>) {add = true}
    %add3A_153 = arith.constant 400 : i32
    %add3A_154 = arith.addi %mul3A_4, %add3A_153 : i32
    %multiple_of3A_155 = tpu.assume_multiple %add3A_154, 8 : i32
    %dma_start3A_156 = tpu.memref_slice %arg3[%multiple_of3A_155] : memref<640000xi32, #tpu.memory_space<hbm>> -> memref<80xi32, #tpu.memory_space<hbm>>
    %dma_start3A_157 = tpu.memref_slice %arg3[%multiple_of3A_155] : memref<640000xi32, #tpu.memory_space<hbm>> -> memref<80xi32, #tpu.memory_space<hbm>>
    tpu.enqueue_dma source(%dma_start3A_157 : memref<80xi32, #tpu.memory_space<hbm>>) target(%arg10 : memref<80xi32, #tpu.memory_space<vmem>>) target_semaphore(%arg20 : memref<!tpu.dma_semaphore, #tpu.memory_space<semaphore_mem>>)
    %add3A_158 = arith.constant 320000 : i32
    %add3A_159 = arith.addi %add3A_158, %mul3A_4 : i32
    %add3A_160 = arith.constant 320 : i32
    %add3A_161 = arith.addi %add3A_159, %add3A_160 : i32
    %multiple_of3A_162 = tpu.assume_multiple %add3A_161, 8 : i32
    %dma_start3A_163 = tpu.memref_slice %arg3[%multiple_of3A_162] : memref<640000xi32, #tpu.memory_space<hbm>> -> memref<80xi32, #tpu.memory_space<hbm>>
    %dma_start3A_164 = tpu.memref_slice %arg3[%multiple_of3A_162] : memref<640000xi32, #tpu.memory_space<hbm>> -> memref<80xi32, #tpu.memory_space<hbm>>
    tpu.enqueue_dma source(%dma_start3A_164 : memref<80xi32, #tpu.memory_space<hbm>>) target(%arg12 : memref<80xi32, #tpu.memory_space<vmem>>) target_semaphore(%arg22 : memref<!tpu.dma_semaphore, #tpu.memory_space<semaphore_mem>>)
    %add3A_165 = arith.constant 320 : i32
    %add3A_166 = arith.addi %mul3A_4, %add3A_165 : i32
    %multiple_of3A_167 = tpu.assume_multiple %add3A_166, 8 : i32
    %dma_wait3A_168 = tpu.memref_slice %arg3[%multiple_of3A_167] : memref<640000xi32, #tpu.memory_space<hbm>> -> memref<80xi32, #tpu.memory_space<hbm>>
    %dma_wait3A_169 = tpu.memref_slice %arg3[%multiple_of3A_167] : memref<640000xi32, #tpu.memory_space<hbm>> -> memref<80xi32, #tpu.memory_space<hbm>>
    tpu.wait_dma2 semaphore(%arg19 : memref<!tpu.dma_semaphore, #tpu.memory_space<semaphore_mem>>) src(%dma_wait3A_169 : memref<80xi32, #tpu.memory_space<hbm>>) dst(%arg9 : memref<80xi32, #tpu.memory_space<vmem>>)
    %dma_wait3A_170 = arith.constant 0 : i32
    %dma_wait3A_171 = arith.constant 0 : i32
    %dma_wait3A_172 = tpu.memref_slice %arg14[%dma_wait3A_170, %dma_wait3A_171] : memref<10240x128xf32, #tpu.memory_space<vmem_shared>> -> memref<10240x128xf32, #tpu.memory_space<vmem_shared>>
    tpu.wait_indirect_dma semaphore(%arg26 : memref<!tpu.dma_semaphore, #tpu.memory_space<semaphore_mem>>) src(%arg7 : memref<80x128xf32, #tpu.memory_space<vmem>>) dst(%dma_wait3A_172 : memref<10240x128xf32, #tpu.memory_space<vmem_shared>>)
    %dma_start3A_173 = arith.constant 0 : i32
    %dma_start3A_174 = arith.constant 0 : i32
    %dma_start3A_175 = tpu.memref_slice %arg2[%dma_start3A_173, %dma_start3A_174] : memref<10000x128xf32, #tpu.memory_space<hbm>> -> memref<10000x128xf32, #tpu.memory_space<hbm>>
    tpu.enqueue_indirect_dma source(%dma_start3A_175 : memref<10000x128xf32, #tpu.memory_space<hbm>>) target(%arg6 : memref<80x128xf32, #tpu.memory_space<vmem>>) offsets(%arg9 : memref<80xi32, #tpu.memory_space<vmem>>) semaphore(%arg16 : memref<!tpu.dma_semaphore, #tpu.memory_space<semaphore_mem>>)
    %scan3A_176 = arith.constant 0 : i32
    %scan3A_177 = arith.constant 1 : i32
    %scan3A_178 = arith.constant 40 : i32
    %scan3A_179 = arith.addi %scan3A_177, %scan3A_178 : i32
    %scan3A_180 = arith.constant 1 : i32
    scf.for %scan3A_215 = %scan3A_177 to %scan3A_179 step %scan3A_180  : i32 {
      %mul3A_216 = arith.constant 3 : i32
      %mul3A_217 = arith.muli %scan3A_215, %mul3A_216 : i32
      %add3A_218 = arith.constant 0 : i32
      %add3A_219 = arith.addi %mul3A_217, %add3A_218 : i32
      %dma_wait3A_220 = arith.constant 0 : i32
      %dma_wait3A_221 = arith.constant 0 : i32
      %dma_wait3A_222 = tpu.memref_slice %arg2[%dma_wait3A_220, %dma_wait3A_221] : memref<10000x128xf32, #tpu.memory_space<hbm>> -> memref<10000x128xf32, #tpu.memory_space<hbm>>
      tpu.wait_indirect_dma semaphore(%arg15 : memref<!tpu.dma_semaphore, #tpu.memory_space<semaphore_mem>>) src(%dma_wait3A_222 : memref<10000x128xf32, #tpu.memory_space<hbm>>) dst(%arg5 : memref<80x128xf32, #tpu.memory_space<vmem>>)
      %add3A_223 = arith.constant 320000 : i32
      %add3A_224 = arith.addi %add3A_223, %mul3A_4 : i32
      %mul3A_225 = arith.constant 80 : i32
      %mul3A_226 = arith.muli %add3A_219, %mul3A_225 : i32
      %add3A_227 = arith.addi %add3A_224, %mul3A_226 : i32
      %multiple_of3A_228 = tpu.assume_multiple %add3A_227, 8 : i32
      %dma_wait3A_229 = tpu.memref_slice %arg3[%multiple_of3A_228] : memref<640000xi32, #tpu.memory_space<hbm>> -> memref<80xi32, #tpu.memory_space<hbm>>
      %dma_wait3A_230 = tpu.memref_slice %arg3[%multiple_of3A_228] : memref<640000xi32, #tpu.memory_space<hbm>> -> memref<80xi32, #tpu.memory_space<hbm>>
      tpu.wait_dma2 semaphore(%arg21 : memref<!tpu.dma_semaphore, #tpu.memory_space<semaphore_mem>>) src(%dma_wait3A_230 : memref<80xi32, #tpu.memory_space<hbm>>) dst(%arg11 : memref<80xi32, #tpu.memory_space<vmem>>)
      %dma_start3A_231 = arith.constant 0 : i32
      %dma_start3A_232 = arith.constant 0 : i32
      %dma_start3A_233 = tpu.memref_slice %arg14[%dma_start3A_231, %dma_start3A_232] : memref<10240x128xf32, #tpu.memory_space<vmem_shared>> -> memref<10240x128xf32, #tpu.memory_space<vmem_shared>>
      tpu.enqueue_indirect_dma source(%arg5 : memref<80x128xf32, #tpu.memory_space<vmem>>) target(%dma_start3A_233 : memref<10240x128xf32, #tpu.memory_space<vmem_shared>>) offsets(%arg11 : memref<80xi32, #tpu.memory_space<vmem>>) semaphore(%arg24 : memref<!tpu.dma_semaphore, #tpu.memory_space<semaphore_mem>>) {add = true}
      %add3A_234 = arith.constant 3 : i32
      %add3A_235 = arith.addi %add3A_219, %add3A_234 : i32
      %mul3A_236 = arith.constant 80 : i32
      %mul3A_237 = arith.muli %add3A_235, %mul3A_236 : i32
      %add3A_238 = arith.addi %mul3A_4, %mul3A_237 : i32
      %multiple_of3A_239 = tpu.assume_multiple %add3A_238, 8 : i32
      %dma_start3A_240 = tpu.memref_slice %arg3[%multiple_of3A_239] : memref<640000xi32, #tpu.memory_space<hbm>> -> memref<80xi32, #tpu.memory_space<hbm>>
      %dma_start3A_241 = tpu.memref_slice %arg3[%multiple_of3A_239] : memref<640000xi32, #tpu.memory_space<hbm>> -> memref<80xi32, #tpu.memory_space<hbm>>
      tpu.enqueue_dma source(%dma_start3A_241 : memref<80xi32, #tpu.memory_space<hbm>>) target(%arg8 : memref<80xi32, #tpu.memory_space<vmem>>) target_semaphore(%arg18 : memref<!tpu.dma_semaphore, #tpu.memory_space<semaphore_mem>>)
      %add3A_242 = arith.constant 2 : i32
      %add3A_243 = arith.addi %add3A_219, %add3A_242 : i32
      %add3A_244 = arith.constant 320000 : i32
      %add3A_245 = arith.addi %add3A_244, %mul3A_4 : i32
      %mul3A_246 = arith.constant 80 : i32
      %mul3A_247 = arith.muli %add3A_243, %mul3A_246 : i32
      %add3A_248 = arith.addi %add3A_245, %mul3A_247 : i32
      %multiple_of3A_249 = tpu.assume_multiple %add3A_248, 8 : i32
      %dma_start3A_250 = tpu.memref_slice %arg3[%multiple_of3A_249] : memref<640000xi32, #tpu.memory_space<hbm>> -> memref<80xi32, #tpu.memory_space<hbm>>
      %dma_start3A_251 = tpu.memref_slice %arg3[%multiple_of3A_249] : memref<640000xi32, #tpu.memory_space<hbm>> -> memref<80xi32, #tpu.memory_space<hbm>>
      tpu.enqueue_dma source(%dma_start3A_251 : memref<80xi32, #tpu.memory_space<hbm>>) target(%arg13 : memref<80xi32, #tpu.memory_space<vmem>>) target_semaphore(%arg23 : memref<!tpu.dma_semaphore, #tpu.memory_space<semaphore_mem>>)
      %add3A_252 = arith.constant 2 : i32
      %add3A_253 = arith.addi %add3A_219, %add3A_252 : i32
      %mul3A_254 = arith.constant 80 : i32
      %mul3A_255 = arith.muli %add3A_253, %mul3A_254 : i32
      %add3A_256 = arith.addi %mul3A_4, %mul3A_255 : i32
      %multiple_of3A_257 = tpu.assume_multiple %add3A_256, 8 : i32
      %dma_wait3A_258 = tpu.memref_slice %arg3[%multiple_of3A_257] : memref<640000xi32, #tpu.memory_space<hbm>> -> memref<80xi32, #tpu.memory_space<hbm>>
      %dma_wait3A_259 = tpu.memref_slice %arg3[%multiple_of3A_257] : memref<640000xi32, #tpu.memory_space<hbm>> -> memref<80xi32, #tpu.memory_space<hbm>>
      tpu.wait_dma2 semaphore(%arg20 : memref<!tpu.dma_semaphore, #tpu.memory_space<semaphore_mem>>) src(%dma_wait3A_259 : memref<80xi32, #tpu.memory_space<hbm>>) dst(%arg10 : memref<80xi32, #tpu.memory_space<vmem>>)
      %dma_wait3A_260 = arith.constant 0 : i32
      %dma_wait3A_261 = arith.constant 0 : i32
      %dma_wait3A_262 = tpu.memref_slice %arg14[%dma_wait3A_260, %dma_wait3A_261] : memref<10240x128xf32, #tpu.memory_space<vmem_shared>> -> memref<10240x128xf32, #tpu.memory_space<vmem_shared>>
      tpu.wait_indirect_dma semaphore(%arg24 : memref<!tpu.dma_semaphore, #tpu.memory_space<semaphore_mem>>) src(%arg5 : memref<80x128xf32, #tpu.memory_space<vmem>>) dst(%dma_wait3A_262 : memref<10240x128xf32, #tpu.memory_space<vmem_shared>>)
      %dma_start3A_263 = arith.constant 0 : i32
      %dma_start3A_264 = arith.constant 0 : i32
      %dma_start3A_265 = tpu.memref_slice %arg2[%dma_start3A_263, %dma_start3A_264] : memref<10000x128xf32, #tpu.memory_space<hbm>> -> memref<10000x128xf32, #tpu.memory_space<hbm>>
      tpu.enqueue_indirect_dma source(%dma_start3A_265 : memref<10000x128xf32, #tpu.memory_space<hbm>>) target(%arg7 : memref<80x128xf32, #tpu.memory_space<vmem>>) offsets(%arg10 : memref<80xi32, #tpu.memory_space<vmem>>) semaphore(%arg17 : memref<!tpu.dma_semaphore, #tpu.memory_space<semaphore_mem>>)
      %mul3A_266 = arith.constant 3 : i32
      %mul3A_267 = arith.muli %scan3A_215, %mul3A_266 : i32
      %add3A_268 = arith.constant 1 : i32
      %add3A_269 = arith.addi %mul3A_267, %add3A_268 : i32
      %dma_wait3A_270 = arith.constant 0 : i32
      %dma_wait3A_271 = arith.constant 0 : i32
      %dma_wait3A_272 = tpu.memref_slice %arg2[%dma_wait3A_270, %dma_wait3A_271] : memref<10000x128xf32, #tpu.memory_space<hbm>> -> memref<10000x128xf32, #tpu.memory_space<hbm>>
      tpu.wait_indirect_dma semaphore(%arg16 : memref<!tpu.dma_semaphore, #tpu.memory_space<semaphore_mem>>) src(%dma_wait3A_272 : memref<10000x128xf32, #tpu.memory_space<hbm>>) dst(%arg6 : memref<80x128xf32, #tpu.memory_space<vmem>>)
      %add3A_273 = arith.constant 320000 : i32
      %add3A_274 = arith.addi %add3A_273, %mul3A_4 : i32
      %mul3A_275 = arith.constant 80 : i32
      %mul3A_276 = arith.muli %add3A_269, %mul3A_275 : i32
      %add3A_277 = arith.addi %add3A_274, %mul3A_276 : i32
      %multiple_of3A_278 = tpu.assume_multiple %add3A_277, 8 : i32
      %dma_wait3A_279 = tpu.memref_slice %arg3[%multiple_of3A_278] : memref<640000xi32, #tpu.memory_space<hbm>> -> memref<80xi32, #tpu.memory_space<hbm>>
      %dma_wait3A_280 = tpu.memref_slice %arg3[%multiple_of3A_278] : memref<640000xi32, #tpu.memory_space<hbm>> -> memref<80xi32, #tpu.memory_space<hbm>>
      tpu.wait_dma2 semaphore(%arg22 : memref<!tpu.dma_semaphore, #tpu.memory_space<semaphore_mem>>) src(%dma_wait3A_280 : memref<80xi32, #tpu.memory_space<hbm>>) dst(%arg12 : memref<80xi32, #tpu.memory_space<vmem>>)
      %dma_start3A_281 = arith.constant 0 : i32
      %dma_start3A_282 = arith.constant 0 : i32
      %dma_start3A_283 = tpu.memref_slice %arg14[%dma_start3A_281, %dma_start3A_282] : memref<10240x128xf32, #tpu.memory_space<vmem_shared>> -> memref<10240x128xf32, #tpu.memory_space<vmem_shared>>
      tpu.enqueue_indirect_dma source(%arg6 : memref<80x128xf32, #tpu.memory_space<vmem>>) target(%dma_start3A_283 : memref<10240x128xf32, #tpu.memory_space<vmem_shared>>) offsets(%arg12 : memref<80xi32, #tpu.memory_space<vmem>>) semaphore(%arg25 : memref<!tpu.dma_semaphore, #tpu.memory_space<semaphore_mem>>) {add = true}
      %add3A_284 = arith.constant 3 : i32
      %add3A_285 = arith.addi %add3A_269, %add3A_284 : i32
      %mul3A_286 = arith.constant 80 : i32
      %mul3A_287 = arith.muli %add3A_285, %mul3A_286 : i32
      %add3A_288 = arith.addi %mul3A_4, %mul3A_287 : i32
      %multiple_of3A_289 = tpu.assume_multiple %add3A_288, 8 : i32
      %dma_start3A_290 = tpu.memref_slice %arg3[%multiple_of3A_289] : memref<640000xi32, #tpu.memory_space<hbm>> -> memref<80xi32, #tpu.memory_space<hbm>>
      %dma_start3A_291 = tpu.memref_slice %arg3[%multiple_of3A_289] : memref<640000xi32, #tpu.memory_space<hbm>> -> memref<80xi32, #tpu.memory_space<hbm>>
      tpu.enqueue_dma source(%dma_start3A_291 : memref<80xi32, #tpu.memory_space<hbm>>) target(%arg9 : memref<80xi32, #tpu.memory_space<vmem>>) target_semaphore(%arg19 : memref<!tpu.dma_semaphore, #tpu.memory_space<semaphore_mem>>)
      %add3A_292 = arith.constant 2 : i32
      %add3A_293 = arith.addi %add3A_269, %add3A_292 : i32
      %add3A_294 = arith.constant 320000 : i32
      %add3A_295 = arith.addi %add3A_294, %mul3A_4 : i32
      %mul3A_296 = arith.constant 80 : i32
      %mul3A_297 = arith.muli %add3A_293, %mul3A_296 : i32
      %add3A_298 = arith.addi %add3A_295, %mul3A_297 : i32
      %multiple_of3A_299 = tpu.assume_multiple %add3A_298, 8 : i32
      %dma_start3A_300 = tpu.memref_slice %arg3[%multiple_of3A_299] : memref<640000xi32, #tpu.memory_space<hbm>> -> memref<80xi32, #tpu.memory_space<hbm>>
      %dma_start3A_301 = tpu.memref_slice %arg3[%multiple_of3A_299] : memref<640000xi32, #tpu.memory_space<hbm>> -> memref<80xi32, #tpu.memory_space<hbm>>
      tpu.enqueue_dma source(%dma_start3A_301 : memref<80xi32, #tpu.memory_space<hbm>>) target(%arg11 : memref<80xi32, #tpu.memory_space<vmem>>) target_semaphore(%arg21 : memref<!tpu.dma_semaphore, #tpu.memory_space<semaphore_mem>>)
      %add3A_302 = arith.constant 2 : i32
      %add3A_303 = arith.addi %add3A_269, %add3A_302 : i32
      %mul3A_304 = arith.constant 80 : i32
      %mul3A_305 = arith.muli %add3A_303, %mul3A_304 : i32
      %add3A_306 = arith.addi %mul3A_4, %mul3A_305 : i32
      %multiple_of3A_307 = tpu.assume_multiple %add3A_306, 8 : i32
      %dma_wait3A_308 = tpu.memref_slice %arg3[%multiple_of3A_307] : memref<640000xi32, #tpu.memory_space<hbm>> -> memref<80xi32, #tpu.memory_space<hbm>>
      %dma_wait3A_309 = tpu.memref_slice %arg3[%multiple_of3A_307] : memref<640000xi32, #tpu.memory_space<hbm>> -> memref<80xi32, #tpu.memory_space<hbm>>
      tpu.wait_dma2 semaphore(%arg18 : memref<!tpu.dma_semaphore, #tpu.memory_space<semaphore_mem>>) src(%dma_wait3A_309 : memref<80xi32, #tpu.memory_space<hbm>>) dst(%arg8 : memref<80xi32, #tpu.memory_space<vmem>>)
      %dma_wait3A_310 = arith.constant 0 : i32
      %dma_wait3A_311 = arith.constant 0 : i32
      %dma_wait3A_312 = tpu.memref_slice %arg14[%dma_wait3A_310, %dma_wait3A_311] : memref<10240x128xf32, #tpu.memory_space<vmem_shared>> -> memref<10240x128xf32, #tpu.memory_space<vmem_shared>>
      tpu.wait_indirect_dma semaphore(%arg25 : memref<!tpu.dma_semaphore, #tpu.memory_space<semaphore_mem>>) src(%arg6 : memref<80x128xf32, #tpu.memory_space<vmem>>) dst(%dma_wait3A_312 : memref<10240x128xf32, #tpu.memory_space<vmem_shared>>)
      %dma_start3A_313 = arith.constant 0 : i32
      %dma_start3A_314 = arith.constant 0 : i32
      %dma_start3A_315 = tpu.memref_slice %arg2[%dma_start3A_313, %dma_start3A_314] : memref<10000x128xf32, #tpu.memory_space<hbm>> -> memref<10000x128xf32, #tpu.memory_space<hbm>>
      tpu.enqueue_indirect_dma source(%dma_start3A_315 : memref<10000x128xf32, #tpu.memory_space<hbm>>) target(%arg5 : memref<80x128xf32, #tpu.memory_space<vmem>>) offsets(%arg8 : memref<80xi32, #tpu.memory_space<vmem>>) semaphore(%arg15 : memref<!tpu.dma_semaphore, #tpu.memory_space<semaphore_mem>>)
      %mul3A_316 = arith.constant 3 : i32
      %mul3A_317 = arith.muli %scan3A_215, %mul3A_316 : i32
      %add3A_318 = arith.constant 2 : i32
      %add3A_319 = arith.addi %mul3A_317, %add3A_318 : i32
      %dma_wait3A_320 = arith.constant 0 : i32
      %dma_wait3A_321 = arith.constant 0 : i32
      %dma_wait3A_322 = tpu.memref_slice %arg2[%dma_wait3A_320, %dma_wait3A_321] : memref<10000x128xf32, #tpu.memory_space<hbm>> -> memref<10000x128xf32, #tpu.memory_space<hbm>>
      tpu.wait_indirect_dma semaphore(%arg17 : memref<!tpu.dma_semaphore, #tpu.memory_space<semaphore_mem>>) src(%dma_wait3A_322 : memref<10000x128xf32, #tpu.memory_space<hbm>>) dst(%arg7 : memref<80x128xf32, #tpu.memory_space<vmem>>)
      %add3A_323 = arith.constant 320000 : i32
      %add3A_324 = arith.addi %add3A_323, %mul3A_4 : i32
      %mul3A_325 = arith.constant 80 : i32
      %mul3A_326 = arith.muli %add3A_319, %mul3A_325 : i32
      %add3A_327 = arith.addi %add3A_324, %mul3A_326 : i32
      %multiple_of3A_328 = tpu.assume_multiple %add3A_327, 8 : i32
      %dma_wait3A_329 = tpu.memref_slice %arg3[%multiple_of3A_328] : memref<640000xi32, #tpu.memory_space<hbm>> -> memref<80xi32, #tpu.memory_space<hbm>>
      %dma_wait3A_330 = tpu.memref_slice %arg3[%multiple_of3A_328] : memref<640000xi32, #tpu.memory_space<hbm>> -> memref<80xi32, #tpu.memory_space<hbm>>
      tpu.wait_dma2 semaphore(%arg23 : memref<!tpu.dma_semaphore, #tpu.memory_space<semaphore_mem>>) src(%dma_wait3A_330 : memref<80xi32, #tpu.memory_space<hbm>>) dst(%arg13 : memref<80xi32, #tpu.memory_space<vmem>>)
      %dma_start3A_331 = arith.constant 0 : i32
      %dma_start3A_332 = arith.constant 0 : i32
      %dma_start3A_333 = tpu.memref_slice %arg14[%dma_start3A_331, %dma_start3A_332] : memref<10240x128xf32, #tpu.memory_space<vmem_shared>> -> memref<10240x128xf32, #tpu.memory_space<vmem_shared>>
      tpu.enqueue_indirect_dma source(%arg7 : memref<80x128xf32, #tpu.memory_space<vmem>>) target(%dma_start3A_333 : memref<10240x128xf32, #tpu.memory_space<vmem_shared>>) offsets(%arg13 : memref<80xi32, #tpu.memory_space<vmem>>) semaphore(%arg26 : memref<!tpu.dma_semaphore, #tpu.memory_space<semaphore_mem>>) {add = true}
      %add3A_334 = arith.constant 3 : i32
      %add3A_335 = arith.addi %add3A_319, %add3A_334 : i32
      %mul3A_336 = arith.constant 80 : i32
      %mul3A_337 = arith.muli %add3A_335, %mul3A_336 : i32
      %add3A_338 = arith.addi %mul3A_4, %mul3A_337 : i32
      %multiple_of3A_339 = tpu.assume_multiple %add3A_338, 8 : i32
      %dma_start3A_340 = tpu.memref_slice %arg3[%multiple_of3A_339] : memref<640000xi32, #tpu.memory_space<hbm>> -> memref<80xi32, #tpu.memory_space<hbm>>
      %dma_start3A_341 = tpu.memref_slice %arg3[%multiple_of3A_339] : memref<640000xi32, #tpu.memory_space<hbm>> -> memref<80xi32, #tpu.memory_space<hbm>>
      tpu.enqueue_dma source(%dma_start3A_341 : memref<80xi32, #tpu.memory_space<hbm>>) target(%arg10 : memref<80xi32, #tpu.memory_space<vmem>>) target_semaphore(%arg20 : memref<!tpu.dma_semaphore, #tpu.memory_space<semaphore_mem>>)
      %add3A_342 = arith.constant 2 : i32
      %add3A_343 = arith.addi %add3A_319, %add3A_342 : i32
      %add3A_344 = arith.constant 320000 : i32
      %add3A_345 = arith.addi %add3A_344, %mul3A_4 : i32
      %mul3A_346 = arith.constant 80 : i32
      %mul3A_347 = arith.muli %add3A_343, %mul3A_346 : i32
      %add3A_348 = arith.addi %add3A_345, %mul3A_347 : i32
      %multiple_of3A_349 = tpu.assume_multiple %add3A_348, 8 : i32
      %dma_start3A_350 = tpu.memref_slice %arg3[%multiple_of3A_349] : memref<640000xi32, #tpu.memory_space<hbm>> -> memref<80xi32, #tpu.memory_space<hbm>>
      %dma_start3A_351 = tpu.memref_slice %arg3[%multiple_of3A_349] : memref<640000xi32, #tpu.memory_space<hbm>> -> memref<80xi32, #tpu.memory_space<hbm>>
      tpu.enqueue_dma source(%dma_start3A_351 : memref<80xi32, #tpu.memory_space<hbm>>) target(%arg12 : memref<80xi32, #tpu.memory_space<vmem>>) target_semaphore(%arg22 : memref<!tpu.dma_semaphore, #tpu.memory_space<semaphore_mem>>)
      %add3A_352 = arith.constant 2 : i32
      %add3A_353 = arith.addi %add3A_319, %add3A_352 : i32
      %mul3A_354 = arith.constant 80 : i32
      %mul3A_355 = arith.muli %add3A_353, %mul3A_354 : i32
      %add3A_356 = arith.addi %mul3A_4, %mul3A_355 : i32
      %multiple_of3A_357 = tpu.assume_multiple %add3A_356, 8 : i32
      %dma_wait3A_358 = tpu.memref_slice %arg3[%multiple_of3A_357] : memref<640000xi32, #tpu.memory_space<hbm>> -> memref<80xi32, #tpu.memory_space<hbm>>
      %dma_wait3A_359 = tpu.memref_slice %arg3[%multiple_of3A_357] : memref<640000xi32, #tpu.memory_space<hbm>> -> memref<80xi32, #tpu.memory_space<hbm>>
      tpu.wait_dma2 semaphore(%arg19 : memref<!tpu.dma_semaphore, #tpu.memory_space<semaphore_mem>>) src(%dma_wait3A_359 : memref<80xi32, #tpu.memory_space<hbm>>) dst(%arg9 : memref<80xi32, #tpu.memory_space<vmem>>)
      %dma_wait3A_360 = arith.constant 0 : i32
      %dma_wait3A_361 = arith.constant 0 : i32
      %dma_wait3A_362 = tpu.memref_slice %arg14[%dma_wait3A_360, %dma_wait3A_361] : memref<10240x128xf32, #tpu.memory_space<vmem_shared>> -> memref<10240x128xf32, #tpu.memory_space<vmem_shared>>
      tpu.wait_indirect_dma semaphore(%arg26 : memref<!tpu.dma_semaphore, #tpu.memory_space<semaphore_mem>>) src(%arg7 : memref<80x128xf32, #tpu.memory_space<vmem>>) dst(%dma_wait3A_362 : memref<10240x128xf32, #tpu.memory_space<vmem_shared>>)
      %dma_start3A_363 = arith.constant 0 : i32
      %dma_start3A_364 = arith.constant 0 : i32
      %dma_start3A_365 = tpu.memref_slice %arg2[%dma_start3A_363, %dma_start3A_364] : memref<10000x128xf32, #tpu.memory_space<hbm>> -> memref<10000x128xf32, #tpu.memory_space<hbm>>
      tpu.enqueue_indirect_dma source(%dma_start3A_365 : memref<10000x128xf32, #tpu.memory_space<hbm>>) target(%arg6 : memref<80x128xf32, #tpu.memory_space<vmem>>) offsets(%arg9 : memref<80xi32, #tpu.memory_space<vmem>>) semaphore(%arg16 : memref<!tpu.dma_semaphore, #tpu.memory_space<semaphore_mem>>)
    }
    %scan3A_181 = arith.constant 40 : i32
    %dma_wait3A_182 = arith.constant 0 : i32
    %dma_wait3A_183 = arith.constant 0 : i32
    %dma_wait3A_184 = tpu.memref_slice %arg2[%dma_wait3A_182, %dma_wait3A_183] : memref<10000x128xf32, #tpu.memory_space<hbm>> -> memref<10000x128xf32, #tpu.memory_space<hbm>>
    tpu.wait_indirect_dma semaphore(%arg15 : memref<!tpu.dma_semaphore, #tpu.memory_space<semaphore_mem>>) src(%dma_wait3A_184 : memref<10000x128xf32, #tpu.memory_space<hbm>>) dst(%arg5 : memref<80x128xf32, #tpu.memory_space<vmem>>)
    %add3A_185 = arith.constant 320000 : i32
    %add3A_186 = arith.addi %add3A_185, %mul3A_4 : i32
    %add3A_187 = arith.constant 9840 : i32
    %add3A_188 = arith.addi %add3A_186, %add3A_187 : i32
    %multiple_of3A_189 = tpu.assume_multiple %add3A_188, 8 : i32
    %dma_wait3A_190 = tpu.memref_slice %arg3[%multiple_of3A_189] : memref<640000xi32, #tpu.memory_space<hbm>> -> memref<80xi32, #tpu.memory_space<hbm>>
    %dma_wait3A_191 = tpu.memref_slice %arg3[%multiple_of3A_189] : memref<640000xi32, #tpu.memory_space<hbm>> -> memref<80xi32, #tpu.memory_space<hbm>>
    tpu.wait_dma2 semaphore(%arg21 : memref<!tpu.dma_semaphore, #tpu.memory_space<semaphore_mem>>) src(%dma_wait3A_191 : memref<80xi32, #tpu.memory_space<hbm>>) dst(%arg11 : memref<80xi32, #tpu.memory_space<vmem>>)
    %dma_start3A_192 = arith.constant 0 : i32
    %dma_start3A_193 = arith.constant 0 : i32
    %dma_start3A_194 = tpu.memref_slice %arg14[%dma_start3A_192, %dma_start3A_193] : memref<10240x128xf32, #tpu.memory_space<vmem_shared>> -> memref<10240x128xf32, #tpu.memory_space<vmem_shared>>
    tpu.enqueue_indirect_dma source(%arg5 : memref<80x128xf32, #tpu.memory_space<vmem>>) target(%dma_start3A_194 : memref<10240x128xf32, #tpu.memory_space<vmem_shared>>) offsets(%arg11 : memref<80xi32, #tpu.memory_space<vmem>>) semaphore(%arg24 : memref<!tpu.dma_semaphore, #tpu.memory_space<semaphore_mem>>) {add = true}
    %dma_wait3A_195 = arith.constant 0 : i32
    %dma_wait3A_196 = arith.constant 0 : i32
    %dma_wait3A_197 = tpu.memref_slice %arg14[%dma_wait3A_195, %dma_wait3A_196] : memref<10240x128xf32, #tpu.memory_space<vmem_shared>> -> memref<10240x128xf32, #tpu.memory_space<vmem_shared>>
    tpu.wait_indirect_dma semaphore(%arg24 : memref<!tpu.dma_semaphore, #tpu.memory_space<semaphore_mem>>) src(%arg5 : memref<80x128xf32, #tpu.memory_space<vmem>>) dst(%dma_wait3A_197 : memref<10240x128xf32, #tpu.memory_space<vmem_shared>>)
    %dma_wait3A_198 = arith.constant 0 : i32
    %dma_wait3A_199 = arith.constant 0 : i32
    %dma_wait3A_200 = tpu.memref_slice %arg2[%dma_wait3A_198, %dma_wait3A_199] : memref<10000x128xf32, #tpu.memory_space<hbm>> -> memref<10000x128xf32, #tpu.memory_space<hbm>>
    tpu.wait_indirect_dma semaphore(%arg16 : memref<!tpu.dma_semaphore, #tpu.memory_space<semaphore_mem>>) src(%dma_wait3A_200 : memref<10000x128xf32, #tpu.memory_space<hbm>>) dst(%arg6 : memref<80x128xf32, #tpu.memory_space<vmem>>)
    %add3A_201 = arith.constant 320000 : i32
    %add3A_202 = arith.addi %add3A_201, %mul3A_4 : i32
    %add3A_203 = arith.constant 9920 : i32
    %add3A_204 = arith.addi %add3A_202, %add3A_203 : i32
    %multiple_of3A_205 = tpu.assume_multiple %add3A_204, 8 : i32
    %dma_wait3A_206 = tpu.memref_slice %arg3[%multiple_of3A_205] : memref<640000xi32, #tpu.memory_space<hbm>> -> memref<80xi32, #tpu.memory_space<hbm>>
    %dma_wait3A_207 = tpu.memref_slice %arg3[%multiple_of3A_205] : memref<640000xi32, #tpu.memory_space<hbm>> -> memref<80xi32, #tpu.memory_space<hbm>>
    tpu.wait_dma2 semaphore(%arg22 : memref<!tpu.dma_semaphore, #tpu.memory_space<semaphore_mem>>) src(%dma_wait3A_207 : memref<80xi32, #tpu.memory_space<hbm>>) dst(%arg12 : memref<80xi32, #tpu.memory_space<vmem>>)
    %dma_start3A_208 = arith.constant 0 : i32
    %dma_start3A_209 = arith.constant 0 : i32
    %dma_start3A_210 = tpu.memref_slice %arg14[%dma_start3A_208, %dma_start3A_209] : memref<10240x128xf32, #tpu.memory_space<vmem_shared>> -> memref<10240x128xf32, #tpu.memory_space<vmem_shared>>
    tpu.enqueue_indirect_dma source(%arg6 : memref<80x128xf32, #tpu.memory_space<vmem>>) target(%dma_start3A_210 : memref<10240x128xf32, #tpu.memory_space<vmem_shared>>) offsets(%arg12 : memref<80xi32, #tpu.memory_space<vmem>>) semaphore(%arg25 : memref<!tpu.dma_semaphore, #tpu.memory_space<semaphore_mem>>) {add = true}
    %dma_wait3A_211 = arith.constant 0 : i32
    %dma_wait3A_212 = arith.constant 0 : i32
    %dma_wait3A_213 = tpu.memref_slice %arg14[%dma_wait3A_211, %dma_wait3A_212] : memref<10240x128xf32, #tpu.memory_space<vmem_shared>> -> memref<10240x128xf32, #tpu.memory_space<vmem_shared>>
    tpu.wait_indirect_dma semaphore(%arg25 : memref<!tpu.dma_semaphore, #tpu.memory_space<semaphore_mem>>) src(%arg6 : memref<80x128xf32, #tpu.memory_space<vmem>>) dst(%dma_wait3A_213 : memref<10240x128xf32, #tpu.memory_space<vmem_shared>>)
    %barrier3A_214 = arith.constant 0 : index
    tpu.barrier barrier_id(%barrier3A_214)
    "tpu.region"() ({
      %run_scoped3A = tpu.sem_alloc : memref<!tpu.dma_semaphore, #tpu.memory_space<semaphore_mem>>
      %dma_start3A_215 = arith.constant 0 : i32
      %dma_start3A_216 = tpu.memref_slice %arg4[%arg0, %mul3A_2, %dma_start3A_215] : memref<2x10240x128xf32, #tpu.memory_space<hbm>> -> memref<1x640x128xf32, #tpu.memory_space<hbm>>
      %dma_start3A_217 = tpu.memref_squeeze %dma_start3A_216 : memref<1x640x128xf32, #tpu.memory_space<hbm>> -> memref<640x128xf32, #tpu.memory_space<hbm>>
      %dma_start3A_218 = arith.constant 0 : i32
      %dma_start3A_219 = tpu.memref_slice %arg14[%mul3A_2, %dma_start3A_218] : memref<10240x128xf32, #tpu.memory_space<vmem_shared>> -> memref<640x128xf32, #tpu.memory_space<vmem_shared>>
      tpu.enqueue_dma source(%dma_start3A_219 : memref<640x128xf32, #tpu.memory_space<vmem_shared>>) target(%dma_start3A_217 : memref<640x128xf32, #tpu.memory_space<hbm>>) target_semaphore(%run_scoped3A : memref<!tpu.dma_semaphore, #tpu.memory_space<semaphore_mem>>)
      %dma_wait3A_220 = arith.constant 0 : i32
      %dma_wait3A_221 = tpu.memref_slice %arg4[%arg0, %mul3A_2, %dma_wait3A_220] : memref<2x10240x128xf32, #tpu.memory_space<hbm>> -> memref<1x640x128xf32, #tpu.memory_space<hbm>>
      %dma_wait3A_222 = tpu.memref_squeeze %dma_wait3A_221 : memref<1x640x128xf32, #tpu.memory_space<hbm>> -> memref<640x128xf32, #tpu.memory_space<hbm>>
      %dma_wait3A_223 = arith.constant 0 : i32
      %dma_wait3A_224 = tpu.memref_slice %arg14[%mul3A_2, %dma_wait3A_223] : memref<10240x128xf32, #tpu.memory_space<vmem_shared>> -> memref<640x128xf32, #tpu.memory_space<vmem_shared>>
      tpu.wait_dma2 semaphore(%run_scoped3A : memref<!tpu.dma_semaphore, #tpu.memory_space<semaphore_mem>>) src(%dma_wait3A_224 : memref<640x128xf32, #tpu.memory_space<vmem_shared>>) dst(%dma_wait3A_222 : memref<640x128xf32, #tpu.memory_space<hbm>>)
      tpu.yield
    }) : () -> ()
    return
  }
}

#map = affine_map<(d0, d1) -> (0, 0)>
#map1 = affine_map<(d0, d1) -> (0)>
#map2 = affine_map<(d0, d1) -> (0, 0, 0)>
module attributes {stable_mosaic.version = 14 : i64} {
  func.func @k(%arg0: i32, %arg1: i32, %arg2: memref<10000x128xf32, #tpu.memory_space<hbm>>, %arg3: memref<640000xi32, #tpu.memory_space<hbm>>, %arg4: memref<2x10240x128xf32, #tpu.memory_space<hbm>>, %arg5: memref<2x16x10240xf32, #tpu.memory_space<hbm>>, %arg6: memref<80x128xf32, #tpu.memory_space<vmem>>, %arg7: memref<80x128xf32, #tpu.memory_space<vmem>>, %arg8: memref<80x128xf32, #tpu.memory_space<vmem>>, %arg9: memref<80xi32, #tpu.memory_space<vmem>>, %arg10: memref<80xi32, #tpu.memory_space<vmem>>, %arg11: memref<80xi32, #tpu.memory_space<vmem>>, %arg12: memref<80xi32, #tpu.memory_space<vmem>>, %arg13: memref<80xi32, #tpu.memory_space<vmem>>, %arg14: memref<80xi32, #tpu.memory_space<vmem>>, %arg15: memref<10240x128xf32, #tpu.memory_space<vmem_shared>>, %arg16: memref<!tpu.dma_semaphore, #tpu.memory_space<semaphore_mem>>, %arg17: memref<!tpu.dma_semaphore, #tpu.memory_space<semaphore_mem>>, %arg18: memref<!tpu.dma_semaphore, #tpu.memory_space<semaphore_mem>>, %arg19: memref<!tpu.dma_semaphore, #tpu.memory_space<semaphore_mem>>, %arg20: memref<!tpu.dma_semaphore, #tpu.memory_space<semaphore_mem>>, %arg21: memref<!tpu.dma_semaphore, #tpu.memory_space<semaphore_mem>>, %arg22: memref<!tpu.dma_semaphore, #tpu.memory_space<semaphore_mem>>, %arg23: memref<!tpu.dma_semaphore, #tpu.memory_space<semaphore_mem>>, %arg24: memref<!tpu.dma_semaphore, #tpu.memory_space<semaphore_mem>>, %arg25: memref<!tpu.dma_semaphore, #tpu.memory_space<semaphore_mem>>, %arg26: memref<!tpu.dma_semaphore, #tpu.memory_space<semaphore_mem>>, %arg27: memref<!tpu.dma_semaphore, #tpu.memory_space<semaphore_mem>>, %arg28: memref<10240xf32, #tpu.memory_space<vmem>>) attributes {dimension_semantics = [#tpu.dimension_semantics<core_parallel>, #tpu.dimension_semantics<subcore_parallel>], iteration_bounds = array<i64: 2, 16>, scalar_prefetch = 0 : i64, scratch_operands = 23 : i64, tpu.core_type = #tpu.core_type<sc_vector_subcore>, window_params = [{transform_indices = #map}, {transform_indices = #map1}, {transform_indices = #map2}, {transform_indices = #map2}]} {
    %mul3A = arith.constant 2 : i32
    %mul3A_0 = arith.muli %arg1, %mul3A : i32
    %add3A = arith.addi %mul3A_0, %arg0 : i32
    %mul3A_1 = arith.constant 640 : i32
    %mul3A_2 = arith.muli %arg1, %mul3A_1 : i32
    %mul3A_3 = arith.constant 10000 : i32
    %mul3A_4 = arith.muli %add3A, %mul3A_3 : i32
    %scan3A = arith.constant 0 : i32
    %scan3A_5 = arith.constant 0 : i32
    %scan3A_6 = arith.constant 640 : i32
    %scan3A_7 = arith.addi %scan3A_5, %scan3A_6 : i32
    %scan3A_8 = arith.constant 1 : i32
    scf.for %scan3A_319 = %scan3A_5 to %scan3A_7 step %scan3A_8  : i32 {
      %broadcast_in_dim3A_320 = arith.constant 0.000000e+00 : f32
      %broadcast_in_dim3A_321 = vector.broadcast %broadcast_in_dim3A_320 : f32 to vector<16xf32>
      %jit3A = arith.constant 8 : i32
      %div3A = arith.divsi %scan3A_319, %jit3A : i32
      %sign3A = arith.constant 0 : i32
      %sign3A_322 = arith.cmpi sgt, %scan3A_319, %sign3A : i32
      %sign3A_323 = arith.extui %sign3A_322 : i1 to i32
      %sign3A_324 = arith.constant 0 : i32
      %sign3A_325 = arith.cmpi slt, %scan3A_319, %sign3A_324 : i32
      %sign3A_326 = arith.extui %sign3A_325 : i1 to i32
      %sign3A_327 = arith.subi %sign3A_323, %sign3A_326 : i32
      %sign3A_328 = arith.constant 0 : i32
      %sign3A_329 = arith.cmpi sgt, %jit3A, %sign3A_328 : i32
      %sign3A_330 = arith.extui %sign3A_329 : i1 to i32
      %sign3A_331 = arith.constant 0 : i32
      %sign3A_332 = arith.cmpi slt, %jit3A, %sign3A_331 : i32
      %sign3A_333 = arith.extui %sign3A_332 : i1 to i32
      %sign3A_334 = arith.subi %sign3A_330, %sign3A_333 : i32
      %ne3A = arith.cmpi ne, %sign3A_327, %sign3A_334 : i32
      %rem3A = arith.remsi %scan3A_319, %jit3A : i32
      %ne3A_335 = arith.constant 0 : i32
      %ne3A_336 = arith.cmpi ne, %rem3A, %ne3A_335 : i32
      %and3A = arith.andi %ne3A, %ne3A_336 : i1
      %sub3A = arith.constant 1 : i32
      %sub3A_337 = arith.subi %div3A, %sub3A : i32
      %select_n3A = arith.select %and3A, %sub3A_337, %div3A : i32
      %jit3A_338 = arith.constant 8 : i32
      %eq3A = arith.constant 0 : i32
      %eq3A_339 = arith.cmpi eq, %jit3A_338, %eq3A : i32
      %jit3A_340 = arith.constant 1 : i32
      %select_n3A_341 = arith.select %eq3A_339, %jit3A_340, %jit3A_338 : i32
      %rem3A_342 = arith.remsi %scan3A_319, %select_n3A_341 : i32
      %ne3A_343 = arith.constant 0 : i32
      %ne3A_344 = arith.cmpi ne, %rem3A_342, %ne3A_343 : i32
      %lt3A = arith.constant 0 : i32
      %lt3A_345 = arith.cmpi slt, %rem3A_342, %lt3A : i32
      %lt3A_346 = arith.constant 0 : i32
      %lt3A_347 = arith.cmpi slt, %select_n3A_341, %lt3A_346 : i32
      %ne3A_348 = arith.xori %lt3A_345, %lt3A_347 : i1
      %and3A_349 = arith.andi %ne3A_348, %ne3A_344 : i1
      %add3A_350 = arith.addi %rem3A_342, %select_n3A_341 : i32
      %select_n3A_351 = arith.select %and3A_349, %add3A_350, %rem3A_342 : i32
      %mul3A_352 = arith.constant 16 : i32
      %mul3A_353 = arith.muli %select_n3A_351, %mul3A_352 : i32
      %swap3A = arith.index_cast %select_n3A : i32 to index
      %swap3A_354 = arith.index_cast %mul3A_353 : i32 to index
      %swap3A_355 = tpu.vector_load %arg6[%swap3A, %swap3A_354] {strides = array<i32>} : memref<80x128xf32, #tpu.memory_space<vmem>>, vector<16xf32>,
      tpu.vector_store %arg6[%swap3A, %swap3A_354], %broadcast_in_dim3A_321 {strides = array<i32>} : memref<80x128xf32, #tpu.memory_space<vmem>>, vector<16xf32>,
    }
    %scan3A_9 = arith.constant 640 : i32
    %add3A_10 = arith.constant 0 : i32
    %add3A_11 = arith.addi %mul3A_2, %add3A_10 : i32
    "tpu.region"() ({
      %run_scoped3A = tpu.sem_alloc : memref<!tpu.dma_semaphore, #tpu.memory_space<semaphore_mem>>
      %dma_start3A_319 = arith.constant 0 : i32
      %dma_start3A_320 = tpu.memref_slice %arg15[%add3A_11, %dma_start3A_319] : memref<10240x128xf32, #tpu.memory_space<vmem_shared>> -> memref<80x128xf32, #tpu.memory_space<vmem_shared>>
      %dma_start3A_321 = arith.constant 0 : i32
      %dma_start3A_322 = tpu.memref_slice %arg15[%add3A_11, %dma_start3A_321] : memref<10240x128xf32, #tpu.memory_space<vmem_shared>> -> memref<80x128xf32, #tpu.memory_space<vmem_shared>>
      tpu.enqueue_dma source(%arg6 : memref<80x128xf32, #tpu.memory_space<vmem>>) target(%dma_start3A_322 : memref<80x128xf32, #tpu.memory_space<vmem_shared>>) target_semaphore(%run_scoped3A : memref<!tpu.dma_semaphore, #tpu.memory_space<semaphore_mem>>)
      %dma_wait3A_323 = arith.constant 0 : i32
      %dma_wait3A_324 = tpu.memref_slice %arg15[%add3A_11, %dma_wait3A_323] : memref<10240x128xf32, #tpu.memory_space<vmem_shared>> -> memref<80x128xf32, #tpu.memory_space<vmem_shared>>
      %dma_wait3A_325 = arith.constant 0 : i32
      %dma_wait3A_326 = tpu.memref_slice %arg15[%add3A_11, %dma_wait3A_325] : memref<10240x128xf32, #tpu.memory_space<vmem_shared>> -> memref<80x128xf32, #tpu.memory_space<vmem_shared>>
      tpu.wait_dma2 semaphore(%run_scoped3A : memref<!tpu.dma_semaphore, #tpu.memory_space<semaphore_mem>>) src(%arg6 : memref<80x128xf32, #tpu.memory_space<vmem>>) dst(%dma_wait3A_326 : memref<80x128xf32, #tpu.memory_space<vmem_shared>>)
      tpu.yield
    }) : () -> ()
    %add3A_12 = arith.constant 80 : i32
    %add3A_13 = arith.addi %mul3A_2, %add3A_12 : i32
    "tpu.region"() ({
      %run_scoped3A = tpu.sem_alloc : memref<!tpu.dma_semaphore, #tpu.memory_space<semaphore_mem>>
      %dma_start3A_319 = arith.constant 0 : i32
      %dma_start3A_320 = tpu.memref_slice %arg15[%add3A_13, %dma_start3A_319] : memref<10240x128xf32, #tpu.memory_space<vmem_shared>> -> memref<80x128xf32, #tpu.memory_space<vmem_shared>>
      %dma_start3A_321 = arith.constant 0 : i32
      %dma_start3A_322 = tpu.memref_slice %arg15[%add3A_13, %dma_start3A_321] : memref<10240x128xf32, #tpu.memory_space<vmem_shared>> -> memref<80x128xf32, #tpu.memory_space<vmem_shared>>
      tpu.enqueue_dma source(%arg6 : memref<80x128xf32, #tpu.memory_space<vmem>>) target(%dma_start3A_322 : memref<80x128xf32, #tpu.memory_space<vmem_shared>>) target_semaphore(%run_scoped3A : memref<!tpu.dma_semaphore, #tpu.memory_space<semaphore_mem>>)
      %dma_wait3A_323 = arith.constant 0 : i32
      %dma_wait3A_324 = tpu.memref_slice %arg15[%add3A_13, %dma_wait3A_323] : memref<10240x128xf32, #tpu.memory_space<vmem_shared>> -> memref<80x128xf32, #tpu.memory_space<vmem_shared>>
      %dma_wait3A_325 = arith.constant 0 : i32
      %dma_wait3A_326 = tpu.memref_slice %arg15[%add3A_13, %dma_wait3A_325] : memref<10240x128xf32, #tpu.memory_space<vmem_shared>> -> memref<80x128xf32, #tpu.memory_space<vmem_shared>>
      tpu.wait_dma2 semaphore(%run_scoped3A : memref<!tpu.dma_semaphore, #tpu.memory_space<semaphore_mem>>) src(%arg6 : memref<80x128xf32, #tpu.memory_space<vmem>>) dst(%dma_wait3A_326 : memref<80x128xf32, #tpu.memory_space<vmem_shared>>)
      tpu.yield
    }) : () -> ()
    %add3A_14 = arith.constant 160 : i32
    %add3A_15 = arith.addi %mul3A_2, %add3A_14 : i32
    "tpu.region"() ({
      %run_scoped3A = tpu.sem_alloc : memref<!tpu.dma_semaphore, #tpu.memory_space<semaphore_mem>>
      %dma_start3A_319 = arith.constant 0 : i32
      %dma_start3A_320 = tpu.memref_slice %arg15[%add3A_15, %dma_start3A_319] : memref<10240x128xf32, #tpu.memory_space<vmem_shared>> -> memref<80x128xf32, #tpu.memory_space<vmem_shared>>
      %dma_start3A_321 = arith.constant 0 : i32
      %dma_start3A_322 = tpu.memref_slice %arg15[%add3A_15, %dma_start3A_321] : memref<10240x128xf32, #tpu.memory_space<vmem_shared>> -> memref<80x128xf32, #tpu.memory_space<vmem_shared>>
      tpu.enqueue_dma source(%arg6 : memref<80x128xf32, #tpu.memory_space<vmem>>) target(%dma_start3A_322 : memref<80x128xf32, #tpu.memory_space<vmem_shared>>) target_semaphore(%run_scoped3A : memref<!tpu.dma_semaphore, #tpu.memory_space<semaphore_mem>>)
      %dma_wait3A_323 = arith.constant 0 : i32
      %dma_wait3A_324 = tpu.memref_slice %arg15[%add3A_15, %dma_wait3A_323] : memref<10240x128xf32, #tpu.memory_space<vmem_shared>> -> memref<80x128xf32, #tpu.memory_space<vmem_shared>>
      %dma_wait3A_325 = arith.constant 0 : i32
      %dma_wait3A_326 = tpu.memref_slice %arg15[%add3A_15, %dma_wait3A_325] : memref<10240x128xf32, #tpu.memory_space<vmem_shared>> -> memref<80x128xf32, #tpu.memory_space<vmem_shared>>
      tpu.wait_dma2 semaphore(%run_scoped3A : memref<!tpu.dma_semaphore, #tpu.memory_space<semaphore_mem>>) src(%arg6 : memref<80x128xf32, #tpu.memory_space<vmem>>) dst(%dma_wait3A_326 : memref<80x128xf32, #tpu.memory_space<vmem_shared>>)
      tpu.yield
    }) : () -> ()
    %add3A_16 = arith.constant 240 : i32
    %add3A_17 = arith.addi %mul3A_2, %add3A_16 : i32
    "tpu.region"() ({
      %run_scoped3A = tpu.sem_alloc : memref<!tpu.dma_semaphore, #tpu.memory_space<semaphore_mem>>
      %dma_start3A_319 = arith.constant 0 : i32
      %dma_start3A_320 = tpu.memref_slice %arg15[%add3A_17, %dma_start3A_319] : memref<10240x128xf32, #tpu.memory_space<vmem_shared>> -> memref<80x128xf32, #tpu.memory_space<vmem_shared>>
      %dma_start3A_321 = arith.constant 0 : i32
      %dma_start3A_322 = tpu.memref_slice %arg15[%add3A_17, %dma_start3A_321] : memref<10240x128xf32, #tpu.memory_space<vmem_shared>> -> memref<80x128xf32, #tpu.memory_space<vmem_shared>>
      tpu.enqueue_dma source(%arg6 : memref<80x128xf32, #tpu.memory_space<vmem>>) target(%dma_start3A_322 : memref<80x128xf32, #tpu.memory_space<vmem_shared>>) target_semaphore(%run_scoped3A : memref<!tpu.dma_semaphore, #tpu.memory_space<semaphore_mem>>)
      %dma_wait3A_323 = arith.constant 0 : i32
      %dma_wait3A_324 = tpu.memref_slice %arg15[%add3A_17, %dma_wait3A_323] : memref<10240x128xf32, #tpu.memory_space<vmem_shared>> -> memref<80x128xf32, #tpu.memory_space<vmem_shared>>
      %dma_wait3A_325 = arith.constant 0 : i32
      %dma_wait3A_326 = tpu.memref_slice %arg15[%add3A_17, %dma_wait3A_325] : memref<10240x128xf32, #tpu.memory_space<vmem_shared>> -> memref<80x128xf32, #tpu.memory_space<vmem_shared>>
      tpu.wait_dma2 semaphore(%run_scoped3A : memref<!tpu.dma_semaphore, #tpu.memory_space<semaphore_mem>>) src(%arg6 : memref<80x128xf32, #tpu.memory_space<vmem>>) dst(%dma_wait3A_326 : memref<80x128xf32, #tpu.memory_space<vmem_shared>>)
      tpu.yield
    }) : () -> ()
    %add3A_18 = arith.constant 320 : i32
    %add3A_19 = arith.addi %mul3A_2, %add3A_18 : i32
    "tpu.region"() ({
      %run_scoped3A = tpu.sem_alloc : memref<!tpu.dma_semaphore, #tpu.memory_space<semaphore_mem>>
      %dma_start3A_319 = arith.constant 0 : i32
      %dma_start3A_320 = tpu.memref_slice %arg15[%add3A_19, %dma_start3A_319] : memref<10240x128xf32, #tpu.memory_space<vmem_shared>> -> memref<80x128xf32, #tpu.memory_space<vmem_shared>>
      %dma_start3A_321 = arith.constant 0 : i32
      %dma_start3A_322 = tpu.memref_slice %arg15[%add3A_19, %dma_start3A_321] : memref<10240x128xf32, #tpu.memory_space<vmem_shared>> -> memref<80x128xf32, #tpu.memory_space<vmem_shared>>
      tpu.enqueue_dma source(%arg6 : memref<80x128xf32, #tpu.memory_space<vmem>>) target(%dma_start3A_322 : memref<80x128xf32, #tpu.memory_space<vmem_shared>>) target_semaphore(%run_scoped3A : memref<!tpu.dma_semaphore, #tpu.memory_space<semaphore_mem>>)
      %dma_wait3A_323 = arith.constant 0 : i32
      %dma_wait3A_324 = tpu.memref_slice %arg15[%add3A_19, %dma_wait3A_323] : memref<10240x128xf32, #tpu.memory_space<vmem_shared>> -> memref<80x128xf32, #tpu.memory_space<vmem_shared>>
      %dma_wait3A_325 = arith.constant 0 : i32
      %dma_wait3A_326 = tpu.memref_slice %arg15[%add3A_19, %dma_wait3A_325] : memref<10240x128xf32, #tpu.memory_space<vmem_shared>> -> memref<80x128xf32, #tpu.memory_space<vmem_shared>>
      tpu.wait_dma2 semaphore(%run_scoped3A : memref<!tpu.dma_semaphore, #tpu.memory_space<semaphore_mem>>) src(%arg6 : memref<80x128xf32, #tpu.memory_space<vmem>>) dst(%dma_wait3A_326 : memref<80x128xf32, #tpu.memory_space<vmem_shared>>)
      tpu.yield
    }) : () -> ()
    %add3A_20 = arith.constant 400 : i32
    %add3A_21 = arith.addi %mul3A_2, %add3A_20 : i32
    "tpu.region"() ({
      %run_scoped3A = tpu.sem_alloc : memref<!tpu.dma_semaphore, #tpu.memory_space<semaphore_mem>>
      %dma_start3A_319 = arith.constant 0 : i32
      %dma_start3A_320 = tpu.memref_slice %arg15[%add3A_21, %dma_start3A_319] : memref<10240x128xf32, #tpu.memory_space<vmem_shared>> -> memref<80x128xf32, #tpu.memory_space<vmem_shared>>
      %dma_start3A_321 = arith.constant 0 : i32
      %dma_start3A_322 = tpu.memref_slice %arg15[%add3A_21, %dma_start3A_321] : memref<10240x128xf32, #tpu.memory_space<vmem_shared>> -> memref<80x128xf32, #tpu.memory_space<vmem_shared>>
      tpu.enqueue_dma source(%arg6 : memref<80x128xf32, #tpu.memory_space<vmem>>) target(%dma_start3A_322 : memref<80x128xf32, #tpu.memory_space<vmem_shared>>) target_semaphore(%run_scoped3A : memref<!tpu.dma_semaphore, #tpu.memory_space<semaphore_mem>>)
      %dma_wait3A_323 = arith.constant 0 : i32
      %dma_wait3A_324 = tpu.memref_slice %arg15[%add3A_21, %dma_wait3A_323] : memref<10240x128xf32, #tpu.memory_space<vmem_shared>> -> memref<80x128xf32, #tpu.memory_space<vmem_shared>>
      %dma_wait3A_325 = arith.constant 0 : i32
      %dma_wait3A_326 = tpu.memref_slice %arg15[%add3A_21, %dma_wait3A_325] : memref<10240x128xf32, #tpu.memory_space<vmem_shared>> -> memref<80x128xf32, #tpu.memory_space<vmem_shared>>
      tpu.wait_dma2 semaphore(%run_scoped3A : memref<!tpu.dma_semaphore, #tpu.memory_space<semaphore_mem>>) src(%arg6 : memref<80x128xf32, #tpu.memory_space<vmem>>) dst(%dma_wait3A_326 : memref<80x128xf32, #tpu.memory_space<vmem_shared>>)
      tpu.yield
    }) : () -> ()
    %add3A_22 = arith.constant 480 : i32
    %add3A_23 = arith.addi %mul3A_2, %add3A_22 : i32
    "tpu.region"() ({
      %run_scoped3A = tpu.sem_alloc : memref<!tpu.dma_semaphore, #tpu.memory_space<semaphore_mem>>
      %dma_start3A_319 = arith.constant 0 : i32
      %dma_start3A_320 = tpu.memref_slice %arg15[%add3A_23, %dma_start3A_319] : memref<10240x128xf32, #tpu.memory_space<vmem_shared>> -> memref<80x128xf32, #tpu.memory_space<vmem_shared>>
      %dma_start3A_321 = arith.constant 0 : i32
      %dma_start3A_322 = tpu.memref_slice %arg15[%add3A_23, %dma_start3A_321] : memref<10240x128xf32, #tpu.memory_space<vmem_shared>> -> memref<80x128xf32, #tpu.memory_space<vmem_shared>>
      tpu.enqueue_dma source(%arg6 : memref<80x128xf32, #tpu.memory_space<vmem>>) target(%dma_start3A_322 : memref<80x128xf32, #tpu.memory_space<vmem_shared>>) target_semaphore(%run_scoped3A : memref<!tpu.dma_semaphore, #tpu.memory_space<semaphore_mem>>)
      %dma_wait3A_323 = arith.constant 0 : i32
      %dma_wait3A_324 = tpu.memref_slice %arg15[%add3A_23, %dma_wait3A_323] : memref<10240x128xf32, #tpu.memory_space<vmem_shared>> -> memref<80x128xf32, #tpu.memory_space<vmem_shared>>
      %dma_wait3A_325 = arith.constant 0 : i32
      %dma_wait3A_326 = tpu.memref_slice %arg15[%add3A_23, %dma_wait3A_325] : memref<10240x128xf32, #tpu.memory_space<vmem_shared>> -> memref<80x128xf32, #tpu.memory_space<vmem_shared>>
      tpu.wait_dma2 semaphore(%run_scoped3A : memref<!tpu.dma_semaphore, #tpu.memory_space<semaphore_mem>>) src(%arg6 : memref<80x128xf32, #tpu.memory_space<vmem>>) dst(%dma_wait3A_326 : memref<80x128xf32, #tpu.memory_space<vmem_shared>>)
      tpu.yield
    }) : () -> ()
    %add3A_24 = arith.constant 560 : i32
    %add3A_25 = arith.addi %mul3A_2, %add3A_24 : i32
    "tpu.region"() ({
      %run_scoped3A = tpu.sem_alloc : memref<!tpu.dma_semaphore, #tpu.memory_space<semaphore_mem>>
      %dma_start3A_319 = arith.constant 0 : i32
      %dma_start3A_320 = tpu.memref_slice %arg15[%add3A_25, %dma_start3A_319] : memref<10240x128xf32, #tpu.memory_space<vmem_shared>> -> memref<80x128xf32, #tpu.memory_space<vmem_shared>>
      %dma_start3A_321 = arith.constant 0 : i32
      %dma_start3A_322 = tpu.memref_slice %arg15[%add3A_25, %dma_start3A_321] : memref<10240x128xf32, #tpu.memory_space<vmem_shared>> -> memref<80x128xf32, #tpu.memory_space<vmem_shared>>
      tpu.enqueue_dma source(%arg6 : memref<80x128xf32, #tpu.memory_space<vmem>>) target(%dma_start3A_322 : memref<80x128xf32, #tpu.memory_space<vmem_shared>>) target_semaphore(%run_scoped3A : memref<!tpu.dma_semaphore, #tpu.memory_space<semaphore_mem>>)
      %dma_wait3A_323 = arith.constant 0 : i32
      %dma_wait3A_324 = tpu.memref_slice %arg15[%add3A_25, %dma_wait3A_323] : memref<10240x128xf32, #tpu.memory_space<vmem_shared>> -> memref<80x128xf32, #tpu.memory_space<vmem_shared>>
      %dma_wait3A_325 = arith.constant 0 : i32
      %dma_wait3A_326 = tpu.memref_slice %arg15[%add3A_25, %dma_wait3A_325] : memref<10240x128xf32, #tpu.memory_space<vmem_shared>> -> memref<80x128xf32, #tpu.memory_space<vmem_shared>>
      tpu.wait_dma2 semaphore(%run_scoped3A : memref<!tpu.dma_semaphore, #tpu.memory_space<semaphore_mem>>) src(%arg6 : memref<80x128xf32, #tpu.memory_space<vmem>>) dst(%dma_wait3A_326 : memref<80x128xf32, #tpu.memory_space<vmem_shared>>)
      tpu.yield
    }) : () -> ()
    %scan3A_26 = arith.constant 0 : i32
    %scan3A_27 = arith.constant 0 : i32
    %scan3A_28 = arith.constant 640 : i32
    %scan3A_29 = arith.addi %scan3A_27, %scan3A_28 : i32
    %scan3A_30 = arith.constant 1 : i32
    scf.for %scan3A_319 = %scan3A_27 to %scan3A_29 step %scan3A_30  : i32 {
      %broadcast_in_dim3A_320 = arith.constant 0.000000e+00 : f32
      %broadcast_in_dim3A_321 = vector.broadcast %broadcast_in_dim3A_320 : f32 to vector<16xf32>
      %mul3A_322 = arith.constant 16 : i32
      %mul3A_323 = arith.muli %scan3A_319, %mul3A_322 : i32
      %swap3A = arith.index_cast %mul3A_323 : i32 to index
      %swap3A_324 = tpu.vector_load %arg28[%swap3A] {strides = array<i32>} : memref<10240xf32, #tpu.memory_space<vmem>>, vector<16xf32>,
      tpu.vector_store %arg28[%swap3A], %broadcast_in_dim3A_321 {strides = array<i32>} : memref<10240xf32, #tpu.memory_space<vmem>>, vector<16xf32>,
    }
    %scan3A_31 = arith.constant 640 : i32
    %barrier3A = arith.constant 0 : index
    tpu.barrier barrier_id(%barrier3A)
    %add3A_32 = arith.constant 0 : i32
    %add3A_33 = arith.addi %mul3A_4, %add3A_32 : i32
    %multiple_of3A = tpu.assume_multiple %add3A_33, 8 : i32
    %dma_start3A = tpu.memref_slice %arg3[%multiple_of3A] : memref<640000xi32, #tpu.memory_space<hbm>> -> memref<80xi32, #tpu.memory_space<hbm>>
    %dma_start3A_34 = tpu.memref_slice %arg3[%multiple_of3A] : memref<640000xi32, #tpu.memory_space<hbm>> -> memref<80xi32, #tpu.memory_space<hbm>>
    tpu.enqueue_dma source(%dma_start3A_34 : memref<80xi32, #tpu.memory_space<hbm>>) target(%arg9 : memref<80xi32, #tpu.memory_space<vmem>>) target_semaphore(%arg19 : memref<!tpu.dma_semaphore, #tpu.memory_space<semaphore_mem>>)
    %add3A_35 = arith.constant 320000 : i32
    %add3A_36 = arith.addi %add3A_35, %mul3A_4 : i32
    %add3A_37 = arith.constant 0 : i32
    %add3A_38 = arith.addi %add3A_36, %add3A_37 : i32
    %multiple_of3A_39 = tpu.assume_multiple %add3A_38, 8 : i32
    %dma_start3A_40 = tpu.memref_slice %arg3[%multiple_of3A_39] : memref<640000xi32, #tpu.memory_space<hbm>> -> memref<80xi32, #tpu.memory_space<hbm>>
    %dma_start3A_41 = tpu.memref_slice %arg3[%multiple_of3A_39] : memref<640000xi32, #tpu.memory_space<hbm>> -> memref<80xi32, #tpu.memory_space<hbm>>
    tpu.enqueue_dma source(%dma_start3A_41 : memref<80xi32, #tpu.memory_space<hbm>>) target(%arg12 : memref<80xi32, #tpu.memory_space<vmem>>) target_semaphore(%arg22 : memref<!tpu.dma_semaphore, #tpu.memory_space<semaphore_mem>>)
    %add3A_42 = arith.constant 0 : i32
    %add3A_43 = arith.addi %mul3A_4, %add3A_42 : i32
    %multiple_of3A_44 = tpu.assume_multiple %add3A_43, 8 : i32
    %dma_wait3A = tpu.memref_slice %arg3[%multiple_of3A_44] : memref<640000xi32, #tpu.memory_space<hbm>> -> memref<80xi32, #tpu.memory_space<hbm>>
    %dma_wait3A_45 = tpu.memref_slice %arg3[%multiple_of3A_44] : memref<640000xi32, #tpu.memory_space<hbm>> -> memref<80xi32, #tpu.memory_space<hbm>>
    tpu.wait_dma2 semaphore(%arg19 : memref<!tpu.dma_semaphore, #tpu.memory_space<semaphore_mem>>) src(%dma_wait3A_45 : memref<80xi32, #tpu.memory_space<hbm>>) dst(%arg9 : memref<80xi32, #tpu.memory_space<vmem>>)
    %dma_start3A_46 = arith.constant 0 : i32
    %dma_start3A_47 = arith.constant 0 : i32
    %dma_start3A_48 = tpu.memref_slice %arg2[%dma_start3A_46, %dma_start3A_47] : memref<10000x128xf32, #tpu.memory_space<hbm>> -> memref<10000x128xf32, #tpu.memory_space<hbm>>
    tpu.enqueue_indirect_dma source(%dma_start3A_48 : memref<10000x128xf32, #tpu.memory_space<hbm>>) target(%arg6 : memref<80x128xf32, #tpu.memory_space<vmem>>) offsets(%arg9 : memref<80xi32, #tpu.memory_space<vmem>>) semaphore(%arg16 : memref<!tpu.dma_semaphore, #tpu.memory_space<semaphore_mem>>)
    %add3A_49 = arith.constant 80 : i32
    %add3A_50 = arith.addi %mul3A_4, %add3A_49 : i32
    %multiple_of3A_51 = tpu.assume_multiple %add3A_50, 8 : i32
    %dma_start3A_52 = tpu.memref_slice %arg3[%multiple_of3A_51] : memref<640000xi32, #tpu.memory_space<hbm>> -> memref<80xi32, #tpu.memory_space<hbm>>
    %dma_start3A_53 = tpu.memref_slice %arg3[%multiple_of3A_51] : memref<640000xi32, #tpu.memory_space<hbm>> -> memref<80xi32, #tpu.memory_space<hbm>>
    tpu.enqueue_dma source(%dma_start3A_53 : memref<80xi32, #tpu.memory_space<hbm>>) target(%arg10 : memref<80xi32, #tpu.memory_space<vmem>>) target_semaphore(%arg20 : memref<!tpu.dma_semaphore, #tpu.memory_space<semaphore_mem>>)
    %add3A_54 = arith.constant 320000 : i32
    %add3A_55 = arith.addi %add3A_54, %mul3A_4 : i32
    %add3A_56 = arith.constant 80 : i32
    %add3A_57 = arith.addi %add3A_55, %add3A_56 : i32
    %multiple_of3A_58 = tpu.assume_multiple %add3A_57, 8 : i32
    %dma_start3A_59 = tpu.memref_slice %arg3[%multiple_of3A_58] : memref<640000xi32, #tpu.memory_space<hbm>> -> memref<80xi32, #tpu.memory_space<hbm>>
    %dma_start3A_60 = tpu.memref_slice %arg3[%multiple_of3A_58] : memref<640000xi32, #tpu.memory_space<hbm>> -> memref<80xi32, #tpu.memory_space<hbm>>
    tpu.enqueue_dma source(%dma_start3A_60 : memref<80xi32, #tpu.memory_space<hbm>>) target(%arg13 : memref<80xi32, #tpu.memory_space<vmem>>) target_semaphore(%arg23 : memref<!tpu.dma_semaphore, #tpu.memory_space<semaphore_mem>>)
    %add3A_61 = arith.constant 80 : i32
    %add3A_62 = arith.addi %mul3A_4, %add3A_61 : i32
    %multiple_of3A_63 = tpu.assume_multiple %add3A_62, 8 : i32
    %dma_wait3A_64 = tpu.memref_slice %arg3[%multiple_of3A_63] : memref<640000xi32, #tpu.memory_space<hbm>> -> memref<80xi32, #tpu.memory_space<hbm>>
    %dma_wait3A_65 = tpu.memref_slice %arg3[%multiple_of3A_63] : memref<640000xi32, #tpu.memory_space<hbm>> -> memref<80xi32, #tpu.memory_space<hbm>>
    tpu.wait_dma2 semaphore(%arg20 : memref<!tpu.dma_semaphore, #tpu.memory_space<semaphore_mem>>) src(%dma_wait3A_65 : memref<80xi32, #tpu.memory_space<hbm>>) dst(%arg10 : memref<80xi32, #tpu.memory_space<vmem>>)
    %dma_start3A_66 = arith.constant 0 : i32
    %dma_start3A_67 = arith.constant 0 : i32
    %dma_start3A_68 = tpu.memref_slice %arg2[%dma_start3A_66, %dma_start3A_67] : memref<10000x128xf32, #tpu.memory_space<hbm>> -> memref<10000x128xf32, #tpu.memory_space<hbm>>
    tpu.enqueue_indirect_dma source(%dma_start3A_68 : memref<10000x128xf32, #tpu.memory_space<hbm>>) target(%arg7 : memref<80x128xf32, #tpu.memory_space<vmem>>) offsets(%arg10 : memref<80xi32, #tpu.memory_space<vmem>>) semaphore(%arg17 : memref<!tpu.dma_semaphore, #tpu.memory_space<semaphore_mem>>)
    %add3A_69 = arith.constant 160 : i32
    %add3A_70 = arith.addi %mul3A_4, %add3A_69 : i32
    %multiple_of3A_71 = tpu.assume_multiple %add3A_70, 8 : i32
    %dma_start3A_72 = tpu.memref_slice %arg3[%multiple_of3A_71] : memref<640000xi32, #tpu.memory_space<hbm>> -> memref<80xi32, #tpu.memory_space<hbm>>
    %dma_start3A_73 = tpu.memref_slice %arg3[%multiple_of3A_71] : memref<640000xi32, #tpu.memory_space<hbm>> -> memref<80xi32, #tpu.memory_space<hbm>>
    tpu.enqueue_dma source(%dma_start3A_73 : memref<80xi32, #tpu.memory_space<hbm>>) target(%arg11 : memref<80xi32, #tpu.memory_space<vmem>>) target_semaphore(%arg21 : memref<!tpu.dma_semaphore, #tpu.memory_space<semaphore_mem>>)
    %dma_wait3A_74 = arith.constant 0 : i32
    %dma_wait3A_75 = arith.constant 0 : i32
    %dma_wait3A_76 = tpu.memref_slice %arg2[%dma_wait3A_74, %dma_wait3A_75] : memref<10000x128xf32, #tpu.memory_space<hbm>> -> memref<10000x128xf32, #tpu.memory_space<hbm>>
    tpu.wait_indirect_dma semaphore(%arg16 : memref<!tpu.dma_semaphore, #tpu.memory_space<semaphore_mem>>) src(%dma_wait3A_76 : memref<10000x128xf32, #tpu.memory_space<hbm>>) dst(%arg6 : memref<80x128xf32, #tpu.memory_space<vmem>>)
    %add3A_77 = arith.constant 320000 : i32
    %add3A_78 = arith.addi %add3A_77, %mul3A_4 : i32
    %add3A_79 = arith.constant 0 : i32
    %add3A_80 = arith.addi %add3A_78, %add3A_79 : i32
    %multiple_of3A_81 = tpu.assume_multiple %add3A_80, 8 : i32
    %dma_wait3A_82 = tpu.memref_slice %arg3[%multiple_of3A_81] : memref<640000xi32, #tpu.memory_space<hbm>> -> memref<80xi32, #tpu.memory_space<hbm>>
    %dma_wait3A_83 = tpu.memref_slice %arg3[%multiple_of3A_81] : memref<640000xi32, #tpu.memory_space<hbm>> -> memref<80xi32, #tpu.memory_space<hbm>>
    tpu.wait_dma2 semaphore(%arg22 : memref<!tpu.dma_semaphore, #tpu.memory_space<semaphore_mem>>) src(%dma_wait3A_83 : memref<80xi32, #tpu.memory_space<hbm>>) dst(%arg12 : memref<80xi32, #tpu.memory_space<vmem>>)
    %dma_start3A_84 = arith.constant 0 : i32
    %dma_start3A_85 = arith.constant 0 : i32
    %dma_start3A_86 = tpu.memref_slice %arg15[%dma_start3A_84, %dma_start3A_85] : memref<10240x128xf32, #tpu.memory_space<vmem_shared>> -> memref<10240x128xf32, #tpu.memory_space<vmem_shared>>
    tpu.enqueue_indirect_dma source(%arg6 : memref<80x128xf32, #tpu.memory_space<vmem>>) target(%dma_start3A_86 : memref<10240x128xf32, #tpu.memory_space<vmem_shared>>) offsets(%arg12 : memref<80xi32, #tpu.memory_space<vmem>>) semaphore(%arg25 : memref<!tpu.dma_semaphore, #tpu.memory_space<semaphore_mem>>) {add = true}
    %add3A_87 = arith.constant 240 : i32
    %add3A_88 = arith.addi %mul3A_4, %add3A_87 : i32
    %multiple_of3A_89 = tpu.assume_multiple %add3A_88, 8 : i32
    %dma_start3A_90 = tpu.memref_slice %arg3[%multiple_of3A_89] : memref<640000xi32, #tpu.memory_space<hbm>> -> memref<80xi32, #tpu.memory_space<hbm>>
    %dma_start3A_91 = tpu.memref_slice %arg3[%multiple_of3A_89] : memref<640000xi32, #tpu.memory_space<hbm>> -> memref<80xi32, #tpu.memory_space<hbm>>
    tpu.enqueue_dma source(%dma_start3A_91 : memref<80xi32, #tpu.memory_space<hbm>>) target(%arg9 : memref<80xi32, #tpu.memory_space<vmem>>) target_semaphore(%arg19 : memref<!tpu.dma_semaphore, #tpu.memory_space<semaphore_mem>>)
    %add3A_92 = arith.constant 320000 : i32
    %add3A_93 = arith.addi %add3A_92, %mul3A_4 : i32
    %add3A_94 = arith.constant 160 : i32
    %add3A_95 = arith.addi %add3A_93, %add3A_94 : i32
    %multiple_of3A_96 = tpu.assume_multiple %add3A_95, 8 : i32
    %dma_start3A_97 = tpu.memref_slice %arg3[%multiple_of3A_96] : memref<640000xi32, #tpu.memory_space<hbm>> -> memref<80xi32, #tpu.memory_space<hbm>>
    %dma_start3A_98 = tpu.memref_slice %arg3[%multiple_of3A_96] : memref<640000xi32, #tpu.memory_space<hbm>> -> memref<80xi32, #tpu.memory_space<hbm>>
    tpu.enqueue_dma source(%dma_start3A_98 : memref<80xi32, #tpu.memory_space<hbm>>) target(%arg14 : memref<80xi32, #tpu.memory_space<vmem>>) target_semaphore(%arg24 : memref<!tpu.dma_semaphore, #tpu.memory_space<semaphore_mem>>)
    %add3A_99 = arith.constant 160 : i32
    %add3A_100 = arith.addi %mul3A_4, %add3A_99 : i32
    %multiple_of3A_101 = tpu.assume_multiple %add3A_100, 8 : i32
    %dma_wait3A_102 = tpu.memref_slice %arg3[%multiple_of3A_101] : memref<640000xi32, #tpu.memory_space<hbm>> -> memref<80xi32, #tpu.memory_space<hbm>>
    %dma_wait3A_103 = tpu.memref_slice %arg3[%multiple_of3A_101] : memref<640000xi32, #tpu.memory_space<hbm>> -> memref<80xi32, #tpu.memory_space<hbm>>
    tpu.wait_dma2 semaphore(%arg21 : memref<!tpu.dma_semaphore, #tpu.memory_space<semaphore_mem>>) src(%dma_wait3A_103 : memref<80xi32, #tpu.memory_space<hbm>>) dst(%arg11 : memref<80xi32, #tpu.memory_space<vmem>>)
    %get3A = arith.constant 0 : index
    %get3A_104 = tpu.vector_load %arg12[%get3A] {strides = array<i32>} : memref<80xi32, #tpu.memory_space<vmem>>, vector<16xi32>,
    %broadcast_in_dim3A = arith.constant 1.000000e+00 : f32
    %broadcast_in_dim3A_105 = vector.broadcast %broadcast_in_dim3A : f32 to vector<16xf32>
    tpu.vector_store_idx %arg28[%get3A_104], %broadcast_in_dim3A_105 {add = true} : memref<10240xf32, #tpu.memory_space<vmem>>[vector<16xi32>], vector<16xf32>,
    %get3A_106 = arith.constant 16 : index
    %get3A_107 = tpu.vector_load %arg12[%get3A_106] {strides = array<i32>} : memref<80xi32, #tpu.memory_space<vmem>>, vector<16xi32>,
    %broadcast_in_dim3A_108 = arith.constant 1.000000e+00 : f32
    %broadcast_in_dim3A_109 = vector.broadcast %broadcast_in_dim3A_108 : f32 to vector<16xf32>
    tpu.vector_store_idx %arg28[%get3A_107], %broadcast_in_dim3A_109 {add = true} : memref<10240xf32, #tpu.memory_space<vmem>>[vector<16xi32>], vector<16xf32>,
    %get3A_110 = arith.constant 32 : index
    %get3A_111 = tpu.vector_load %arg12[%get3A_110] {strides = array<i32>} : memref<80xi32, #tpu.memory_space<vmem>>, vector<16xi32>,
    %broadcast_in_dim3A_112 = arith.constant 1.000000e+00 : f32
    %broadcast_in_dim3A_113 = vector.broadcast %broadcast_in_dim3A_112 : f32 to vector<16xf32>
    tpu.vector_store_idx %arg28[%get3A_111], %broadcast_in_dim3A_113 {add = true} : memref<10240xf32, #tpu.memory_space<vmem>>[vector<16xi32>], vector<16xf32>,
    %get3A_114 = arith.constant 48 : index
    %get3A_115 = tpu.vector_load %arg12[%get3A_114] {strides = array<i32>} : memref<80xi32, #tpu.memory_space<vmem>>, vector<16xi32>,
    %broadcast_in_dim3A_116 = arith.constant 1.000000e+00 : f32
    %broadcast_in_dim3A_117 = vector.broadcast %broadcast_in_dim3A_116 : f32 to vector<16xf32>
    tpu.vector_store_idx %arg28[%get3A_115], %broadcast_in_dim3A_117 {add = true} : memref<10240xf32, #tpu.memory_space<vmem>>[vector<16xi32>], vector<16xf32>,
    %get3A_118 = arith.constant 64 : index
    %get3A_119 = tpu.vector_load %arg12[%get3A_118] {strides = array<i32>} : memref<80xi32, #tpu.memory_space<vmem>>, vector<16xi32>,
    %broadcast_in_dim3A_120 = arith.constant 1.000000e+00 : f32
    %broadcast_in_dim3A_121 = vector.broadcast %broadcast_in_dim3A_120 : f32 to vector<16xf32>
    tpu.vector_store_idx %arg28[%get3A_119], %broadcast_in_dim3A_121 {add = true} : memref<10240xf32, #tpu.memory_space<vmem>>[vector<16xi32>], vector<16xf32>,
    %dma_wait3A_122 = arith.constant 0 : i32
    %dma_wait3A_123 = arith.constant 0 : i32
    %dma_wait3A_124 = tpu.memref_slice %arg15[%dma_wait3A_122, %dma_wait3A_123] : memref<10240x128xf32, #tpu.memory_space<vmem_shared>> -> memref<10240x128xf32, #tpu.memory_space<vmem_shared>>
    tpu.wait_indirect_dma semaphore(%arg25 : memref<!tpu.dma_semaphore, #tpu.memory_space<semaphore_mem>>) src(%arg6 : memref<80x128xf32, #tpu.memory_space<vmem>>) dst(%dma_wait3A_124 : memref<10240x128xf32, #tpu.memory_space<vmem_shared>>)
    %dma_start3A_125 = arith.constant 0 : i32
    %dma_start3A_126 = arith.constant 0 : i32
    %dma_start3A_127 = tpu.memref_slice %arg2[%dma_start3A_125, %dma_start3A_126] : memref<10000x128xf32, #tpu.memory_space<hbm>> -> memref<10000x128xf32, #tpu.memory_space<hbm>>
    tpu.enqueue_indirect_dma source(%dma_start3A_127 : memref<10000x128xf32, #tpu.memory_space<hbm>>) target(%arg8 : memref<80x128xf32, #tpu.memory_space<vmem>>) offsets(%arg11 : memref<80xi32, #tpu.memory_space<vmem>>) semaphore(%arg18 : memref<!tpu.dma_semaphore, #tpu.memory_space<semaphore_mem>>)
    %dma_wait3A_128 = arith.constant 0 : i32
    %dma_wait3A_129 = arith.constant 0 : i32
    %dma_wait3A_130 = tpu.memref_slice %arg2[%dma_wait3A_128, %dma_wait3A_129] : memref<10000x128xf32, #tpu.memory_space<hbm>> -> memref<10000x128xf32, #tpu.memory_space<hbm>>
    tpu.wait_indirect_dma semaphore(%arg17 : memref<!tpu.dma_semaphore, #tpu.memory_space<semaphore_mem>>) src(%dma_wait3A_130 : memref<10000x128xf32, #tpu.memory_space<hbm>>) dst(%arg7 : memref<80x128xf32, #tpu.memory_space<vmem>>)
    %add3A_131 = arith.constant 320000 : i32
    %add3A_132 = arith.addi %add3A_131, %mul3A_4 : i32
    %add3A_133 = arith.constant 80 : i32
    %add3A_134 = arith.addi %add3A_132, %add3A_133 : i32
    %multiple_of3A_135 = tpu.assume_multiple %add3A_134, 8 : i32
    %dma_wait3A_136 = tpu.memref_slice %arg3[%multiple_of3A_135] : memref<640000xi32, #tpu.memory_space<hbm>> -> memref<80xi32, #tpu.memory_space<hbm>>
    %dma_wait3A_137 = tpu.memref_slice %arg3[%multiple_of3A_135] : memref<640000xi32, #tpu.memory_space<hbm>> -> memref<80xi32, #tpu.memory_space<hbm>>
    tpu.wait_dma2 semaphore(%arg23 : memref<!tpu.dma_semaphore, #tpu.memory_space<semaphore_mem>>) src(%dma_wait3A_137 : memref<80xi32, #tpu.memory_space<hbm>>) dst(%arg13 : memref<80xi32, #tpu.memory_space<vmem>>)
    %dma_start3A_138 = arith.constant 0 : i32
    %dma_start3A_139 = arith.constant 0 : i32
    %dma_start3A_140 = tpu.memref_slice %arg15[%dma_start3A_138, %dma_start3A_139] : memref<10240x128xf32, #tpu.memory_space<vmem_shared>> -> memref<10240x128xf32, #tpu.memory_space<vmem_shared>>
    tpu.enqueue_indirect_dma source(%arg7 : memref<80x128xf32, #tpu.memory_space<vmem>>) target(%dma_start3A_140 : memref<10240x128xf32, #tpu.memory_space<vmem_shared>>) offsets(%arg13 : memref<80xi32, #tpu.memory_space<vmem>>) semaphore(%arg26 : memref<!tpu.dma_semaphore, #tpu.memory_space<semaphore_mem>>) {add = true}
    %add3A_141 = arith.constant 320 : i32
    %add3A_142 = arith.addi %mul3A_4, %add3A_141 : i32
    %multiple_of3A_143 = tpu.assume_multiple %add3A_142, 8 : i32
    %dma_start3A_144 = tpu.memref_slice %arg3[%multiple_of3A_143] : memref<640000xi32, #tpu.memory_space<hbm>> -> memref<80xi32, #tpu.memory_space<hbm>>
    %dma_start3A_145 = tpu.memref_slice %arg3[%multiple_of3A_143] : memref<640000xi32, #tpu.memory_space<hbm>> -> memref<80xi32, #tpu.memory_space<hbm>>
    tpu.enqueue_dma source(%dma_start3A_145 : memref<80xi32, #tpu.memory_space<hbm>>) target(%arg10 : memref<80xi32, #tpu.memory_space<vmem>>) target_semaphore(%arg20 : memref<!tpu.dma_semaphore, #tpu.memory_space<semaphore_mem>>)
    %add3A_146 = arith.constant 320000 : i32
    %add3A_147 = arith.addi %add3A_146, %mul3A_4 : i32
    %add3A_148 = arith.constant 240 : i32
    %add3A_149 = arith.addi %add3A_147, %add3A_148 : i32
    %multiple_of3A_150 = tpu.assume_multiple %add3A_149, 8 : i32
    %dma_start3A_151 = tpu.memref_slice %arg3[%multiple_of3A_150] : memref<640000xi32, #tpu.memory_space<hbm>> -> memref<80xi32, #tpu.memory_space<hbm>>
    %dma_start3A_152 = tpu.memref_slice %arg3[%multiple_of3A_150] : memref<640000xi32, #tpu.memory_space<hbm>> -> memref<80xi32, #tpu.memory_space<hbm>>
    tpu.enqueue_dma source(%dma_start3A_152 : memref<80xi32, #tpu.memory_space<hbm>>) target(%arg12 : memref<80xi32, #tpu.memory_space<vmem>>) target_semaphore(%arg22 : memref<!tpu.dma_semaphore, #tpu.memory_space<semaphore_mem>>)
    %add3A_153 = arith.constant 240 : i32
    %add3A_154 = arith.addi %mul3A_4, %add3A_153 : i32
    %multiple_of3A_155 = tpu.assume_multiple %add3A_154, 8 : i32
    %dma_wait3A_156 = tpu.memref_slice %arg3[%multiple_of3A_155] : memref<640000xi32, #tpu.memory_space<hbm>> -> memref<80xi32, #tpu.memory_space<hbm>>
    %dma_wait3A_157 = tpu.memref_slice %arg3[%multiple_of3A_155] : memref<640000xi32, #tpu.memory_space<hbm>> -> memref<80xi32, #tpu.memory_space<hbm>>
    tpu.wait_dma2 semaphore(%arg19 : memref<!tpu.dma_semaphore, #tpu.memory_space<semaphore_mem>>) src(%dma_wait3A_157 : memref<80xi32, #tpu.memory_space<hbm>>) dst(%arg9 : memref<80xi32, #tpu.memory_space<vmem>>)
    %get3A_158 = arith.constant 0 : index
    %get3A_159 = tpu.vector_load %arg13[%get3A_158] {strides = array<i32>} : memref<80xi32, #tpu.memory_space<vmem>>, vector<16xi32>,
    %broadcast_in_dim3A_160 = arith.constant 1.000000e+00 : f32
    %broadcast_in_dim3A_161 = vector.broadcast %broadcast_in_dim3A_160 : f32 to vector<16xf32>
    tpu.vector_store_idx %arg28[%get3A_159], %broadcast_in_dim3A_161 {add = true} : memref<10240xf32, #tpu.memory_space<vmem>>[vector<16xi32>], vector<16xf32>,
    %get3A_162 = arith.constant 16 : index
    %get3A_163 = tpu.vector_load %arg13[%get3A_162] {strides = array<i32>} : memref<80xi32, #tpu.memory_space<vmem>>, vector<16xi32>,
    %broadcast_in_dim3A_164 = arith.constant 1.000000e+00 : f32
    %broadcast_in_dim3A_165 = vector.broadcast %broadcast_in_dim3A_164 : f32 to vector<16xf32>
    tpu.vector_store_idx %arg28[%get3A_163], %broadcast_in_dim3A_165 {add = true} : memref<10240xf32, #tpu.memory_space<vmem>>[vector<16xi32>], vector<16xf32>,
    %get3A_166 = arith.constant 32 : index
    %get3A_167 = tpu.vector_load %arg13[%get3A_166] {strides = array<i32>} : memref<80xi32, #tpu.memory_space<vmem>>, vector<16xi32>,
    %broadcast_in_dim3A_168 = arith.constant 1.000000e+00 : f32
    %broadcast_in_dim3A_169 = vector.broadcast %broadcast_in_dim3A_168 : f32 to vector<16xf32>
    tpu.vector_store_idx %arg28[%get3A_167], %broadcast_in_dim3A_169 {add = true} : memref<10240xf32, #tpu.memory_space<vmem>>[vector<16xi32>], vector<16xf32>,
    %get3A_170 = arith.constant 48 : index
    %get3A_171 = tpu.vector_load %arg13[%get3A_170] {strides = array<i32>} : memref<80xi32, #tpu.memory_space<vmem>>, vector<16xi32>,
    %broadcast_in_dim3A_172 = arith.constant 1.000000e+00 : f32
    %broadcast_in_dim3A_173 = vector.broadcast %broadcast_in_dim3A_172 : f32 to vector<16xf32>
    tpu.vector_store_idx %arg28[%get3A_171], %broadcast_in_dim3A_173 {add = true} : memref<10240xf32, #tpu.memory_space<vmem>>[vector<16xi32>], vector<16xf32>,
    %get3A_174 = arith.constant 64 : index
    %get3A_175 = tpu.vector_load %arg13[%get3A_174] {strides = array<i32>} : memref<80xi32, #tpu.memory_space<vmem>>, vector<16xi32>,
    %broadcast_in_dim3A_176 = arith.constant 1.000000e+00 : f32
    %broadcast_in_dim3A_177 = vector.broadcast %broadcast_in_dim3A_176 : f32 to vector<16xf32>
    tpu.vector_store_idx %arg28[%get3A_175], %broadcast_in_dim3A_177 {add = true} : memref<10240xf32, #tpu.memory_space<vmem>>[vector<16xi32>], vector<16xf32>,
    %dma_wait3A_178 = arith.constant 0 : i32
    %dma_wait3A_179 = arith.constant 0 : i32
    %dma_wait3A_180 = tpu.memref_slice %arg15[%dma_wait3A_178, %dma_wait3A_179] : memref<10240x128xf32, #tpu.memory_space<vmem_shared>> -> memref<10240x128xf32, #tpu.memory_space<vmem_shared>>
    tpu.wait_indirect_dma semaphore(%arg26 : memref<!tpu.dma_semaphore, #tpu.memory_space<semaphore_mem>>) src(%arg7 : memref<80x128xf32, #tpu.memory_space<vmem>>) dst(%dma_wait3A_180 : memref<10240x128xf32, #tpu.memory_space<vmem_shared>>)
    %dma_start3A_181 = arith.constant 0 : i32
    %dma_start3A_182 = arith.constant 0 : i32
    %dma_start3A_183 = tpu.memref_slice %arg2[%dma_start3A_181, %dma_start3A_182] : memref<10000x128xf32, #tpu.memory_space<hbm>> -> memref<10000x128xf32, #tpu.memory_space<hbm>>
    tpu.enqueue_indirect_dma source(%dma_start3A_183 : memref<10000x128xf32, #tpu.memory_space<hbm>>) target(%arg6 : memref<80x128xf32, #tpu.memory_space<vmem>>) offsets(%arg9 : memref<80xi32, #tpu.memory_space<vmem>>) semaphore(%arg16 : memref<!tpu.dma_semaphore, #tpu.memory_space<semaphore_mem>>)
    %dma_wait3A_184 = arith.constant 0 : i32
    %dma_wait3A_185 = arith.constant 0 : i32
    %dma_wait3A_186 = tpu.memref_slice %arg2[%dma_wait3A_184, %dma_wait3A_185] : memref<10000x128xf32, #tpu.memory_space<hbm>> -> memref<10000x128xf32, #tpu.memory_space<hbm>>
    tpu.wait_indirect_dma semaphore(%arg18 : memref<!tpu.dma_semaphore, #tpu.memory_space<semaphore_mem>>) src(%dma_wait3A_186 : memref<10000x128xf32, #tpu.memory_space<hbm>>) dst(%arg8 : memref<80x128xf32, #tpu.memory_space<vmem>>)
    %add3A_187 = arith.constant 320000 : i32
    %add3A_188 = arith.addi %add3A_187, %mul3A_4 : i32
    %add3A_189 = arith.constant 160 : i32
    %add3A_190 = arith.addi %add3A_188, %add3A_189 : i32
    %multiple_of3A_191 = tpu.assume_multiple %add3A_190, 8 : i32
    %dma_wait3A_192 = tpu.memref_slice %arg3[%multiple_of3A_191] : memref<640000xi32, #tpu.memory_space<hbm>> -> memref<80xi32, #tpu.memory_space<hbm>>
    %dma_wait3A_193 = tpu.memref_slice %arg3[%multiple_of3A_191] : memref<640000xi32, #tpu.memory_space<hbm>> -> memref<80xi32, #tpu.memory_space<hbm>>
    tpu.wait_dma2 semaphore(%arg24 : memref<!tpu.dma_semaphore, #tpu.memory_space<semaphore_mem>>) src(%dma_wait3A_193 : memref<80xi32, #tpu.memory_space<hbm>>) dst(%arg14 : memref<80xi32, #tpu.memory_space<vmem>>)
    %dma_start3A_194 = arith.constant 0 : i32
    %dma_start3A_195 = arith.constant 0 : i32
    %dma_start3A_196 = tpu.memref_slice %arg15[%dma_start3A_194, %dma_start3A_195] : memref<10240x128xf32, #tpu.memory_space<vmem_shared>> -> memref<10240x128xf32, #tpu.memory_space<vmem_shared>>
    tpu.enqueue_indirect_dma source(%arg8 : memref<80x128xf32, #tpu.memory_space<vmem>>) target(%dma_start3A_196 : memref<10240x128xf32, #tpu.memory_space<vmem_shared>>) offsets(%arg14 : memref<80xi32, #tpu.memory_space<vmem>>) semaphore(%arg27 : memref<!tpu.dma_semaphore, #tpu.memory_space<semaphore_mem>>) {add = true}
    %add3A_197 = arith.constant 400 : i32
    %add3A_198 = arith.addi %mul3A_4, %add3A_197 : i32
    %multiple_of3A_199 = tpu.assume_multiple %add3A_198, 8 : i32
    %dma_start3A_200 = tpu.memref_slice %arg3[%multiple_of3A_199] : memref<640000xi32, #tpu.memory_space<hbm>> -> memref<80xi32, #tpu.memory_space<hbm>>
    %dma_start3A_201 = tpu.memref_slice %arg3[%multiple_of3A_199] : memref<640000xi32, #tpu.memory_space<hbm>> -> memref<80xi32, #tpu.memory_space<hbm>>
    tpu.enqueue_dma source(%dma_start3A_201 : memref<80xi32, #tpu.memory_space<hbm>>) target(%arg11 : memref<80xi32, #tpu.memory_space<vmem>>) target_semaphore(%arg21 : memref<!tpu.dma_semaphore, #tpu.memory_space<semaphore_mem>>)
    %add3A_202 = arith.constant 320000 : i32
    %add3A_203 = arith.addi %add3A_202, %mul3A_4 : i32
    %add3A_204 = arith.constant 320 : i32
    %add3A_205 = arith.addi %add3A_203, %add3A_204 : i32
    %multiple_of3A_206 = tpu.assume_multiple %add3A_205, 8 : i32
    %dma_start3A_207 = tpu.memref_slice %arg3[%multiple_of3A_206] : memref<640000xi32, #tpu.memory_space<hbm>> -> memref<80xi32, #tpu.memory_space<hbm>>
    %dma_start3A_208 = tpu.memref_slice %arg3[%multiple_of3A_206] : memref<640000xi32, #tpu.memory_space<hbm>> -> memref<80xi32, #tpu.memory_space<hbm>>
    tpu.enqueue_dma source(%dma_start3A_208 : memref<80xi32, #tpu.memory_space<hbm>>) target(%arg13 : memref<80xi32, #tpu.memory_space<vmem>>) target_semaphore(%arg23 : memref<!tpu.dma_semaphore, #tpu.memory_space<semaphore_mem>>)
    %add3A_209 = arith.constant 320 : i32
    %add3A_210 = arith.addi %mul3A_4, %add3A_209 : i32
    %multiple_of3A_211 = tpu.assume_multiple %add3A_210, 8 : i32
    %dma_wait3A_212 = tpu.memref_slice %arg3[%multiple_of3A_211] : memref<640000xi32, #tpu.memory_space<hbm>> -> memref<80xi32, #tpu.memory_space<hbm>>
    %dma_wait3A_213 = tpu.memref_slice %arg3[%multiple_of3A_211] : memref<640000xi32, #tpu.memory_space<hbm>> -> memref<80xi32, #tpu.memory_space<hbm>>
    tpu.wait_dma2 semaphore(%arg20 : memref<!tpu.dma_semaphore, #tpu.memory_space<semaphore_mem>>) src(%dma_wait3A_213 : memref<80xi32, #tpu.memory_space<hbm>>) dst(%arg10 : memref<80xi32, #tpu.memory_space<vmem>>)
    %get3A_214 = arith.constant 0 : index
    %get3A_215 = tpu.vector_load %arg14[%get3A_214] {strides = array<i32>} : memref<80xi32, #tpu.memory_space<vmem>>, vector<16xi32>,
    %broadcast_in_dim3A_216 = arith.constant 1.000000e+00 : f32
    %broadcast_in_dim3A_217 = vector.broadcast %broadcast_in_dim3A_216 : f32 to vector<16xf32>
    tpu.vector_store_idx %arg28[%get3A_215], %broadcast_in_dim3A_217 {add = true} : memref<10240xf32, #tpu.memory_space<vmem>>[vector<16xi32>], vector<16xf32>,
    %get3A_218 = arith.constant 16 : index
    %get3A_219 = tpu.vector_load %arg14[%get3A_218] {strides = array<i32>} : memref<80xi32, #tpu.memory_space<vmem>>, vector<16xi32>,
    %broadcast_in_dim3A_220 = arith.constant 1.000000e+00 : f32
    %broadcast_in_dim3A_221 = vector.broadcast %broadcast_in_dim3A_220 : f32 to vector<16xf32>
    tpu.vector_store_idx %arg28[%get3A_219], %broadcast_in_dim3A_221 {add = true} : memref<10240xf32, #tpu.memory_space<vmem>>[vector<16xi32>], vector<16xf32>,
    %get3A_222 = arith.constant 32 : index
    %get3A_223 = tpu.vector_load %arg14[%get3A_222] {strides = array<i32>} : memref<80xi32, #tpu.memory_space<vmem>>, vector<16xi32>,
    %broadcast_in_dim3A_224 = arith.constant 1.000000e+00 : f32
    %broadcast_in_dim3A_225 = vector.broadcast %broadcast_in_dim3A_224 : f32 to vector<16xf32>
    tpu.vector_store_idx %arg28[%get3A_223], %broadcast_in_dim3A_225 {add = true} : memref<10240xf32, #tpu.memory_space<vmem>>[vector<16xi32>], vector<16xf32>,
    %get3A_226 = arith.constant 48 : index
    %get3A_227 = tpu.vector_load %arg14[%get3A_226] {strides = array<i32>} : memref<80xi32, #tpu.memory_space<vmem>>, vector<16xi32>,
    %broadcast_in_dim3A_228 = arith.constant 1.000000e+00 : f32
    %broadcast_in_dim3A_229 = vector.broadcast %broadcast_in_dim3A_228 : f32 to vector<16xf32>
    tpu.vector_store_idx %arg28[%get3A_227], %broadcast_in_dim3A_229 {add = true} : memref<10240xf32, #tpu.memory_space<vmem>>[vector<16xi32>], vector<16xf32>,
    %get3A_230 = arith.constant 64 : index
    %get3A_231 = tpu.vector_load %arg14[%get3A_230] {strides = array<i32>} : memref<80xi32, #tpu.memory_space<vmem>>, vector<16xi32>,
    %broadcast_in_dim3A_232 = arith.constant 1.000000e+00 : f32
    %broadcast_in_dim3A_233 = vector.broadcast %broadcast_in_dim3A_232 : f32 to vector<16xf32>
    tpu.vector_store_idx %arg28[%get3A_231], %broadcast_in_dim3A_233 {add = true} : memref<10240xf32, #tpu.memory_space<vmem>>[vector<16xi32>], vector<16xf32>,
    %dma_wait3A_234 = arith.constant 0 : i32
    %dma_wait3A_235 = arith.constant 0 : i32
    %dma_wait3A_236 = tpu.memref_slice %arg15[%dma_wait3A_234, %dma_wait3A_235] : memref<10240x128xf32, #tpu.memory_space<vmem_shared>> -> memref<10240x128xf32, #tpu.memory_space<vmem_shared>>
    tpu.wait_indirect_dma semaphore(%arg27 : memref<!tpu.dma_semaphore, #tpu.memory_space<semaphore_mem>>) src(%arg8 : memref<80x128xf32, #tpu.memory_space<vmem>>) dst(%dma_wait3A_236 : memref<10240x128xf32, #tpu.memory_space<vmem_shared>>)
    %dma_start3A_237 = arith.constant 0 : i32
    %dma_start3A_238 = arith.constant 0 : i32
    %dma_start3A_239 = tpu.memref_slice %arg2[%dma_start3A_237, %dma_start3A_238] : memref<10000x128xf32, #tpu.memory_space<hbm>> -> memref<10000x128xf32, #tpu.memory_space<hbm>>
    tpu.enqueue_indirect_dma source(%dma_start3A_239 : memref<10000x128xf32, #tpu.memory_space<hbm>>) target(%arg7 : memref<80x128xf32, #tpu.memory_space<vmem>>) offsets(%arg10 : memref<80xi32, #tpu.memory_space<vmem>>) semaphore(%arg17 : memref<!tpu.dma_semaphore, #tpu.memory_space<semaphore_mem>>)
    %scan3A_240 = arith.constant 0 : i32
    %scan3A_241 = arith.constant 1 : i32
    %scan3A_242 = arith.constant 40 : i32
    %scan3A_243 = arith.addi %scan3A_241, %scan3A_242 : i32
    %scan3A_244 = arith.constant 1 : i32
    scf.for %scan3A_319 = %scan3A_241 to %scan3A_243 step %scan3A_244  : i32 {
      %mul3A_320 = arith.constant 3 : i32
      %mul3A_321 = arith.muli %scan3A_319, %mul3A_320 : i32
      %add3A_322 = arith.constant 0 : i32
      %add3A_323 = arith.addi %mul3A_321, %add3A_322 : i32
      %dma_wait3A_324 = arith.constant 0 : i32
      %dma_wait3A_325 = arith.constant 0 : i32
      %dma_wait3A_326 = tpu.memref_slice %arg2[%dma_wait3A_324, %dma_wait3A_325] : memref<10000x128xf32, #tpu.memory_space<hbm>> -> memref<10000x128xf32, #tpu.memory_space<hbm>>
      tpu.wait_indirect_dma semaphore(%arg16 : memref<!tpu.dma_semaphore, #tpu.memory_space<semaphore_mem>>) src(%dma_wait3A_326 : memref<10000x128xf32, #tpu.memory_space<hbm>>) dst(%arg6 : memref<80x128xf32, #tpu.memory_space<vmem>>)
      %add3A_327 = arith.constant 320000 : i32
      %add3A_328 = arith.addi %add3A_327, %mul3A_4 : i32
      %mul3A_329 = arith.constant 80 : i32
      %mul3A_330 = arith.muli %add3A_323, %mul3A_329 : i32
      %add3A_331 = arith.addi %add3A_328, %mul3A_330 : i32
      %multiple_of3A_332 = tpu.assume_multiple %add3A_331, 8 : i32
      %dma_wait3A_333 = tpu.memref_slice %arg3[%multiple_of3A_332] : memref<640000xi32, #tpu.memory_space<hbm>> -> memref<80xi32, #tpu.memory_space<hbm>>
      %dma_wait3A_334 = tpu.memref_slice %arg3[%multiple_of3A_332] : memref<640000xi32, #tpu.memory_space<hbm>> -> memref<80xi32, #tpu.memory_space<hbm>>
      tpu.wait_dma2 semaphore(%arg22 : memref<!tpu.dma_semaphore, #tpu.memory_space<semaphore_mem>>) src(%dma_wait3A_334 : memref<80xi32, #tpu.memory_space<hbm>>) dst(%arg12 : memref<80xi32, #tpu.memory_space<vmem>>)
      %dma_start3A_335 = arith.constant 0 : i32
      %dma_start3A_336 = arith.constant 0 : i32
      %dma_start3A_337 = tpu.memref_slice %arg15[%dma_start3A_335, %dma_start3A_336] : memref<10240x128xf32, #tpu.memory_space<vmem_shared>> -> memref<10240x128xf32, #tpu.memory_space<vmem_shared>>
      tpu.enqueue_indirect_dma source(%arg6 : memref<80x128xf32, #tpu.memory_space<vmem>>) target(%dma_start3A_337 : memref<10240x128xf32, #tpu.memory_space<vmem_shared>>) offsets(%arg12 : memref<80xi32, #tpu.memory_space<vmem>>) semaphore(%arg25 : memref<!tpu.dma_semaphore, #tpu.memory_space<semaphore_mem>>) {add = true}
      %add3A_338 = arith.constant 3 : i32
      %add3A_339 = arith.addi %add3A_323, %add3A_338 : i32
      %mul3A_340 = arith.constant 80 : i32
      %mul3A_341 = arith.muli %add3A_339, %mul3A_340 : i32
      %add3A_342 = arith.addi %mul3A_4, %mul3A_341 : i32
      %multiple_of3A_343 = tpu.assume_multiple %add3A_342, 8 : i32
      %dma_start3A_344 = tpu.memref_slice %arg3[%multiple_of3A_343] : memref<640000xi32, #tpu.memory_space<hbm>> -> memref<80xi32, #tpu.memory_space<hbm>>
      %dma_start3A_345 = tpu.memref_slice %arg3[%multiple_of3A_343] : memref<640000xi32, #tpu.memory_space<hbm>> -> memref<80xi32, #tpu.memory_space<hbm>>
      tpu.enqueue_dma source(%dma_start3A_345 : memref<80xi32, #tpu.memory_space<hbm>>) target(%arg9 : memref<80xi32, #tpu.memory_space<vmem>>) target_semaphore(%arg19 : memref<!tpu.dma_semaphore, #tpu.memory_space<semaphore_mem>>)
      %add3A_346 = arith.constant 2 : i32
      %add3A_347 = arith.addi %add3A_323, %add3A_346 : i32
      %add3A_348 = arith.constant 320000 : i32
      %add3A_349 = arith.addi %add3A_348, %mul3A_4 : i32
      %mul3A_350 = arith.constant 80 : i32
      %mul3A_351 = arith.muli %add3A_347, %mul3A_350 : i32
      %add3A_352 = arith.addi %add3A_349, %mul3A_351 : i32
      %multiple_of3A_353 = tpu.assume_multiple %add3A_352, 8 : i32
      %dma_start3A_354 = tpu.memref_slice %arg3[%multiple_of3A_353] : memref<640000xi32, #tpu.memory_space<hbm>> -> memref<80xi32, #tpu.memory_space<hbm>>
      %dma_start3A_355 = tpu.memref_slice %arg3[%multiple_of3A_353] : memref<640000xi32, #tpu.memory_space<hbm>> -> memref<80xi32, #tpu.memory_space<hbm>>
      tpu.enqueue_dma source(%dma_start3A_355 : memref<80xi32, #tpu.memory_space<hbm>>) target(%arg14 : memref<80xi32, #tpu.memory_space<vmem>>) target_semaphore(%arg24 : memref<!tpu.dma_semaphore, #tpu.memory_space<semaphore_mem>>)
      %add3A_356 = arith.constant 2 : i32
      %add3A_357 = arith.addi %add3A_323, %add3A_356 : i32
      %mul3A_358 = arith.constant 80 : i32
      %mul3A_359 = arith.muli %add3A_357, %mul3A_358 : i32
      %add3A_360 = arith.addi %mul3A_4, %mul3A_359 : i32
      %multiple_of3A_361 = tpu.assume_multiple %add3A_360, 8 : i32
      %dma_wait3A_362 = tpu.memref_slice %arg3[%multiple_of3A_361] : memref<640000xi32, #tpu.memory_space<hbm>> -> memref<80xi32, #tpu.memory_space<hbm>>
      %dma_wait3A_363 = tpu.memref_slice %arg3[%multiple_of3A_361] : memref<640000xi32, #tpu.memory_space<hbm>> -> memref<80xi32, #tpu.memory_space<hbm>>
      tpu.wait_dma2 semaphore(%arg21 : memref<!tpu.dma_semaphore, #tpu.memory_space<semaphore_mem>>) src(%dma_wait3A_363 : memref<80xi32, #tpu.memory_space<hbm>>) dst(%arg11 : memref<80xi32, #tpu.memory_space<vmem>>)
      %get3A_364 = arith.constant 0 : index
      %get3A_365 = tpu.vector_load %arg12[%get3A_364] {strides = array<i32>} : memref<80xi32, #tpu.memory_space<vmem>>, vector<16xi32>,
      %broadcast_in_dim3A_366 = arith.constant 1.000000e+00 : f32
      %broadcast_in_dim3A_367 = vector.broadcast %broadcast_in_dim3A_366 : f32 to vector<16xf32>
      tpu.vector_store_idx %arg28[%get3A_365], %broadcast_in_dim3A_367 {add = true} : memref<10240xf32, #tpu.memory_space<vmem>>[vector<16xi32>], vector<16xf32>,
      %get3A_368 = arith.constant 16 : index
      %get3A_369 = tpu.vector_load %arg12[%get3A_368] {strides = array<i32>} : memref<80xi32, #tpu.memory_space<vmem>>, vector<16xi32>,
      %broadcast_in_dim3A_370 = arith.constant 1.000000e+00 : f32
      %broadcast_in_dim3A_371 = vector.broadcast %broadcast_in_dim3A_370 : f32 to vector<16xf32>
      tpu.vector_store_idx %arg28[%get3A_369], %broadcast_in_dim3A_371 {add = true} : memref<10240xf32, #tpu.memory_space<vmem>>[vector<16xi32>], vector<16xf32>,
      %get3A_372 = arith.constant 32 : index
      %get3A_373 = tpu.vector_load %arg12[%get3A_372] {strides = array<i32>} : memref<80xi32, #tpu.memory_space<vmem>>, vector<16xi32>,
      %broadcast_in_dim3A_374 = arith.constant 1.000000e+00 : f32
      %broadcast_in_dim3A_375 = vector.broadcast %broadcast_in_dim3A_374 : f32 to vector<16xf32>
      tpu.vector_store_idx %arg28[%get3A_373], %broadcast_in_dim3A_375 {add = true} : memref<10240xf32, #tpu.memory_space<vmem>>[vector<16xi32>], vector<16xf32>,
      %get3A_376 = arith.constant 48 : index
      %get3A_377 = tpu.vector_load %arg12[%get3A_376] {strides = array<i32>} : memref<80xi32, #tpu.memory_space<vmem>>, vector<16xi32>,
      %broadcast_in_dim3A_378 = arith.constant 1.000000e+00 : f32
      %broadcast_in_dim3A_379 = vector.broadcast %broadcast_in_dim3A_378 : f32 to vector<16xf32>
      tpu.vector_store_idx %arg28[%get3A_377], %broadcast_in_dim3A_379 {add = true} : memref<10240xf32, #tpu.memory_space<vmem>>[vector<16xi32>], vector<16xf32>,
      %get3A_380 = arith.constant 64 : index
      %get3A_381 = tpu.vector_load %arg12[%get3A_380] {strides = array<i32>} : memref<80xi32, #tpu.memory_space<vmem>>, vector<16xi32>,
      %broadcast_in_dim3A_382 = arith.constant 1.000000e+00 : f32
      %broadcast_in_dim3A_383 = vector.broadcast %broadcast_in_dim3A_382 : f32 to vector<16xf32>
      tpu.vector_store_idx %arg28[%get3A_381], %broadcast_in_dim3A_383 {add = true} : memref<10240xf32, #tpu.memory_space<vmem>>[vector<16xi32>], vector<16xf32>,
      %dma_wait3A_384 = arith.constant 0 : i32
      %dma_wait3A_385 = arith.constant 0 : i32
      %dma_wait3A_386 = tpu.memref_slice %arg15[%dma_wait3A_384, %dma_wait3A_385] : memref<10240x128xf32, #tpu.memory_space<vmem_shared>> -> memref<10240x128xf32, #tpu.memory_space<vmem_shared>>
      tpu.wait_indirect_dma semaphore(%arg25 : memref<!tpu.dma_semaphore, #tpu.memory_space<semaphore_mem>>) src(%arg6 : memref<80x128xf32, #tpu.memory_space<vmem>>) dst(%dma_wait3A_386 : memref<10240x128xf32, #tpu.memory_space<vmem_shared>>)
      %dma_start3A_387 = arith.constant 0 : i32
      %dma_start3A_388 = arith.constant 0 : i32
      %dma_start3A_389 = tpu.memref_slice %arg2[%dma_start3A_387, %dma_start3A_388] : memref<10000x128xf32, #tpu.memory_space<hbm>> -> memref<10000x128xf32, #tpu.memory_space<hbm>>
      tpu.enqueue_indirect_dma source(%dma_start3A_389 : memref<10000x128xf32, #tpu.memory_space<hbm>>) target(%arg8 : memref<80x128xf32, #tpu.memory_space<vmem>>) offsets(%arg11 : memref<80xi32, #tpu.memory_space<vmem>>) semaphore(%arg18 : memref<!tpu.dma_semaphore, #tpu.memory_space<semaphore_mem>>)
      %mul3A_390 = arith.constant 3 : i32
      %mul3A_391 = arith.muli %scan3A_319, %mul3A_390 : i32
      %add3A_392 = arith.constant 1 : i32
      %add3A_393 = arith.addi %mul3A_391, %add3A_392 : i32
      %dma_wait3A_394 = arith.constant 0 : i32
      %dma_wait3A_395 = arith.constant 0 : i32
      %dma_wait3A_396 = tpu.memref_slice %arg2[%dma_wait3A_394, %dma_wait3A_395] : memref<10000x128xf32, #tpu.memory_space<hbm>> -> memref<10000x128xf32, #tpu.memory_space<hbm>>
      tpu.wait_indirect_dma semaphore(%arg17 : memref<!tpu.dma_semaphore, #tpu.memory_space<semaphore_mem>>) src(%dma_wait3A_396 : memref<10000x128xf32, #tpu.memory_space<hbm>>) dst(%arg7 : memref<80x128xf32, #tpu.memory_space<vmem>>)
      %add3A_397 = arith.constant 320000 : i32
      %add3A_398 = arith.addi %add3A_397, %mul3A_4 : i32
      %mul3A_399 = arith.constant 80 : i32
      %mul3A_400 = arith.muli %add3A_393, %mul3A_399 : i32
      %add3A_401 = arith.addi %add3A_398, %mul3A_400 : i32
      %multiple_of3A_402 = tpu.assume_multiple %add3A_401, 8 : i32
      %dma_wait3A_403 = tpu.memref_slice %arg3[%multiple_of3A_402] : memref<640000xi32, #tpu.memory_space<hbm>> -> memref<80xi32, #tpu.memory_space<hbm>>
      %dma_wait3A_404 = tpu.memref_slice %arg3[%multiple_of3A_402] : memref<640000xi32, #tpu.memory_space<hbm>> -> memref<80xi32, #tpu.memory_space<hbm>>
      tpu.wait_dma2 semaphore(%arg23 : memref<!tpu.dma_semaphore, #tpu.memory_space<semaphore_mem>>) src(%dma_wait3A_404 : memref<80xi32, #tpu.memory_space<hbm>>) dst(%arg13 : memref<80xi32, #tpu.memory_space<vmem>>)
      %dma_start3A_405 = arith.constant 0 : i32
      %dma_start3A_406 = arith.constant 0 : i32
      %dma_start3A_407 = tpu.memref_slice %arg15[%dma_start3A_405, %dma_start3A_406] : memref<10240x128xf32, #tpu.memory_space<vmem_shared>> -> memref<10240x128xf32, #tpu.memory_space<vmem_shared>>
      tpu.enqueue_indirect_dma source(%arg7 : memref<80x128xf32, #tpu.memory_space<vmem>>) target(%dma_start3A_407 : memref<10240x128xf32, #tpu.memory_space<vmem_shared>>) offsets(%arg13 : memref<80xi32, #tpu.memory_space<vmem>>) semaphore(%arg26 : memref<!tpu.dma_semaphore, #tpu.memory_space<semaphore_mem>>) {add = true}
      %add3A_408 = arith.constant 3 : i32
      %add3A_409 = arith.addi %add3A_393, %add3A_408 : i32
      %mul3A_410 = arith.constant 80 : i32
      %mul3A_411 = arith.muli %add3A_409, %mul3A_410 : i32
      %add3A_412 = arith.addi %mul3A_4, %mul3A_411 : i32
      %multiple_of3A_413 = tpu.assume_multiple %add3A_412, 8 : i32
      %dma_start3A_414 = tpu.memref_slice %arg3[%multiple_of3A_413] : memref<640000xi32, #tpu.memory_space<hbm>> -> memref<80xi32, #tpu.memory_space<hbm>>
      %dma_start3A_415 = tpu.memref_slice %arg3[%multiple_of3A_413] : memref<640000xi32, #tpu.memory_space<hbm>> -> memref<80xi32, #tpu.memory_space<hbm>>
      tpu.enqueue_dma source(%dma_start3A_415 : memref<80xi32, #tpu.memory_space<hbm>>) target(%arg10 : memref<80xi32, #tpu.memory_space<vmem>>) target_semaphore(%arg20 : memref<!tpu.dma_semaphore, #tpu.memory_space<semaphore_mem>>)
      %add3A_416 = arith.constant 2 : i32
      %add3A_417 = arith.addi %add3A_393, %add3A_416 : i32
      %add3A_418 = arith.constant 320000 : i32
      %add3A_419 = arith.addi %add3A_418, %mul3A_4 : i32
      %mul3A_420 = arith.constant 80 : i32
      %mul3A_421 = arith.muli %add3A_417, %mul3A_420 : i32
      %add3A_422 = arith.addi %add3A_419, %mul3A_421 : i32
      %multiple_of3A_423 = tpu.assume_multiple %add3A_422, 8 : i32
      %dma_start3A_424 = tpu.memref_slice %arg3[%multiple_of3A_423] : memref<640000xi32, #tpu.memory_space<hbm>> -> memref<80xi32, #tpu.memory_space<hbm>>
      %dma_start3A_425 = tpu.memref_slice %arg3[%multiple_of3A_423] : memref<640000xi32, #tpu.memory_space<hbm>> -> memref<80xi32, #tpu.memory_space<hbm>>
      tpu.enqueue_dma source(%dma_start3A_425 : memref<80xi32, #tpu.memory_space<hbm>>) target(%arg12 : memref<80xi32, #tpu.memory_space<vmem>>) target_semaphore(%arg22 : memref<!tpu.dma_semaphore, #tpu.memory_space<semaphore_mem>>)
      %add3A_426 = arith.constant 2 : i32
      %add3A_427 = arith.addi %add3A_393, %add3A_426 : i32
      %mul3A_428 = arith.constant 80 : i32
      %mul3A_429 = arith.muli %add3A_427, %mul3A_428 : i32
      %add3A_430 = arith.addi %mul3A_4, %mul3A_429 : i32
      %multiple_of3A_431 = tpu.assume_multiple %add3A_430, 8 : i32
      %dma_wait3A_432 = tpu.memref_slice %arg3[%multiple_of3A_431] : memref<640000xi32, #tpu.memory_space<hbm>> -> memref<80xi32, #tpu.memory_space<hbm>>
      %dma_wait3A_433 = tpu.memref_slice %arg3[%multiple_of3A_431] : memref<640000xi32, #tpu.memory_space<hbm>> -> memref<80xi32, #tpu.memory_space<hbm>>
      tpu.wait_dma2 semaphore(%arg19 : memref<!tpu.dma_semaphore, #tpu.memory_space<semaphore_mem>>) src(%dma_wait3A_433 : memref<80xi32, #tpu.memory_space<hbm>>) dst(%arg9 : memref<80xi32, #tpu.memory_space<vmem>>)
      %get3A_434 = arith.constant 0 : index
      %get3A_435 = tpu.vector_load %arg13[%get3A_434] {strides = array<i32>} : memref<80xi32, #tpu.memory_space<vmem>>, vector<16xi32>,
      %broadcast_in_dim3A_436 = arith.constant 1.000000e+00 : f32
      %broadcast_in_dim3A_437 = vector.broadcast %broadcast_in_dim3A_436 : f32 to vector<16xf32>
      tpu.vector_store_idx %arg28[%get3A_435], %broadcast_in_dim3A_437 {add = true} : memref<10240xf32, #tpu.memory_space<vmem>>[vector<16xi32>], vector<16xf32>,
      %get3A_438 = arith.constant 16 : index
      %get3A_439 = tpu.vector_load %arg13[%get3A_438] {strides = array<i32>} : memref<80xi32, #tpu.memory_space<vmem>>, vector<16xi32>,
      %broadcast_in_dim3A_440 = arith.constant 1.000000e+00 : f32
      %broadcast_in_dim3A_441 = vector.broadcast %broadcast_in_dim3A_440 : f32 to vector<16xf32>
      tpu.vector_store_idx %arg28[%get3A_439], %broadcast_in_dim3A_441 {add = true} : memref<10240xf32, #tpu.memory_space<vmem>>[vector<16xi32>], vector<16xf32>,
      %get3A_442 = arith.constant 32 : index
      %get3A_443 = tpu.vector_load %arg13[%get3A_442] {strides = array<i32>} : memref<80xi32, #tpu.memory_space<vmem>>, vector<16xi32>,
      %broadcast_in_dim3A_444 = arith.constant 1.000000e+00 : f32
      %broadcast_in_dim3A_445 = vector.broadcast %broadcast_in_dim3A_444 : f32 to vector<16xf32>
      tpu.vector_store_idx %arg28[%get3A_443], %broadcast_in_dim3A_445 {add = true} : memref<10240xf32, #tpu.memory_space<vmem>>[vector<16xi32>], vector<16xf32>,
      %get3A_446 = arith.constant 48 : index
      %get3A_447 = tpu.vector_load %arg13[%get3A_446] {strides = array<i32>} : memref<80xi32, #tpu.memory_space<vmem>>, vector<16xi32>,
      %broadcast_in_dim3A_448 = arith.constant 1.000000e+00 : f32
      %broadcast_in_dim3A_449 = vector.broadcast %broadcast_in_dim3A_448 : f32 to vector<16xf32>
      tpu.vector_store_idx %arg28[%get3A_447], %broadcast_in_dim3A_449 {add = true} : memref<10240xf32, #tpu.memory_space<vmem>>[vector<16xi32>], vector<16xf32>,
      %get3A_450 = arith.constant 64 : index
      %get3A_451 = tpu.vector_load %arg13[%get3A_450] {strides = array<i32>} : memref<80xi32, #tpu.memory_space<vmem>>, vector<16xi32>,
      %broadcast_in_dim3A_452 = arith.constant 1.000000e+00 : f32
      %broadcast_in_dim3A_453 = vector.broadcast %broadcast_in_dim3A_452 : f32 to vector<16xf32>
      tpu.vector_store_idx %arg28[%get3A_451], %broadcast_in_dim3A_453 {add = true} : memref<10240xf32, #tpu.memory_space<vmem>>[vector<16xi32>], vector<16xf32>,
      %dma_wait3A_454 = arith.constant 0 : i32
      %dma_wait3A_455 = arith.constant 0 : i32
      %dma_wait3A_456 = tpu.memref_slice %arg15[%dma_wait3A_454, %dma_wait3A_455] : memref<10240x128xf32, #tpu.memory_space<vmem_shared>> -> memref<10240x128xf32, #tpu.memory_space<vmem_shared>>
      tpu.wait_indirect_dma semaphore(%arg26 : memref<!tpu.dma_semaphore, #tpu.memory_space<semaphore_mem>>) src(%arg7 : memref<80x128xf32, #tpu.memory_space<vmem>>) dst(%dma_wait3A_456 : memref<10240x128xf32, #tpu.memory_space<vmem_shared>>)
      %dma_start3A_457 = arith.constant 0 : i32
      %dma_start3A_458 = arith.constant 0 : i32
      %dma_start3A_459 = tpu.memref_slice %arg2[%dma_start3A_457, %dma_start3A_458] : memref<10000x128xf32, #tpu.memory_space<hbm>> -> memref<10000x128xf32, #tpu.memory_space<hbm>>
      tpu.enqueue_indirect_dma source(%dma_start3A_459 : memref<10000x128xf32, #tpu.memory_space<hbm>>) target(%arg6 : memref<80x128xf32, #tpu.memory_space<vmem>>) offsets(%arg9 : memref<80xi32, #tpu.memory_space<vmem>>) semaphore(%arg16 : memref<!tpu.dma_semaphore, #tpu.memory_space<semaphore_mem>>)
      %mul3A_460 = arith.constant 3 : i32
      %mul3A_461 = arith.muli %scan3A_319, %mul3A_460 : i32
      %add3A_462 = arith.constant 2 : i32
      %add3A_463 = arith.addi %mul3A_461, %add3A_462 : i32
      %dma_wait3A_464 = arith.constant 0 : i32
      %dma_wait3A_465 = arith.constant 0 : i32
      %dma_wait3A_466 = tpu.memref_slice %arg2[%dma_wait3A_464, %dma_wait3A_465] : memref<10000x128xf32, #tpu.memory_space<hbm>> -> memref<10000x128xf32, #tpu.memory_space<hbm>>
      tpu.wait_indirect_dma semaphore(%arg18 : memref<!tpu.dma_semaphore, #tpu.memory_space<semaphore_mem>>) src(%dma_wait3A_466 : memref<10000x128xf32, #tpu.memory_space<hbm>>) dst(%arg8 : memref<80x128xf32, #tpu.memory_space<vmem>>)
      %add3A_467 = arith.constant 320000 : i32
      %add3A_468 = arith.addi %add3A_467, %mul3A_4 : i32
      %mul3A_469 = arith.constant 80 : i32
      %mul3A_470 = arith.muli %add3A_463, %mul3A_469 : i32
      %add3A_471 = arith.addi %add3A_468, %mul3A_470 : i32
      %multiple_of3A_472 = tpu.assume_multiple %add3A_471, 8 : i32
      %dma_wait3A_473 = tpu.memref_slice %arg3[%multiple_of3A_472] : memref<640000xi32, #tpu.memory_space<hbm>> -> memref<80xi32, #tpu.memory_space<hbm>>
      %dma_wait3A_474 = tpu.memref_slice %arg3[%multiple_of3A_472] : memref<640000xi32, #tpu.memory_space<hbm>> -> memref<80xi32, #tpu.memory_space<hbm>>
      tpu.wait_dma2 semaphore(%arg24 : memref<!tpu.dma_semaphore, #tpu.memory_space<semaphore_mem>>) src(%dma_wait3A_474 : memref<80xi32, #tpu.memory_space<hbm>>) dst(%arg14 : memref<80xi32, #tpu.memory_space<vmem>>)
      %dma_start3A_475 = arith.constant 0 : i32
      %dma_start3A_476 = arith.constant 0 : i32
      %dma_start3A_477 = tpu.memref_slice %arg15[%dma_start3A_475, %dma_start3A_476] : memref<10240x128xf32, #tpu.memory_space<vmem_shared>> -> memref<10240x128xf32, #tpu.memory_space<vmem_shared>>
      tpu.enqueue_indirect_dma source(%arg8 : memref<80x128xf32, #tpu.memory_space<vmem>>) target(%dma_start3A_477 : memref<10240x128xf32, #tpu.memory_space<vmem_shared>>) offsets(%arg14 : memref<80xi32, #tpu.memory_space<vmem>>) semaphore(%arg27 : memref<!tpu.dma_semaphore, #tpu.memory_space<semaphore_mem>>) {add = true}
      %add3A_478 = arith.constant 3 : i32
      %add3A_479 = arith.addi %add3A_463, %add3A_478 : i32
      %mul3A_480 = arith.constant 80 : i32
      %mul3A_481 = arith.muli %add3A_479, %mul3A_480 : i32
      %add3A_482 = arith.addi %mul3A_4, %mul3A_481 : i32
      %multiple_of3A_483 = tpu.assume_multiple %add3A_482, 8 : i32
      %dma_start3A_484 = tpu.memref_slice %arg3[%multiple_of3A_483] : memref<640000xi32, #tpu.memory_space<hbm>> -> memref<80xi32, #tpu.memory_space<hbm>>
      %dma_start3A_485 = tpu.memref_slice %arg3[%multiple_of3A_483] : memref<640000xi32, #tpu.memory_space<hbm>> -> memref<80xi32, #tpu.memory_space<hbm>>
      tpu.enqueue_dma source(%dma_start3A_485 : memref<80xi32, #tpu.memory_space<hbm>>) target(%arg11 : memref<80xi32, #tpu.memory_space<vmem>>) target_semaphore(%arg21 : memref<!tpu.dma_semaphore, #tpu.memory_space<semaphore_mem>>)
      %add3A_486 = arith.constant 2 : i32
      %add3A_487 = arith.addi %add3A_463, %add3A_486 : i32
      %add3A_488 = arith.constant 320000 : i32
      %add3A_489 = arith.addi %add3A_488, %mul3A_4 : i32
      %mul3A_490 = arith.constant 80 : i32
      %mul3A_491 = arith.muli %add3A_487, %mul3A_490 : i32
      %add3A_492 = arith.addi %add3A_489, %mul3A_491 : i32
      %multiple_of3A_493 = tpu.assume_multiple %add3A_492, 8 : i32
      %dma_start3A_494 = tpu.memref_slice %arg3[%multiple_of3A_493] : memref<640000xi32, #tpu.memory_space<hbm>> -> memref<80xi32, #tpu.memory_space<hbm>>
      %dma_start3A_495 = tpu.memref_slice %arg3[%multiple_of3A_493] : memref<640000xi32, #tpu.memory_space<hbm>> -> memref<80xi32, #tpu.memory_space<hbm>>
      tpu.enqueue_dma source(%dma_start3A_495 : memref<80xi32, #tpu.memory_space<hbm>>) target(%arg13 : memref<80xi32, #tpu.memory_space<vmem>>) target_semaphore(%arg23 : memref<!tpu.dma_semaphore, #tpu.memory_space<semaphore_mem>>)
      %add3A_496 = arith.constant 2 : i32
      %add3A_497 = arith.addi %add3A_463, %add3A_496 : i32
      %mul3A_498 = arith.constant 80 : i32
      %mul3A_499 = arith.muli %add3A_497, %mul3A_498 : i32
      %add3A_500 = arith.addi %mul3A_4, %mul3A_499 : i32
      %multiple_of3A_501 = tpu.assume_multiple %add3A_500, 8 : i32
      %dma_wait3A_502 = tpu.memref_slice %arg3[%multiple_of3A_501] : memref<640000xi32, #tpu.memory_space<hbm>> -> memref<80xi32, #tpu.memory_space<hbm>>
      %dma_wait3A_503 = tpu.memref_slice %arg3[%multiple_of3A_501] : memref<640000xi32, #tpu.memory_space<hbm>> -> memref<80xi32, #tpu.memory_space<hbm>>
      tpu.wait_dma2 semaphore(%arg20 : memref<!tpu.dma_semaphore, #tpu.memory_space<semaphore_mem>>) src(%dma_wait3A_503 : memref<80xi32, #tpu.memory_space<hbm>>) dst(%arg10 : memref<80xi32, #tpu.memory_space<vmem>>)
      %get3A_504 = arith.constant 0 : index
      %get3A_505 = tpu.vector_load %arg14[%get3A_504] {strides = array<i32>} : memref<80xi32, #tpu.memory_space<vmem>>, vector<16xi32>,
      %broadcast_in_dim3A_506 = arith.constant 1.000000e+00 : f32
      %broadcast_in_dim3A_507 = vector.broadcast %broadcast_in_dim3A_506 : f32 to vector<16xf32>
      tpu.vector_store_idx %arg28[%get3A_505], %broadcast_in_dim3A_507 {add = true} : memref<10240xf32, #tpu.memory_space<vmem>>[vector<16xi32>], vector<16xf32>,
      %get3A_508 = arith.constant 16 : index
      %get3A_509 = tpu.vector_load %arg14[%get3A_508] {strides = array<i32>} : memref<80xi32, #tpu.memory_space<vmem>>, vector<16xi32>,
      %broadcast_in_dim3A_510 = arith.constant 1.000000e+00 : f32
      %broadcast_in_dim3A_511 = vector.broadcast %broadcast_in_dim3A_510 : f32 to vector<16xf32>
      tpu.vector_store_idx %arg28[%get3A_509], %broadcast_in_dim3A_511 {add = true} : memref<10240xf32, #tpu.memory_space<vmem>>[vector<16xi32>], vector<16xf32>,
      %get3A_512 = arith.constant 32 : index
      %get3A_513 = tpu.vector_load %arg14[%get3A_512] {strides = array<i32>} : memref<80xi32, #tpu.memory_space<vmem>>, vector<16xi32>,
      %broadcast_in_dim3A_514 = arith.constant 1.000000e+00 : f32
      %broadcast_in_dim3A_515 = vector.broadcast %broadcast_in_dim3A_514 : f32 to vector<16xf32>
      tpu.vector_store_idx %arg28[%get3A_513], %broadcast_in_dim3A_515 {add = true} : memref<10240xf32, #tpu.memory_space<vmem>>[vector<16xi32>], vector<16xf32>,
      %get3A_516 = arith.constant 48 : index
      %get3A_517 = tpu.vector_load %arg14[%get3A_516] {strides = array<i32>} : memref<80xi32, #tpu.memory_space<vmem>>, vector<16xi32>,
      %broadcast_in_dim3A_518 = arith.constant 1.000000e+00 : f32
      %broadcast_in_dim3A_519 = vector.broadcast %broadcast_in_dim3A_518 : f32 to vector<16xf32>
      tpu.vector_store_idx %arg28[%get3A_517], %broadcast_in_dim3A_519 {add = true} : memref<10240xf32, #tpu.memory_space<vmem>>[vector<16xi32>], vector<16xf32>,
      %get3A_520 = arith.constant 64 : index
      %get3A_521 = tpu.vector_load %arg14[%get3A_520] {strides = array<i32>} : memref<80xi32, #tpu.memory_space<vmem>>, vector<16xi32>,
      %broadcast_in_dim3A_522 = arith.constant 1.000000e+00 : f32
      %broadcast_in_dim3A_523 = vector.broadcast %broadcast_in_dim3A_522 : f32 to vector<16xf32>
      tpu.vector_store_idx %arg28[%get3A_521], %broadcast_in_dim3A_523 {add = true} : memref<10240xf32, #tpu.memory_space<vmem>>[vector<16xi32>], vector<16xf32>,
      %dma_wait3A_524 = arith.constant 0 : i32
      %dma_wait3A_525 = arith.constant 0 : i32
      %dma_wait3A_526 = tpu.memref_slice %arg15[%dma_wait3A_524, %dma_wait3A_525] : memref<10240x128xf32, #tpu.memory_space<vmem_shared>> -> memref<10240x128xf32, #tpu.memory_space<vmem_shared>>
      tpu.wait_indirect_dma semaphore(%arg27 : memref<!tpu.dma_semaphore, #tpu.memory_space<semaphore_mem>>) src(%arg8 : memref<80x128xf32, #tpu.memory_space<vmem>>) dst(%dma_wait3A_526 : memref<10240x128xf32, #tpu.memory_space<vmem_shared>>)
      %dma_start3A_527 = arith.constant 0 : i32
      %dma_start3A_528 = arith.constant 0 : i32
      %dma_start3A_529 = tpu.memref_slice %arg2[%dma_start3A_527, %dma_start3A_528] : memref<10000x128xf32, #tpu.memory_space<hbm>> -> memref<10000x128xf32, #tpu.memory_space<hbm>>
      tpu.enqueue_indirect_dma source(%dma_start3A_529 : memref<10000x128xf32, #tpu.memory_space<hbm>>) target(%arg7 : memref<80x128xf32, #tpu.memory_space<vmem>>) offsets(%arg10 : memref<80xi32, #tpu.memory_space<vmem>>) semaphore(%arg17 : memref<!tpu.dma_semaphore, #tpu.memory_space<semaphore_mem>>)
    }
    %scan3A_245 = arith.constant 40 : i32
    %dma_wait3A_246 = arith.constant 0 : i32
    %dma_wait3A_247 = arith.constant 0 : i32
    %dma_wait3A_248 = tpu.memref_slice %arg2[%dma_wait3A_246, %dma_wait3A_247] : memref<10000x128xf32, #tpu.memory_space<hbm>> -> memref<10000x128xf32, #tpu.memory_space<hbm>>
    tpu.wait_indirect_dma semaphore(%arg16 : memref<!tpu.dma_semaphore, #tpu.memory_space<semaphore_mem>>) src(%dma_wait3A_248 : memref<10000x128xf32, #tpu.memory_space<hbm>>) dst(%arg6 : memref<80x128xf32, #tpu.memory_space<vmem>>)
    %add3A_249 = arith.constant 320000 : i32
    %add3A_250 = arith.addi %add3A_249, %mul3A_4 : i32
    %add3A_251 = arith.constant 9840 : i32
    %add3A_252 = arith.addi %add3A_250, %add3A_251 : i32
    %multiple_of3A_253 = tpu.assume_multiple %add3A_252, 8 : i32
    %dma_wait3A_254 = tpu.memref_slice %arg3[%multiple_of3A_253] : memref<640000xi32, #tpu.memory_space<hbm>> -> memref<80xi32, #tpu.memory_space<hbm>>
    %dma_wait3A_255 = tpu.memref_slice %arg3[%multiple_of3A_253] : memref<640000xi32, #tpu.memory_space<hbm>> -> memref<80xi32, #tpu.memory_space<hbm>>
    tpu.wait_dma2 semaphore(%arg22 : memref<!tpu.dma_semaphore, #tpu.memory_space<semaphore_mem>>) src(%dma_wait3A_255 : memref<80xi32, #tpu.memory_space<hbm>>) dst(%arg12 : memref<80xi32, #tpu.memory_space<vmem>>)
    %dma_start3A_256 = arith.constant 0 : i32
    %dma_start3A_257 = arith.constant 0 : i32
    %dma_start3A_258 = tpu.memref_slice %arg15[%dma_start3A_256, %dma_start3A_257] : memref<10240x128xf32, #tpu.memory_space<vmem_shared>> -> memref<10240x128xf32, #tpu.memory_space<vmem_shared>>
    tpu.enqueue_indirect_dma source(%arg6 : memref<80x128xf32, #tpu.memory_space<vmem>>) target(%dma_start3A_258 : memref<10240x128xf32, #tpu.memory_space<vmem_shared>>) offsets(%arg12 : memref<80xi32, #tpu.memory_space<vmem>>) semaphore(%arg25 : memref<!tpu.dma_semaphore, #tpu.memory_space<semaphore_mem>>) {add = true}
    %get3A_259 = arith.constant 0 : index
    %get3A_260 = tpu.vector_load %arg12[%get3A_259] {strides = array<i32>} : memref<80xi32, #tpu.memory_space<vmem>>, vector<16xi32>,
    %broadcast_in_dim3A_261 = arith.constant 1.000000e+00 : f32
    %broadcast_in_dim3A_262 = vector.broadcast %broadcast_in_dim3A_261 : f32 to vector<16xf32>
    tpu.vector_store_idx %arg28[%get3A_260], %broadcast_in_dim3A_262 {add = true} : memref<10240xf32, #tpu.memory_space<vmem>>[vector<16xi32>], vector<16xf32>,
    %get3A_263 = arith.constant 16 : index
    %get3A_264 = tpu.vector_load %arg12[%get3A_263] {strides = array<i32>} : memref<80xi32, #tpu.memory_space<vmem>>, vector<16xi32>,
    %broadcast_in_dim3A_265 = arith.constant 1.000000e+00 : f32
    %broadcast_in_dim3A_266 = vector.broadcast %broadcast_in_dim3A_265 : f32 to vector<16xf32>
    tpu.vector_store_idx %arg28[%get3A_264], %broadcast_in_dim3A_266 {add = true} : memref<10240xf32, #tpu.memory_space<vmem>>[vector<16xi32>], vector<16xf32>,
    %get3A_267 = arith.constant 32 : index
    %get3A_268 = tpu.vector_load %arg12[%get3A_267] {strides = array<i32>} : memref<80xi32, #tpu.memory_space<vmem>>, vector<16xi32>,
    %broadcast_in_dim3A_269 = arith.constant 1.000000e+00 : f32
    %broadcast_in_dim3A_270 = vector.broadcast %broadcast_in_dim3A_269 : f32 to vector<16xf32>
    tpu.vector_store_idx %arg28[%get3A_268], %broadcast_in_dim3A_270 {add = true} : memref<10240xf32, #tpu.memory_space<vmem>>[vector<16xi32>], vector<16xf32>,
    %get3A_271 = arith.constant 48 : index
    %get3A_272 = tpu.vector_load %arg12[%get3A_271] {strides = array<i32>} : memref<80xi32, #tpu.memory_space<vmem>>, vector<16xi32>,
    %broadcast_in_dim3A_273 = arith.constant 1.000000e+00 : f32
    %broadcast_in_dim3A_274 = vector.broadcast %broadcast_in_dim3A_273 : f32 to vector<16xf32>
    tpu.vector_store_idx %arg28[%get3A_272], %broadcast_in_dim3A_274 {add = true} : memref<10240xf32, #tpu.memory_space<vmem>>[vector<16xi32>], vector<16xf32>,
    %get3A_275 = arith.constant 64 : index
    %get3A_276 = tpu.vector_load %arg12[%get3A_275] {strides = array<i32>} : memref<80xi32, #tpu.memory_space<vmem>>, vector<16xi32>,
    %broadcast_in_dim3A_277 = arith.constant 1.000000e+00 : f32
    %broadcast_in_dim3A_278 = vector.broadcast %broadcast_in_dim3A_277 : f32 to vector<16xf32>
    tpu.vector_store_idx %arg28[%get3A_276], %broadcast_in_dim3A_278 {add = true} : memref<10240xf32, #tpu.memory_space<vmem>>[vector<16xi32>], vector<16xf32>,
    %dma_wait3A_279 = arith.constant 0 : i32
    %dma_wait3A_280 = arith.constant 0 : i32
    %dma_wait3A_281 = tpu.memref_slice %arg15[%dma_wait3A_279, %dma_wait3A_280] : memref<10240x128xf32, #tpu.memory_space<vmem_shared>> -> memref<10240x128xf32, #tpu.memory_space<vmem_shared>>
    tpu.wait_indirect_dma semaphore(%arg25 : memref<!tpu.dma_semaphore, #tpu.memory_space<semaphore_mem>>) src(%arg6 : memref<80x128xf32, #tpu.memory_space<vmem>>) dst(%dma_wait3A_281 : memref<10240x128xf32, #tpu.memory_space<vmem_shared>>)
    %dma_wait3A_282 = arith.constant 0 : i32
    %dma_wait3A_283 = arith.constant 0 : i32
    %dma_wait3A_284 = tpu.memref_slice %arg2[%dma_wait3A_282, %dma_wait3A_283] : memref<10000x128xf32, #tpu.memory_space<hbm>> -> memref<10000x128xf32, #tpu.memory_space<hbm>>
    tpu.wait_indirect_dma semaphore(%arg17 : memref<!tpu.dma_semaphore, #tpu.memory_space<semaphore_mem>>) src(%dma_wait3A_284 : memref<10000x128xf32, #tpu.memory_space<hbm>>) dst(%arg7 : memref<80x128xf32, #tpu.memory_space<vmem>>)
    %add3A_285 = arith.constant 320000 : i32
    %add3A_286 = arith.addi %add3A_285, %mul3A_4 : i32
    %add3A_287 = arith.constant 9920 : i32
    %add3A_288 = arith.addi %add3A_286, %add3A_287 : i32
    %multiple_of3A_289 = tpu.assume_multiple %add3A_288, 8 : i32
    %dma_wait3A_290 = tpu.memref_slice %arg3[%multiple_of3A_289] : memref<640000xi32, #tpu.memory_space<hbm>> -> memref<80xi32, #tpu.memory_space<hbm>>
    %dma_wait3A_291 = tpu.memref_slice %arg3[%multiple_of3A_289] : memref<640000xi32, #tpu.memory_space<hbm>> -> memref<80xi32, #tpu.memory_space<hbm>>
    tpu.wait_dma2 semaphore(%arg23 : memref<!tpu.dma_semaphore, #tpu.memory_space<semaphore_mem>>) src(%dma_wait3A_291 : memref<80xi32, #tpu.memory_space<hbm>>) dst(%arg13 : memref<80xi32, #tpu.memory_space<vmem>>)
    %dma_start3A_292 = arith.constant 0 : i32
    %dma_start3A_293 = arith.constant 0 : i32
    %dma_start3A_294 = tpu.memref_slice %arg15[%dma_start3A_292, %dma_start3A_293] : memref<10240x128xf32, #tpu.memory_space<vmem_shared>> -> memref<10240x128xf32, #tpu.memory_space<vmem_shared>>
    tpu.enqueue_indirect_dma source(%arg7 : memref<80x128xf32, #tpu.memory_space<vmem>>) target(%dma_start3A_294 : memref<10240x128xf32, #tpu.memory_space<vmem_shared>>) offsets(%arg13 : memref<80xi32, #tpu.memory_space<vmem>>) semaphore(%arg26 : memref<!tpu.dma_semaphore, #tpu.memory_space<semaphore_mem>>) {add = true}
    %get3A_295 = arith.constant 0 : index
    %get3A_296 = tpu.vector_load %arg13[%get3A_295] {strides = array<i32>} : memref<80xi32, #tpu.memory_space<vmem>>, vector<16xi32>,
    %broadcast_in_dim3A_297 = arith.constant 1.000000e+00 : f32
    %broadcast_in_dim3A_298 = vector.broadcast %broadcast_in_dim3A_297 : f32 to vector<16xf32>
    tpu.vector_store_idx %arg28[%get3A_296], %broadcast_in_dim3A_298 {add = true} : memref<10240xf32, #tpu.memory_space<vmem>>[vector<16xi32>], vector<16xf32>,
    %get3A_299 = arith.constant 16 : index
    %get3A_300 = tpu.vector_load %arg13[%get3A_299] {strides = array<i32>} : memref<80xi32, #tpu.memory_space<vmem>>, vector<16xi32>,
    %broadcast_in_dim3A_301 = arith.constant 1.000000e+00 : f32
    %broadcast_in_dim3A_302 = vector.broadcast %broadcast_in_dim3A_301 : f32 to vector<16xf32>
    tpu.vector_store_idx %arg28[%get3A_300], %broadcast_in_dim3A_302 {add = true} : memref<10240xf32, #tpu.memory_space<vmem>>[vector<16xi32>], vector<16xf32>,
    %get3A_303 = arith.constant 32 : index
    %get3A_304 = tpu.vector_load %arg13[%get3A_303] {strides = array<i32>} : memref<80xi32, #tpu.memory_space<vmem>>, vector<16xi32>,
    %broadcast_in_dim3A_305 = arith.constant 1.000000e+00 : f32
    %broadcast_in_dim3A_306 = vector.broadcast %broadcast_in_dim3A_305 : f32 to vector<16xf32>
    tpu.vector_store_idx %arg28[%get3A_304], %broadcast_in_dim3A_306 {add = true} : memref<10240xf32, #tpu.memory_space<vmem>>[vector<16xi32>], vector<16xf32>,
    %get3A_307 = arith.constant 48 : index
    %get3A_308 = tpu.vector_load %arg13[%get3A_307] {strides = array<i32>} : memref<80xi32, #tpu.memory_space<vmem>>, vector<16xi32>,
    %broadcast_in_dim3A_309 = arith.constant 1.000000e+00 : f32
    %broadcast_in_dim3A_310 = vector.broadcast %broadcast_in_dim3A_309 : f32 to vector<16xf32>
    tpu.vector_store_idx %arg28[%get3A_308], %broadcast_in_dim3A_310 {add = true} : memref<10240xf32, #tpu.memory_space<vmem>>[vector<16xi32>], vector<16xf32>,
    %get3A_311 = arith.constant 64 : index
    %get3A_312 = tpu.vector_load %arg13[%get3A_311] {strides = array<i32>} : memref<80xi32, #tpu.memory_space<vmem>>, vector<16xi32>,
    %broadcast_in_dim3A_313 = arith.constant 1.000000e+00 : f32
    %broadcast_in_dim3A_314 = vector.broadcast %broadcast_in_dim3A_313 : f32 to vector<16xf32>
    tpu.vector_store_idx %arg28[%get3A_312], %broadcast_in_dim3A_314 {add = true} : memref<10240xf32, #tpu.memory_space<vmem>>[vector<16xi32>], vector<16xf32>,
    %dma_wait3A_315 = arith.constant 0 : i32
    %dma_wait3A_316 = arith.constant 0 : i32
    %dma_wait3A_317 = tpu.memref_slice %arg15[%dma_wait3A_315, %dma_wait3A_316] : memref<10240x128xf32, #tpu.memory_space<vmem_shared>> -> memref<10240x128xf32, #tpu.memory_space<vmem_shared>>
    tpu.wait_indirect_dma semaphore(%arg26 : memref<!tpu.dma_semaphore, #tpu.memory_space<semaphore_mem>>) src(%arg7 : memref<80x128xf32, #tpu.memory_space<vmem>>) dst(%dma_wait3A_317 : memref<10240x128xf32, #tpu.memory_space<vmem_shared>>)
    %barrier3A_318 = arith.constant 0 : index
    tpu.barrier barrier_id(%barrier3A_318)
    "tpu.region"() ({
      %run_scoped3A = tpu.sem_alloc : memref<!tpu.dma_semaphore, #tpu.memory_space<semaphore_mem>>
      %dma_start3A_319 = arith.constant 0 : i32
      %dma_start3A_320 = tpu.memref_slice %arg4[%arg0, %mul3A_2, %dma_start3A_319] : memref<2x10240x128xf32, #tpu.memory_space<hbm>> -> memref<1x640x128xf32, #tpu.memory_space<hbm>>
      %dma_start3A_321 = tpu.memref_squeeze %dma_start3A_320 : memref<1x640x128xf32, #tpu.memory_space<hbm>> -> memref<640x128xf32, #tpu.memory_space<hbm>>
      %dma_start3A_322 = arith.constant 0 : i32
      %dma_start3A_323 = tpu.memref_slice %arg15[%mul3A_2, %dma_start3A_322] : memref<10240x128xf32, #tpu.memory_space<vmem_shared>> -> memref<640x128xf32, #tpu.memory_space<vmem_shared>>
      tpu.enqueue_dma source(%dma_start3A_323 : memref<640x128xf32, #tpu.memory_space<vmem_shared>>) target(%dma_start3A_321 : memref<640x128xf32, #tpu.memory_space<hbm>>) target_semaphore(%run_scoped3A : memref<!tpu.dma_semaphore, #tpu.memory_space<semaphore_mem>>)
      %dma_wait3A_324 = arith.constant 0 : i32
      %dma_wait3A_325 = tpu.memref_slice %arg4[%arg0, %mul3A_2, %dma_wait3A_324] : memref<2x10240x128xf32, #tpu.memory_space<hbm>> -> memref<1x640x128xf32, #tpu.memory_space<hbm>>
      %dma_wait3A_326 = tpu.memref_squeeze %dma_wait3A_325 : memref<1x640x128xf32, #tpu.memory_space<hbm>> -> memref<640x128xf32, #tpu.memory_space<hbm>>
      %dma_wait3A_327 = arith.constant 0 : i32
      %dma_wait3A_328 = tpu.memref_slice %arg15[%mul3A_2, %dma_wait3A_327] : memref<10240x128xf32, #tpu.memory_space<vmem_shared>> -> memref<640x128xf32, #tpu.memory_space<vmem_shared>>
      tpu.wait_dma2 semaphore(%run_scoped3A : memref<!tpu.dma_semaphore, #tpu.memory_space<semaphore_mem>>) src(%dma_wait3A_328 : memref<640x128xf32, #tpu.memory_space<vmem_shared>>) dst(%dma_wait3A_326 : memref<640x128xf32, #tpu.memory_space<hbm>>)
      tpu.yield
    }) : () -> ()
    "tpu.region"() ({
      %run_scoped3A = tpu.sem_alloc : memref<!tpu.dma_semaphore, #tpu.memory_space<semaphore_mem>>
      %dma_start3A_319 = arith.constant 0 : i32
      %dma_start3A_320 = tpu.memref_slice %arg5[%arg0, %arg1, %dma_start3A_319] : memref<2x16x10240xf32, #tpu.memory_space<hbm>> -> memref<1x1x10240xf32, #tpu.memory_space<hbm>>
      %dma_start3A_321 = tpu.memref_squeeze %dma_start3A_320 : memref<1x1x10240xf32, #tpu.memory_space<hbm>> -> memref<10240xf32, #tpu.memory_space<hbm>>
      %dma_start3A_322 = arith.constant 0 : i32
      %dma_start3A_323 = tpu.memref_slice %arg5[%arg0, %arg1, %dma_start3A_322] : memref<2x16x10240xf32, #tpu.memory_space<hbm>> -> memref<1x1x10240xf32, #tpu.memory_space<hbm>>
      %dma_start3A_324 = tpu.memref_squeeze %dma_start3A_323 : memref<1x1x10240xf32, #tpu.memory_space<hbm>> -> memref<10240xf32, #tpu.memory_space<hbm>>
      tpu.enqueue_dma source(%arg28 : memref<10240xf32, #tpu.memory_space<vmem>>) target(%dma_start3A_324 : memref<10240xf32, #tpu.memory_space<hbm>>) target_semaphore(%run_scoped3A : memref<!tpu.dma_semaphore, #tpu.memory_space<semaphore_mem>>)
      %dma_wait3A_325 = arith.constant 0 : i32
      %dma_wait3A_326 = tpu.memref_slice %arg5[%arg0, %arg1, %dma_wait3A_325] : memref<2x16x10240xf32, #tpu.memory_space<hbm>> -> memref<1x1x10240xf32, #tpu.memory_space<hbm>>
      %dma_wait3A_327 = tpu.memref_squeeze %dma_wait3A_326 : memref<1x1x10240xf32, #tpu.memory_space<hbm>> -> memref<10240xf32, #tpu.memory_space<hbm>>
      %dma_wait3A_328 = arith.constant 0 : i32
      %dma_wait3A_329 = tpu.memref_slice %arg5[%arg0, %arg1, %dma_wait3A_328] : memref<2x16x10240xf32, #tpu.memory_space<hbm>> -> memref<1x1x10240xf32, #tpu.memory_space<hbm>>
      %dma_wait3A_330 = tpu.memref_squeeze %dma_wait3A_329 : memref<1x1x10240xf32, #tpu.memory_space<hbm>> -> memref<10240xf32, #tpu.memory_space<hbm>>
      tpu.wait_dma2 semaphore(%run_scoped3A : memref<!tpu.dma_semaphore, #tpu.memory_space<semaphore_mem>>) src(%arg28 : memref<10240xf32, #tpu.memory_space<vmem>>) dst(%dma_wait3A_330 : memref<10240xf32, #tpu.memory_space<hbm>>)
      tpu.yield
    }) : () -> ()
    return
  }
}

module attributes {stable_mosaic.version = 14 : i64} {
  func.func @body(%arg0: i32, %arg1: memref<2x2000x128xf32, #tpu.memory_space<vmem>>, %arg2: memref<2000x32xf32, #tpu.memory_space<vmem>>, %arg3: memref<2000x128xf32, #tpu.memory_space<vmem>>, %arg4: memref<128x128xf32, #tpu.memory_space<vmem>>, %arg5: memref<128x128xf32, #tpu.memory_space<vmem>>, %arg6: memref<1x128xf32, #tpu.memory_space<vmem>>, %arg7: memref<2000x128xf32, #tpu.memory_space<vmem>>) attributes {dimension_semantics = [#tpu.dimension_semantics<arbitrary>], iteration_bounds = array<i64: 5>, scalar_prefetch = 0 : i64, scratch_operands = 0 : i64, tpu.core_type = #tpu.core_type<tc>, window_params = [{transform_indices = @transform_0, window_bounds = array<i64: 2, 2000, 128>}, {transform_indices = @transform_1, window_bounds = array<i64: 2000, 32>}, {transform_indices = @transform_2, window_bounds = array<i64: 2000, 128>}, {pipeline_mode = #tpu.pipeline_mode<synchronous>, transform_indices = @transform_3, window_bounds = array<i64: 128, 128>}, {pipeline_mode = #tpu.pipeline_mode<synchronous>, transform_indices = @transform_4, window_bounds = array<i64: 128, 128>}, {pipeline_mode = #tpu.pipeline_mode<synchronous>, transform_indices = @transform_5, window_bounds = array<i64: 1, 128>}, {transform_indices = @transform_6, window_bounds = array<i64: 2000, 128>}]} {
    %get3A = arith.constant 0 : index
    %get3A_0 = arith.constant 0 : index
    %get3A_1 = arith.constant 0 : index
    %get3A_2 = vector.load %arg1[%get3A, %get3A_0, %get3A_1] : memref<2x2000x128xf32, #tpu.memory_space<vmem>>, vector<1x2000x128xf32>
    %get3A_3 = vector.shape_cast %get3A_2 : vector<1x2000x128xf32> to vector<2000x128xf32>
    %get3A_4 = arith.constant 1 : index
    %get3A_5 = arith.constant 0 : index
    %get3A_6 = arith.constant 0 : index
    %get3A_7 = vector.load %arg1[%get3A_4, %get3A_5, %get3A_6] : memref<2x2000x128xf32, #tpu.memory_space<vmem>>, vector<1x2000x128xf32>
    %get3A_8 = vector.shape_cast %get3A_7 : vector<1x2000x128xf32> to vector<2000x128xf32>
    %add3A = arith.addf %get3A_3, %get3A_8 : vector<2000x128xf32>
    %get3A_9 = arith.constant 0 : index
    %get3A_10 = arith.constant 0 : index
    %get3A_11 = vector.load %arg2[%get3A_9, %get3A_10] : memref<2000x32xf32, #tpu.memory_space<vmem>>, vector<2000x32xf32>
    %reduce_sum3A = arith.constant dense<0.000000e+00> : vector<2000xf32>
    %reduce_sum3A_12 = vector.multi_reduction <add>, %get3A_11, %reduce_sum3A [1] : vector<2000x32xf32> to vector<2000xf32>
    %broadcast_in_dim3A = vector.shape_cast %reduce_sum3A_12 : vector<2000xf32> to vector<2000x1xf32>
    %max3A = arith.constant 1.000000e+00 : f32
    %max3A_13 = vector.broadcast %max3A : f32 to vector<2000x1xf32>
    %max3A_14 = arith.maximumf %broadcast_in_dim3A, %max3A_13 : vector<2000x1xf32>
    %div3A = vector.broadcast %max3A_14 : vector<2000x1xf32> to vector<2000x128xf32>
    %div3A_15 = arith.divf %add3A, %div3A : vector<2000x128xf32>
    %get3A_16 = arith.constant 0 : index
    %get3A_17 = arith.constant 0 : index
    %get3A_18 = vector.load %arg4[%get3A_16, %get3A_17] : memref<128x128xf32, #tpu.memory_space<vmem>>, vector<128x128xf32>
    %dot_general3A = arith.constant dense<0.000000e+00> : vector<2000x128xf32>
    %dot_general3A_19 = tpu.matmul %div3A_15, %get3A_18, %dot_general3A {dimension_numbers = #tpu.dot_dimension_numbers<[1], [0], [0], [1], [0, 0, 1, 1], [], []>, transpose_lhs_hint = false} : vector<2000x128xf32>, vector<128x128xf32>, vector<2000x128xf32> -> vector<2000x128xf32>
    %get3A_20 = arith.constant 0 : index
    %get3A_21 = arith.constant 0 : index
    %get3A_22 = vector.load %arg3[%get3A_20, %get3A_21] : memref<2000x128xf32, #tpu.memory_space<vmem>>, vector<2000x128xf32>
    %get3A_23 = arith.constant 0 : index
    %get3A_24 = arith.constant 0 : index
    %get3A_25 = vector.load %arg5[%get3A_23, %get3A_24] : memref<128x128xf32, #tpu.memory_space<vmem>>, vector<128x128xf32>
    %dot_general3A_26 = arith.constant dense<0.000000e+00> : vector<2000x128xf32>
    %dot_general3A_27 = tpu.matmul %get3A_22, %get3A_25, %dot_general3A_26 {dimension_numbers = #tpu.dot_dimension_numbers<[1], [0], [0], [1], [0, 0, 1, 1], [], []>, transpose_lhs_hint = false} : vector<2000x128xf32>, vector<128x128xf32>, vector<2000x128xf32> -> vector<2000x128xf32>
    %add3A_28 = arith.addf %dot_general3A_19, %dot_general3A_27 : vector<2000x128xf32>
    %get3A_29 = arith.constant 0 : index
    %get3A_30 = arith.constant 0 : index
    %get3A_31 = vector.load %arg6[%get3A_29, %get3A_30] : memref<1x128xf32, #tpu.memory_space<vmem>>, vector<1x128xf32>
    %add3A_32 = vector.broadcast %get3A_31 : vector<1x128xf32> to vector<2000x128xf32>
    %add3A_33 = arith.addf %add3A_28, %add3A_32 : vector<2000x128xf32>
    %max3A_34 = arith.constant 0.000000e+00 : f32
    %max3A_35 = vector.broadcast %max3A_34 : f32 to vector<2000x128xf32>
    %max3A_36 = arith.maximumf %add3A_33, %max3A_35 : vector<2000x128xf32>
    %swap3A = arith.constant 0 : index
    %swap3A_37 = arith.constant 0 : index
    %swap3A_38 = vector.load %arg7[%swap3A, %swap3A_37] : memref<2000x128xf32, #tpu.memory_space<vmem>>, vector<2000x128xf32>
    tpu.vector_store %arg7[%swap3A, %swap3A_37], %max3A_36 {strides = array<i32>} : memref<2000x128xf32, #tpu.memory_space<vmem>>, vector<2000x128xf32>,
    return
  }
  func.func @transform_0(%arg0: i32) -> (i32, i32, i32) {
    %c0_i32 = arith.constant 0 : i32
    %c0_i32_0 = arith.constant 0 : i32
    %c0_i32_1 = arith.constant 0 : i32
    return %c0_i32, %arg0, %c0_i32_0 : i32, i32, i32
  }
  func.func @transform_1(%arg0: i32) -> (i32, i32) {
    %c0_i32 = arith.constant 0 : i32
    %c0_i32_0 = arith.constant 0 : i32
    return %arg0, %c0_i32 : i32, i32
  }
  func.func @transform_2(%arg0: i32) -> (i32, i32) {
    %c0_i32 = arith.constant 0 : i32
    %c0_i32_0 = arith.constant 0 : i32
    return %arg0, %c0_i32 : i32, i32
  }
  func.func @transform_3(%arg0: i32) -> (i32, i32) {
    %c0_i32 = arith.constant 0 : i32
    %c0_i32_0 = arith.constant 0 : i32
    %c0_i32_1 = arith.constant 0 : i32
    return %c0_i32, %c0_i32_0 : i32, i32
  }
  func.func @transform_4(%arg0: i32) -> (i32, i32) {
    %c0_i32 = arith.constant 0 : i32
    %c0_i32_0 = arith.constant 0 : i32
    %c0_i32_1 = arith.constant 0 : i32
    return %c0_i32, %c0_i32_0 : i32, i32
  }
  func.func @transform_5(%arg0: i32) -> (i32, i32) {
    %c0_i32 = arith.constant 0 : i32
    %c0_i32_0 = arith.constant 0 : i32
    %c0_i32_1 = arith.constant 0 : i32
    return %c0_i32, %c0_i32_0 : i32, i32
  }
  func.func @transform_6(%arg0: i32) -> (i32, i32) {
    %c0_i32 = arith.constant 0 : i32
    %c0_i32_0 = arith.constant 0 : i32
    return %arg0, %c0_i32 : i32, i32
  }
}

module attributes {stable_mosaic.version = 14 : i64} {
  func.func @body(%arg0: i32, %arg1: memref<2x2000x128xf32, #tpu.memory_space<vmem>>, %arg2: memref<2000x32xf32, #tpu.memory_space<vmem>>, %arg3: memref<2000x128xf32, #tpu.memory_space<vmem>>, %arg4: memref<128x40xf32, #tpu.memory_space<vmem>>, %arg5: memref<128x40xf32, #tpu.memory_space<vmem>>, %arg6: memref<1x40xf32, #tpu.memory_space<vmem>>, %arg7: memref<2000x40xf32, #tpu.memory_space<vmem>>) attributes {dimension_semantics = [#tpu.dimension_semantics<arbitrary>], iteration_bounds = array<i64: 5>, scalar_prefetch = 0 : i64, scratch_operands = 0 : i64, tpu.core_type = #tpu.core_type<tc>, window_params = [{transform_indices = @transform_0, window_bounds = array<i64: 2, 2000, 128>}, {transform_indices = @transform_1, window_bounds = array<i64: 2000, 32>}, {transform_indices = @transform_2, window_bounds = array<i64: 2000, 128>}, {pipeline_mode = #tpu.pipeline_mode<synchronous>, transform_indices = @transform_3, window_bounds = array<i64: 128, 40>}, {pipeline_mode = #tpu.pipeline_mode<synchronous>, transform_indices = @transform_4, window_bounds = array<i64: 128, 40>}, {pipeline_mode = #tpu.pipeline_mode<synchronous>, transform_indices = @transform_5, window_bounds = array<i64: 1, 40>}, {transform_indices = @transform_6, window_bounds = array<i64: 2000, 40>}]} {
    %get3A = arith.constant 0 : index
    %get3A_0 = arith.constant 0 : index
    %get3A_1 = arith.constant 0 : index
    %get3A_2 = vector.load %arg1[%get3A, %get3A_0, %get3A_1] : memref<2x2000x128xf32, #tpu.memory_space<vmem>>, vector<1x2000x128xf32>
    %get3A_3 = vector.shape_cast %get3A_2 : vector<1x2000x128xf32> to vector<2000x128xf32>
    %get3A_4 = arith.constant 1 : index
    %get3A_5 = arith.constant 0 : index
    %get3A_6 = arith.constant 0 : index
    %get3A_7 = vector.load %arg1[%get3A_4, %get3A_5, %get3A_6] : memref<2x2000x128xf32, #tpu.memory_space<vmem>>, vector<1x2000x128xf32>
    %get3A_8 = vector.shape_cast %get3A_7 : vector<1x2000x128xf32> to vector<2000x128xf32>
    %add3A = arith.addf %get3A_3, %get3A_8 : vector<2000x128xf32>
    %get3A_9 = arith.constant 0 : index
    %get3A_10 = arith.constant 0 : index
    %get3A_11 = vector.load %arg2[%get3A_9, %get3A_10] : memref<2000x32xf32, #tpu.memory_space<vmem>>, vector<2000x32xf32>
    %reduce_sum3A = arith.constant dense<0.000000e+00> : vector<2000xf32>
    %reduce_sum3A_12 = vector.multi_reduction <add>, %get3A_11, %reduce_sum3A [1] : vector<2000x32xf32> to vector<2000xf32>
    %broadcast_in_dim3A = vector.shape_cast %reduce_sum3A_12 : vector<2000xf32> to vector<2000x1xf32>
    %max3A = arith.constant 1.000000e+00 : f32
    %max3A_13 = vector.broadcast %max3A : f32 to vector<2000x1xf32>
    %max3A_14 = arith.maximumf %broadcast_in_dim3A, %max3A_13 : vector<2000x1xf32>
    %div3A = vector.broadcast %max3A_14 : vector<2000x1xf32> to vector<2000x128xf32>
    %div3A_15 = arith.divf %add3A, %div3A : vector<2000x128xf32>
    %get3A_16 = arith.constant 0 : index
    %get3A_17 = arith.constant 0 : index
    %get3A_18 = vector.load %arg4[%get3A_16, %get3A_17] : memref<128x40xf32, #tpu.memory_space<vmem>>, vector<128x40xf32>
    %dot_general3A = arith.constant dense<0.000000e+00> : vector<2000x40xf32>
    %dot_general3A_19 = tpu.matmul %div3A_15, %get3A_18, %dot_general3A {dimension_numbers = #tpu.dot_dimension_numbers<[1], [0], [0], [1], [0, 0, 1, 1], [], []>, transpose_lhs_hint = false} : vector<2000x128xf32>, vector<128x40xf32>, vector<2000x40xf32> -> vector<2000x40xf32>
    %get3A_20 = arith.constant 0 : index
    %get3A_21 = arith.constant 0 : index
    %get3A_22 = vector.load %arg3[%get3A_20, %get3A_21] : memref<2000x128xf32, #tpu.memory_space<vmem>>, vector<2000x128xf32>
    %get3A_23 = arith.constant 0 : index
    %get3A_24 = arith.constant 0 : index
    %get3A_25 = vector.load %arg5[%get3A_23, %get3A_24] : memref<128x40xf32, #tpu.memory_space<vmem>>, vector<128x40xf32>
    %dot_general3A_26 = arith.constant dense<0.000000e+00> : vector<2000x40xf32>
    %dot_general3A_27 = tpu.matmul %get3A_22, %get3A_25, %dot_general3A_26 {dimension_numbers = #tpu.dot_dimension_numbers<[1], [0], [0], [1], [0, 0, 1, 1], [], []>, transpose_lhs_hint = false} : vector<2000x128xf32>, vector<128x40xf32>, vector<2000x40xf32> -> vector<2000x40xf32>
    %add3A_28 = arith.addf %dot_general3A_19, %dot_general3A_27 : vector<2000x40xf32>
    %get3A_29 = arith.constant 0 : index
    %get3A_30 = arith.constant 0 : index
    %get3A_31 = vector.load %arg6[%get3A_29, %get3A_30] : memref<1x40xf32, #tpu.memory_space<vmem>>, vector<1x40xf32>
    %add3A_32 = vector.broadcast %get3A_31 : vector<1x40xf32> to vector<2000x40xf32>
    %add3A_33 = arith.addf %add3A_28, %add3A_32 : vector<2000x40xf32>
    %swap3A = arith.constant 0 : index
    %swap3A_34 = arith.constant 0 : index
    %swap3A_35 = vector.load %arg7[%swap3A, %swap3A_34] : memref<2000x40xf32, #tpu.memory_space<vmem>>, vector<2000x40xf32>
    tpu.vector_store %arg7[%swap3A, %swap3A_34], %add3A_33 {strides = array<i32>} : memref<2000x40xf32, #tpu.memory_space<vmem>>, vector<2000x40xf32>,
    return
  }
  func.func @transform_0(%arg0: i32) -> (i32, i32, i32) {
    %c0_i32 = arith.constant 0 : i32
    %c0_i32_0 = arith.constant 0 : i32
    %c0_i32_1 = arith.constant 0 : i32
    return %c0_i32, %arg0, %c0_i32_0 : i32, i32, i32
  }
  func.func @transform_1(%arg0: i32) -> (i32, i32) {
    %c0_i32 = arith.constant 0 : i32
    %c0_i32_0 = arith.constant 0 : i32
    return %arg0, %c0_i32 : i32, i32
  }
  func.func @transform_2(%arg0: i32) -> (i32, i32) {
    %c0_i32 = arith.constant 0 : i32
    %c0_i32_0 = arith.constant 0 : i32
    return %arg0, %c0_i32 : i32, i32
  }
  func.func @transform_3(%arg0: i32) -> (i32, i32) {
    %c0_i32 = arith.constant 0 : i32
    %c0_i32_0 = arith.constant 0 : i32
    %c0_i32_1 = arith.constant 0 : i32
    return %c0_i32, %c0_i32_0 : i32, i32
  }
  func.func @transform_4(%arg0: i32) -> (i32, i32) {
    %c0_i32 = arith.constant 0 : i32
    %c0_i32_0 = arith.constant 0 : i32
    %c0_i32_1 = arith.constant 0 : i32
    return %c0_i32, %c0_i32_0 : i32, i32
  }
  func.func @transform_5(%arg0: i32) -> (i32, i32) {
    %c0_i32 = arith.constant 0 : i32
    %c0_i32_0 = arith.constant 0 : i32
    %c0_i32_1 = arith.constant 0 : i32
    return %c0_i32, %c0_i32_0 : i32, i32
  }
  func.func @transform_6(%arg0: i32) -> (i32, i32) {
    %c0_i32 = arith.constant 0 : i32
    %c0_i32_0 = arith.constant 0 : i32
    return %arg0, %c0_i32 : i32, i32
  }
}

</mosaic_0001>

<sc_bundles>
// kernel: kernel.6.cloned.1.call-start
scs
__scs_entry_jumppad:
0x0: {  	(pc) =	sbr.rel $0x88, $3  }
0x1: {  	(tag) =	ssettag $0x0;
	lr =	simm.s32 $0x1  }
0x2: {  	[smem:$0x3F99] =	sst lr;
	_ =	strace $0xD0000000  }
0x3: {  	_ = 	snop  }
0x4: {  	_ = 	snop  }
0x5: {  	_ = 	snop  }
0x6: {  	_ = 	snop  }
0x7: {  	_ = 	snop  }
__scs_overlays_trampoline_lowered:
0x8: {  	[smem:$0x3FA8] =	sst s0  }
0x9: {  	[smem:$0x3FA9] =	sst s1  }
0xa: {  	[smem:$0x3FAA] =	sst s2  }
0xb: {  	[smem:$0x3FAB] =	sst s3  }
0xc: {  	[smem:$0x3FAC] =	sst s4  }
0xd: {  	[smem:$0x3FAD] =	sst s5  }
0xe: {  	[smem:$0x3FAE] =	sst s6  }
0xf: {  	[smem:$0x3FAF] =	sst s7  }
0x10: {  	[smem:$0x3FB0] =	sst s8  }
0x11: {  	[smem:$0x3FB1] =	sst s9;
	s0 =	simm.s32 @!p0 $0x0  }
0x12: {  	s1 =	sld [smem:$0x3F97];
	s0 =	simm.s32 @p0 $0x1  }
0x13: {  	[smem:$0x3FB2] =	sst s0;
	s0 =	simm.s32 @!p1 $0x0  }
0x14: {  	s2 =	sld [smem:$0x3F96];
	s0 =	simm.s32 @p1 $0x1  }
0x15: {  	[smem:$0x3FB3] =	sst s0;
	s0 =	simm.s32 @!p2 $0x0  }
0x16: {  	s3 =	sld [smem:$0x3FDB];
	s0 =	simm.s32 @p2 $0x1  }
0x17: {  	s4 =	simm.s32 $0x1BF5;
	[smem:$0x3FB5] =	sst s0  }
0x18: {  	s0 =	sld [smem:$0x3F98];
	_ =	swait.ge [sflag:s4], $0x0  }
0x19: {  	s7 =	sld [smem:$0x3F99]  }
0x1a: {  	s8 =	sadd.s32 $0xFFFFE003, lr  }
0x1b: {  	s9 =	sadd.s32 $0xFFFFFEF7, lr;
	s5 =	simm.s32 $0xFFFFFFFF;
	p2 =	slt.u32 s8, $0xFFFFF086  }
0x1c: {  	p1 =	slt.u32 s9, $0xF7A;
	s5 =	simm.s32 @!p2 $0x0  }
0x1d: {  	s5 =	simm.s32 @p1 $0x1;
	p0 =	seq.s32 s7, s2  }
0x1e: {  	s7 =	smul.u32 @!p0 $0xF7A, s2;
	p2 =	seq.s32 @!p0 s5, $0x0  }
0x1f: {  	s9 =	smul.u32 $0xF7A, s1;
	s8 =	simm.s32 @!p0 $0x1BF5;
	p2 =	por !p2, p0  }
0x20: {  	[sflag:s8] =	ssyncset.s32 @!p0 $0xFFFFF086;
	s6 =	sadd.s32 @!p0 s3, s7;
	s7 =	simm.s32 @!p0 $0x108  }
0x21: {  	s3 =	sadd.s32 s3, s9;
	s6 =	sadd.s32 @!p0 $0x88, s6;
	s7 =	simm.s32 @p2 $0x1082  }
0x22: {  	[simem:s7], [sflag:s8] =	dma.local @!p0 [hbm:s6], $0xF7A  }
0x23: {  	s9 =	sor.u32 $0xD0000000, s2;
	s6 =	simm.s32 $0x108;
	_ =	swait.ge @!p0 [sflag:s8], $0x0  }
0x24: {  	s3 =	sadd.s32 $0x88, s3;
	s6 =	simm.s32 @!p1 $0x1082;
	[sflag:s4] =	ssyncset.s32 $0xFFFFF086  }
0x25: {  	[simem:s6], [sflag:s4] =	dma.local [hbm:s3], $0xF7A  }
0x26: {  	[smem:$0x3F99] =	sst s1;
	(tag) =	ssettag s2;
	_ =	strace s9  }
0x27: {  	s1 =	sld [smem:$0x3FA9]  }
0x28: {  	s2 =	sld [smem:$0x3FAA]  }
0x29: {  	s4 =	sld [smem:$0x3FAC]  }
0x2a: {  	p0 =	seq.s32 s5, $0x0;
	s5 =	sld [smem:$0x3FAD]  }
0x2b: {  	s6 =	sld [smem:$0x3FAE]  }
0x2c: {  	s7 =	sld [smem:$0x3FAF]  }
0x2d: {  	s3 =	simm.s32 $0x108;
	s8 =	sld [smem:$0x3FB0]  }
0x2e: {  	s3 =	simm.s32 @!p0 $0x1082;
	s9 =	sld [smem:$0x3FB1]  }
0x2f: {  	lr =	sadd.s32 s0, s3;
	s0 =	sld [smem:$0x3FA8]  }
0x30: {  	s3 =	sld [smem:$0x3FAB]  }
0x31: {  	[smem:$0x3FB4] =	sst s10  }
0x32: {  	s10 =	sld [smem:$0x3FB2];
	_ =	sdelay $0x3  }
0x33: {  	p0 =	seq.s32 s10, $0x1;
	s10 =	sld [smem:$0x3FB4];
	_ =	sdelay $0x3  }
0x34: {  	[smem:$0x3FB4] =	sst s10  }
0x35: {  	s10 =	sld [smem:$0x3FB3];
	_ =	sdelay $0x3  }
0x36: {  	p1 =	seq.s32 s10, $0x1;
	s10 =	sld [smem:$0x3FB4];
	_ =	sdelay $0x3  }
0x37: {  	[smem:$0x3FB4] =	sst s10  }
0x38: {  	s10 =	sld [smem:$0x3FB5]  }
0x39: {  	_ = 	snop;
	(pc) =	sbr.ind lr, $3  }
0x3a: {  	_ = 	snop  }
0x3b: {  	_ = 	snop  }
0x3c: {  	p2 =	seq.s32 s10, $0x1;
	s10 =	sld [smem:$0x3FB4]  }
0x3d: {  	_ =	shalt  }
0x3e: {  	_ =	shalt  }
0x3f: {  	_ =	shalt  }
0x40: {  	_ =	shalt  }
0x41: {  	_ =	shalt  }
0x42: {  	_ =	shalt  }
0x43: {  	_ =	shalt  }
0x44: {  	_ =	shalt  }
0x45: {  	_ =	shalt  }
0x46: {  	_ =	shalt  }
0x47: {  	_ =	shalt  }
0x48: {  	_ =	shalt  }
0x49: {  	_ =	shalt  }
0x4a: {  	_ =	shalt  }
0x4b: {  	_ =	shalt  }
0x4c: {  	_ =	shalt  }
0x4d: {  	_ =	shalt  }
0x4e: {  	_ =	shalt  }
0x4f: {  	_ =	shalt  }
0x50: {  	_ =	shalt  }
0x51: {  	_ =	shalt  }
0x52: {  	_ =	shalt  }
0x53: {  	_ =	shalt  }
0x54: {  	_ =	shalt  }
0x55: {  	_ =	shalt  }
0x56: {  	_ =	shalt  }
0x57: {  	_ =	shalt  }
0x58: {  	_ =	shalt  }
0x59: {  	_ =	shalt  }
0x5a: {  	_ =	shalt  }
0x5b: {  	_ =	shalt  }
0x5c: {  	_ =	shalt  }
0x5d: {  	_ =	shalt  }
0x5e: {  	_ =	shalt  }
0x5f: {  	_ =	shalt  }
0x60: {  	_ =	shalt  }
0x61: {  	_ =	shalt  }
0x62: {  	_ =	shalt  }
0x63: {  	_ =	shalt  }
0x64: {  	_ =	shalt  }
0x65: {  	_ =	shalt  }
0x66: {  	_ =	shalt  }
0x67: {  	_ =	shalt  }
0x68: {  	_ =	shalt  }
0x69: {  	_ =	shalt  }
0x6a: {  	_ =	shalt  }
0x6b: {  	_ =	shalt  }
0x6c: {  	_ =	shalt  }
0x6d: {  	_ =	shalt  }
0x6e: {  	_ =	shalt  }
0x6f: {  	_ =	shalt  }
0x70: {  	_ =	shalt  }
0x71: {  	_ =	shalt  }
0x72: {  	_ =	shalt  }
0x73: {  	_ =	shalt  }
0x74: {  	_ =	shalt  }
0x75: {  	_ =	shalt  }
0x76: {  	_ =	shalt  }
0x77: {  	_ =	shalt  }
0x78: {  	_ =	shalt  }
0x79: {  	_ =	shalt  }
0x7a: {  	_ =	shalt  }
0x7b: {  	_ =	shalt  }
0x7c: {  	_ =	shalt  }
0x7d: {  	_ =	shalt  }
0x7e: {  	_ =	shalt  }
0x7f: {  	_ =	shalt  }
0x80: {  	_ =	shalt  }
0x81: {  	_ =	shalt  }
0x82: {  	_ =	shalt  }
0x83: {  	_ =	shalt  }
0x84: {  	_ =	shalt  }
0x85: {  	_ =	shalt  }
0x86: {  	_ =	shalt  }
0x87: {  	_ =	shalt  }
.Lfunc_end0:
.L_simem_size_0:
called_computation_lowered:
.L_overlay_start_0:
0x88: {  	s2 =	sld [smem:$0x3FD9]  }
0x89: {  	s3 =	sld [smem:$0x3FFE];
	_ =	sdelay $0x1  }
0x8a: {  	s1 =	srdreg.scid  }
0x8b: {  	s0 =	sand.u32 $0x1, s1  }
0x8c: {  	s17 =	sshll.u32 s0, $0xA;
	s2 =	sadd.s32 s3, s2  }
0x8d: {  	s2 =	sadd.s32 s2, s17  }
0x8e: {  	[smem:$0x3FC0] =	sst s2  }
0x8f: {  	_ = 	snop  }
0x90: {  	s2 =	sld [smem:$0x3FC9]  }
0x91: {  	s18 =	sld [smem:$0x3FD0];
	(tm) =	ssettm $0x1  }
0x92: {  	s4 =	sld [smem:$0x3FFB];
	_ =	sdelay $0x3  }
0x93: {  	_ =	strace s4  }
0x94: {  	s4 =	sld [smem:$0x3FFC];
	_ =	sdelay $0x3  }
0x95: {  	_ =	strace s4  }
0x96: {  	s4 =	sld [smem:$0x3FFD];
	_ =	sdelay $0x3  }
0x97: {  	_ =	strace s4  }
0x98: {  	_ =	strace $0x8FFFFFFF  }
0x99: {  	s19 =	sld [smem:$0x3FDB];
	_ =	sdelay $0x1  }
0x9a: {  	s5 =	simm.s32 $_scs_section_size  }
0x9b: {  	s6 =	simm.s32 $_size__tile_overlayer_lowered;
	s7 =	simm.s32 $_tile_overlayer_lowered  }
0x9c: {  	s22 =	simm.s32 $0x1BFF;
	s21 =	sshll.u32 s7, $0x1;
	s4 =	sadd.s32 s5, s19  }
0x9d: {  	s8 =	simm.s32 $0x0;
	s20 =	sshll.u32 s6, $0x1;
	s6 =	sadd.s32 s21, s4  }
0x9e: {  	[timem:s8], [sflag:s22] =	dma.local [hbm:s6], s20  }
0x9f: {  	_ =	swait.ge [sflag:s22], s20  }
0xa0: {  	s5 =	ssub.s32 $0x0, s20;
	[sflag:s22] =	ssyncset.done $0x0  }
0xa1: {  	[sflag:s22] =	ssyncadd.s32 s5;
	_ =	sdelay $0x1  }
0xa2: {  	s23 =	simm.s32 $0x1B8B  }
0xa3: {  	_ =	swait.ge [sflag:s23], $0x1  }
0xa4: {  	[sflag:s23] =	ssyncset.done $0x0  }
0xa5: {  	s25 =	simm.s32 $0x1B8E;
	s24 =	sld [smem:$0x3FFE];
	[sflag:s23] =	ssyncadd.s32 $0xFFFFFFFF  }
0xa6: {  	s26 =	simm.s32 $execute0_lowered;
	[smem:$0x3FD2] =	sst s25  }
0xa7: {  	s6 =	sshll.u32 s26, $0x1;
	_ =	strace $0x80000046;
	[dreg:$0x1] =	wrdreg $0xFFFFFFFF  }
0xa8: {  	s28 =	simm.s32 $_size_execute0_lowered;
	s4 =	sadd.s32 s4, s6;
	[dreg:$0x0] =	wrdreg $0x0  }
0xa9: {  	s6 =	sshll.u32 s28, $0x1;
	[dreg:$0x2] =	wrdreg s4  }
0xaa: {  	[dreg:$0x3] =	wrdreg s6  }
0xab: {  	[dreg:$0x4] =	wrdreg $0xC0  }
0xac: {  	_ =	task [dreg:s8], $0x5FFFF  }
0xad: {  	[dreg:$0x1] =	wrdreg $0xFFFFFFFF  }
0xae: {  	[dreg:$0x0] =	wrdreg $0x60  }
0xaf: {  	[dreg:$0x2] =	wrdreg s2  }
0xb0: {  	[dreg:$0x3] =	wrdreg s24  }
0xb1: {  	[dreg:$0x4] =	wrdreg s18  }
0xb2: {  	[dreg:$0x5] =	wrdreg $0x7B000  }
0xb3: {  	[dreg:$0x6] =	wrdreg $0x9  }
0xb4: {  	_ =	task.clear_ibuf [dreg:s8], $0x7FFFF;
	_ =	strace $0x90000046  }
0xb5: {  	s29 =	simm.s32 $0x9;
	_ =	strace $0x80000048  }
0xb6: {  	_ =	swait.ge [sflag:s29], $0x1  }
0xb7: {  	[sflag:s29] =	ssyncadd.s32 $0xFFFFFFFF  }
0xb8: {  	_ =	strace $0x90000048  }
0xb9: {  	_ =	sfence  }
0xba: {  	s30 =	sld [smem:$0x0];
	_ =	sdelay $0x2  }
0xbb: {  	s31 =	sshll.u32 s1, $0xD;
	s1 =	sshrl.u32 s1, $0x2  }
0xbc: {  	s3 =	sand.u32 $0x4000, s31;
	s1 =	sadd.s32 s1, s30  }
0xbd: {  	s0 =	sor.u32 s3, s0;
	s1 =	sshll.u32 s1, $0x11  }
0xbe: {  	s0 =	sor.u32 s1, s0  }
0xbf: {  	s0 =	sadd.s32 $0x8F2B, s0  }
0xc0: {  	[sflag:s0] =	ssyncadd.remote.s32 $0x1  }
0xc1: {  	_ =	sfence.sel $0xFFFF  }
0xc2: {  	[dreg:$0x0] =	wrdreg $0xFFFFFFFF;
	(pc) =	sbr.abs _section_cstart, $3  }
0xc3: {  	[dreg:$0x1] =	wrdreg $0xFFFFFFFF  }
0xc4: {  	_ =	task.clear_ibuf [dreg:s8], $0x2FFFF;
	_ =	strace $0x9FFFFFFF  }
0xc5: {  	(tm) =	ssettm $0x7FFFFFFF  }
tec
execute0_lowered:
.L_overlay_start_1:
0x0: {  	(tag) =	ssettag $0x1  }
0x1: {  	s0 =	rddreg [dreg:$0x0]  }
0x2: {  	s2 =	rddreg [dreg:$0x1]  }
0x3: {  	s3 =	srdreg.scid;
	s1 =	rddreg [dreg:$0x2]  }
0x4: {  	s12 =	stileid.u32;
	s4 =	simm.s32 $0x0;
	s28 =	simm.s32 $0xD  }
0x5: {  	s29 =	simm.s32 $0x7800;
	s30 =	simm.s32 $0x7980;
	s7 =	smul.u32 $0x14000, s12  }
0x6: {  	s6 =	sand.u32 $0x1, s3;
	s3 =	rddreg [dreg:$0x3];
	s16 =	smul.u32 $0x50000, s12  }
0x7: {  	s31 =	simm.s32 $0x4;
	[smem:$0x7FF] =	sst s4;
	s25 =	smul.u32 $0x4E20, s12  }
0x8: {  	s8 =	sadd.s32 $0x2400, s2;
	s10 =	sshll.u32 s12, $0x1;
	s5 =	smul.u32 $0x140000, s6  }
0x9: {  	_ =	strace $0x80000047;
	s17 =	ssub.s32 $0x2, s6;
	s15 =	smul.u32 $0x2710, s6  }
0xa: {  	s10 =	sor.u32 s6, s10;
	s6 =	smul.u32 $0x28000, s6;
	s9 =	sshrl.u32 s17, $0x1  }
0xb: {  	s18 =	smul.u32 $0x2710, s10;
	s5 =	sadd.s32 s7, s5;
	s7 =	sshrl.u32 s16, $0x2  }
0xc: {  	s9 =	ssub.s32 s17, s9;
	s16 =	sshrl.u32 s12, $0x3;
	s26 =	sadd.s32 s7, s3  }
0xd: {  	s5 =	sshrl.u32 s5, $0x3;
	s7 =	sshrl.u32 s18, $0x3;
	s19 =	sadd.s32 $0x2800, s26  }
0xe: {  	s18 =	sshll.u32 s12, $0x7;
	s20 =	sadd.s32 $0x5000, s26;
	[dreg:$0xb] =	wrdreg s19  }
0xf: {  	s12 =	simm.s32 $0x7A80;
	s21 =	sadd.s32 $0x7800, s26;
	[dreg:$0xc] =	wrdreg s20  }
0x10: {  	s2 =	sadd.s32 s5, s2;
	s22 =	sadd.s32 $0xA000, s26;
	[dreg:$0xd] =	wrdreg s21  }
0x11: {  	s23 =	sadd.s32 $0xC800, s26;
	s24 =	sadd.s32 $0xF000, s26;
	[dreg:$0xe] =	wrdreg s22  }
0x12: {  	s14 =	sadd.s32 $0x11800, s26;
	s5 =	sadd.s32 s8, s7;
	[dreg:$0xf] =	wrdreg s23  }
0x13: {  	s7 =	sadd.s32 s15, s25;
	s10 =	sand.u32 $0x380, s18;
	[dreg:$0x10] =	wrdreg s24  }
0x14: {  	[dreg:$0x11] =	wrdreg s14;
	s11 =	sadd.s32 $0x9C40, s5;
	s13 =	sadd.s32 $0xA, s5  }
0x15: {  	s17 =	sadd.s32 $0x9C4A, s5;
	s19 =	sadd.s32 $0x280, s7;
	s22 =	sadd.s32 $0x4E390, s7  }
0x16: {  	s24 =	sadd.s32 $0x230, s7;
	s25 =	sadd.s32 $0x4E430, s7;
	[dreg:$0x12] =	wrdreg s5  }
0x17: {  	s15 =	sadd.s32 $0x1E0, s7;
	s18 =	sadd.s32 $0x1E, s5;
	[dreg:$0x13] =	wrdreg s11  }
0x18: {  	s7 =	sadd.s32 $0x4E3E0, s7;
	[dreg:$0x14] =	wrdreg s13;
	s11 =	smul.u32 $0x14000, s16  }
0x19: {  	[dreg:$0x15] =	wrdreg s17;
	s20 =	sshrl.u32 s19, $0x3;
	s23 =	sshrl.u32 s22, $0x3  }
0x1a: {  	s13 =	sshrl.u32 s25, $0x3;
	s16 =	sadd.s32 $0x14, s5;
	s17 =	sshrl.u32 s15, $0x3  }
0x1b: {  	[dreg:$0x17] =	wrdreg s18;
	s19 =	sadd.s32 $0x9C54, s5;
	s7 =	sshrl.u32 s7, $0x3  }
0x1c: {  	s22 =	sadd.s32 $0x32, s5;
	s25 =	sadd.s32 $0x9C68, s5;
	[dreg:$0x16] =	wrdreg s16  }
0x1d: {  	s15 =	simm.s32 $0x1BB00;
	s18 =	simm.s32 $0x2;
	[dreg:$0x18] =	wrdreg s19  }
0x1e: {  	s21 =	sadd.s32 s20, s8;
	s14 =	sadd.s32 s13, s8;
	[dreg:$0x1c] =	wrdreg s22  }
0x1f: {  	s7 =	sadd.s32 s7, s8;
	s20 =	sadd.s32 $0x28, s5;
	[dreg:$0x1f] =	wrdreg s25  }
0x20: {  	s16 =	simm.s32 $0xA;
	s19 =	simm.s32 $0x8;
	[dreg:$0x5] =	wrdreg s21  }
0x21: {  	s22 =	simm.s32 $0x9;
	s13 =	simm.s32 $0x0;
	[dreg:$0x8] =	wrdreg s14  }
0x22: {  	s6 =	sadd.s32 s6, s11;
	s11 =	sshrl.u32 s24, $0x3;
	[dreg:$0x19] =	wrdreg s20  }
0x23: {  	s21 =	sadd.s32 $0x9C5E, s5;
	[dreg:$0xa] =	wrdreg s7;
	s24 =	smax.u32 s9, $0x1  }
0x24: {  	s7 =	simm.s32 $0x5;
	s9 =	simm.s32 $0x7900;
	s14 =	simm.s32 $0x6  }
0x25: {  	s20 =	simm.s32 $0xB;
	s6 =	sor.u32 s10, s6;
	[dreg:$0x1b] =	wrdreg s21  }
0x26: {  	s10 =	sadd.s32 s23, s8;
	s11 =	sadd.s32 s11, s8;
	[dreg:$0x1e] =	wrdreg s24  }
0x27: {  	s23 =	sadd.s32 $0x15E00, s2;
	s2 =	simm.s32 $0x50;
	[dreg:$0x6] =	wrdreg s10  }
0x28: {  	s21 =	simm.s32 $0x3;
	[dreg:$0x7] =	wrdreg s11;
	s10 =	sadd.s32 s17, s8  }
0x29: {  	s6 =	sshrl.u32 s6, $0x3;
	[dreg:$0x1d] =	wrdreg s23;
	s8 =	simm.s32 $0x2800  }
0x2a: {  	s11 =	simm.s32 $0x7;
	s17 =	simm.s32 $0x5000;
	s23 =	simm.s32 $0xC  }
0x2b: {  	[dreg:$0x9] =	wrdreg s10;
	s1 =	sadd.s32 s1, s6;
	s6 =	simm.s32 $0x7A00  }
0x2c: {  	v0 =	vimm.f32 $0.0e+00;
	v1 =	vimm.f32 $1.000000000e+00;
	s10 =	simm.s32 $0x1;
	[dreg:$0x1a] =	wrdreg s1;
	s1 =	simm.s32 $0x7880  }
.LBB2_1:
0x2d: {  	s24 =	smov.u32 s26;
	s26 =	sand.u32 $0xFE00, s4  }
0x2e: {  	[smem:$0x7FD] =	sst s13;
	s5 =	sand.u32 $0x70, s4;
	s13 =	sshrl.u32 s26, $0x2  }
0x2f: {  	s25 =	simm.s32 $0x40;
	s26 =	simm.s32 $0x0;
	s13 =	sor.u32 s5, s13  }
.LBB2_2:
0x30: {  	p0 =	sne.s32 s25, $0x9FC0  }
0x31: {  	[tilespmem:s13+$0x0] =	vst v0;
	s26 =	sadd.s32 $0x10, s26;
	s13 =	smov.u32 s25;
	s25 =	sadd.s32 $0x40, s25  }
.Ltmp0:
0x32: {  	(pc) =	sbr.rel @p0 .LBB2_2-.Ltmp0, $4  }
0x33: {  	_ = 	snop  }
0x34: {  	s13 =	sand.u32 $0xFE00, s13  }
0x35: {  	s5 =	sand.u32 $0x70, s26;
	s13 =	sshrl.u32 s13, $0x2  }
0x36: {  	s13 =	sor.u32 s5, s13  }
0x37: {  	[tilespmem:s13+$0x0] =	vst v0;
	s5 =	simm.s32 $0x0  }
0x38: {  	[spmem:s24] =	stream.linear.scatter [tilespmem:s5], [sflag:$0xD], $0x2800, $0x38;
	[tilespmem:$0x1E300] =	vst v63  }
0x39: {  	_ =	swait.ge [sflag:s28], $0x2800  }
0x3a: {  	[sflag:s28] =	ssyncset.done $0x0  }
0x3b: {  	s25 =	rddreg [dreg:$0xb];
	[sflag:s28] =	ssyncadd.s32 $0xFFFFD800  }
0x3c: {  	[spmem:s25] =	stream.linear.scatter [tilespmem:s5], [sflag:$0xD], $0x2800, $0x38;
	[tilespmem:$0x1E300] =	vst v63  }
0x3d: {  	_ =	swait.ge [sflag:s28], $0x2800  }
0x3e: {  	[sflag:s28] =	ssyncset.done $0x0  }
0x3f: {  	s26 =	smov.u32 s24;
	s24 =	rddreg [dreg:$0xc];
	[sflag:s28] =	ssyncadd.s32 $0xFFFFD800  }
0x40: {  	[spmem:s24] =	stream.linear.scatter [tilespmem:s5], [sflag:$0xD], $0x2800, $0x38;
	[tilespmem:$0x1E300] =	vst v63  }
0x41: {  	_ =	swait.ge [sflag:s28], $0x2800  }
0x42: {  	[sflag:s28] =	ssyncset.done $0x0  }
0x43: {  	s25 =	rddreg [dreg:$0xd];
	[sflag:s28] =	ssyncadd.s32 $0xFFFFD800  }
0x44: {  	[spmem:s25] =	stream.linear.scatter [tilespmem:s5], [sflag:$0xD], $0x2800, $0x38;
	[tilespmem:$0x1E300] =	vst v63  }
0x45: {  	_ =	swait.ge [sflag:s28], $0x2800  }
0x46: {  	[sflag:s28] =	ssyncset.done $0x0  }
0x47: {  	s24 =	rddreg [dreg:$0xe];
	[sflag:s28] =	ssyncadd.s32 $0xFFFFD800  }
0x48: {  	[spmem:s24] =	stream.linear.scatter [tilespmem:s5], [sflag:$0xD], $0x2800, $0x38;
	[tilespmem:$0x1E300] =	vst v63  }
0x49: {  	_ =	swait.ge [sflag:s28], $0x2800  }
0x4a: {  	[sflag:s28] =	ssyncset.done $0x0  }
0x4b: {  	s25 =	rddreg [dreg:$0xf];
	[sflag:s28] =	ssyncadd.s32 $0xFFFFD800  }
0x4c: {  	[spmem:s25] =	stream.linear.scatter [tilespmem:s5], [sflag:$0xD], $0x2800, $0x38;
	[tilespmem:$0x1E300] =	vst v63  }
0x4d: {  	_ =	swait.ge [sflag:s28], $0x2800  }
0x4e: {  	[sflag:s28] =	ssyncset.done $0x0  }
0x4f: {  	s24 =	rddreg [dreg:$0x10];
	[sflag:s28] =	ssyncadd.s32 $0xFFFFD800  }
0x50: {  	[spmem:s24] =	stream.linear.scatter [tilespmem:s5], [sflag:$0xD], $0x2800, $0x38;
	[tilespmem:$0x1E300] =	vst v63  }
0x51: {  	_ =	swait.ge [sflag:s28], $0x2800  }
0x52: {  	[sflag:s28] =	ssyncset.done $0x0  }
0x53: {  	s25 =	rddreg [dreg:$0x11];
	[sflag:s28] =	ssyncadd.s32 $0xFFFFD800  }
0x54: {  	[spmem:s25] =	stream.linear.scatter [tilespmem:s5], [sflag:$0xD], $0x2800, $0x38;
	[tilespmem:$0x1E300] =	vst v63  }
0x55: {  	_ =	swait.ge [sflag:s28], $0x2800  }
0x56: {  	[sflag:s28] =	ssyncset.done $0x0  }
0x57: {  	s13 =	simm.s32 $0x0;
	s25 =	simm.s32 $0x40;
	[sflag:s28] =	ssyncadd.s32 $0xFFFFD800  }
.LBB2_4:
0x58: {  	p0 =	sne.s32 s25, $0x9FC0;
	[tilespmem:s13+$0x1BB00] =	vst v0;
	s5 =	smov.u32 s25;
	s25 =	sadd.s32 $0x40, s25  }
.Ltmp1:
0x59: {  	(pc) =	sbr.rel @p0 .LBB2_4-.Ltmp1, $2  }
0x5a: {  	_ =	sdelay $0x2  }
0x5b: {  	s13 =	sshra.s32 s5, $0x2  }
0x5c: {  	[tilespmem:s13+$0x1BB00] =	vst v0  }
0x5d: {  	[bflag:$0x0] =	sbarrier.arrive $0xFFFF  }
0x5e: {  	s25 =	simm.s32 $0x0;
	s5 =	rddreg [dreg:$0x12]  }
0x5f: {  	[tilespmem:s29], [sflag:$0x4] =	stream.linear.gather [hbm4b:s5+s25], $0x50, $0x38;
	[tilespmem:$0x1E300] =	vst v63  }
0x60: {  	s13 =	rddreg [dreg:$0x13]  }
0x61: {  	[tilespmem:s30], [sflag:$0x7] =	stream.linear.gather [hbm4b:s13+s25], $0x50, $0x38;
	[tilespmem:$0x1E300] =	vst v63  }
0x62: {  	_ =	swait.ge [sflag:s31], $0x50  }
0x63: {  	[sflag:s31] =	ssyncset.done $0x0  }
0x64: {  	[sflag:s31] =	ssyncadd.s32 $0xFFFFFFB0  }
0x65: {  	[tilespmem:s25], [sflag:$0x1] =	stream.indirect.gather [hbm4b:s0+s2], $0x80, s29, s2, $0xb8;
	[tilespmem:$0x1E300] =	vst v63  }
0x66: {  	s24 =	rddreg [dreg:$0x14]  }
0x67: {  	[tilespmem:s1], [sflag:$0x5] =	stream.linear.gather [hbm4b:s24+s25], $0x50, $0x38;
	[tilespmem:$0x1E300] =	vst v63  }
0x68: {  	s13 =	rddreg [dreg:$0x15]  }
0x69: {  	[tilespmem:s6], [sflag:$0x8] =	stream.linear.gather [hbm4b:s13+s25], $0x50, $0x38;
	[tilespmem:$0x1E300] =	vst v63  }
0x6a: {  	_ =	swait.ge [sflag:s7], $0x50  }
0x6b: {  	[sflag:s7] =	ssyncset.done $0x0  }
0x6c: {  	[sflag:s7] =	ssyncadd.s32 $0xFFFFFFB0  }
0x6d: {  	[tilespmem:s8], [sflag:$0x2] =	stream.indirect.gather [hbm4b:s0+s2], $0x80, s1, s2, $0xb8;
	[tilespmem:$0x1E300] =	vst v63  }
0x6e: {  	s24 =	rddreg [dreg:$0x16]  }
0x6f: {  	[tilespmem:s9], [sflag:$0x6] =	stream.linear.gather [hbm4b:s24+s25], $0x50, $0x38;
	[tilespmem:$0x1E300] =	vst v63  }
0x70: {  	_ =	swait.ge [sflag:s10], $0x2800  }
0x71: {  	[sflag:s10] =	ssyncset.done $0x0  }
0x72: {  	[sflag:s10] =	ssyncadd.s32 $0xFFFFD800  }
0x73: {  	_ =	swait.ge [sflag:s11], $0x50  }
0x74: {  	[sflag:s11] =	ssyncset.done $0x0  }
0x75: {  	[sflag:s11] =	ssyncadd.s32 $0xFFFFFFB0  }
0x76: {  	[spmem:s3] =	stream.indirect.scatter.add.f32 [tilespmem:s25], [sflag:$0xA], $0x80, s30, s2, $0xb8;
	[tilespmem:$0x1E300] =	vst v63  }
0x77: {  	s13 =	rddreg [dreg:$0x17]  }
0x78: {  	[tilespmem:s29], [sflag:$0x4] =	stream.linear.gather [hbm4b:s13+s25], $0x50, $0x38;
	[tilespmem:$0x1E300] =	vst v63  }
0x79: {  	s24 =	rddreg [dreg:$0x18]  }
0x7a: {  	[tilespmem:s12], [sflag:$0x9] =	stream.linear.gather [hbm4b:s24+s25], $0x50, $0x38;
	[tilespmem:$0x1E300] =	vst v63  }
0x7b: {  	_ =	swait.ge [sflag:s14], $0x50  }
0x7c: {  	[sflag:s14] =	ssyncset.done $0x0  }
0x7d: {  	[sflag:s14] =	ssyncadd.s32 $0xFFFFFFB0  }
0x7e: {  	v2 =	vld [tilespmem:$0x7980];
	_ =	sdelay $0x7  }
0x7f: {  	[tilespmem:v2+s15+$0x0] =	vst.idx.add.f32.msk $0xffff, v1  }
0x80: {  	v2 =	vld [tilespmem:$0x7990];
	_ =	sdelay $0x7  }
0x81: {  	[tilespmem:v2+s15+$0x0] =	vst.idx.add.f32.msk $0xffff, v1  }
0x82: {  	v2 =	vld [tilespmem:$0x79A0];
	_ =	sdelay $0x7  }
0x83: {  	[tilespmem:v2+s15+$0x0] =	vst.idx.add.f32.msk $0xffff, v1  }
0x84: {  	v2 =	vld [tilespmem:$0x79B0];
	_ =	sdelay $0x7  }
0x85: {  	[tilespmem:v2+s15+$0x0] =	vst.idx.add.f32.msk $0xffff, v1  }
0x86: {  	v2 =	vld [tilespmem:$0x79C0];
	_ =	sdelay $0x7  }
0x87: {  	[tilespmem:v2+s15+$0x0] =	vst.idx.add.f32.msk $0xffff, v1  }
0x88: {  	_ =	swait.ge [sflag:s16], $0x2800  }
0x89: {  	[sflag:s16] =	ssyncset.done $0x0  }
0x8a: {  	[sflag:s16] =	ssyncadd.s32 $0xFFFFD800  }
0x8b: {  	[tilespmem:s17], [sflag:$0x3] =	stream.indirect.gather [hbm4b:s0+s2], $0x80, s9, s2, $0xb8;
	[tilespmem:$0x1E300] =	vst v63  }
0x8c: {  	_ =	swait.ge [sflag:s18], $0x2800  }
0x8d: {  	[sflag:s18] =	ssyncset.done $0x0  }
0x8e: {  	[sflag:s18] =	ssyncadd.s32 $0xFFFFD800  }
0x8f: {  	_ =	swait.ge [sflag:s19], $0x50  }
0x90: {  	[sflag:s19] =	ssyncset.done $0x0  }
0x91: {  	[sflag:s19] =	ssyncadd.s32 $0xFFFFFFB0  }
0x92: {  	[spmem:s3] =	stream.indirect.scatter.add.f32 [tilespmem:s8], [sflag:$0xB], $0x80, s6, s2, $0xb8;
	[tilespmem:$0x1E300] =	vst v63  }
0x93: {  	s13 =	rddreg [dreg:$0x19]  }
0x94: {  	[tilespmem:s1], [sflag:$0x5] =	stream.linear.gather [hbm4b:s13+s25], $0x50, $0x38;
	[tilespmem:$0x1E300] =	vst v63  }
0x95: {  	s24 =	rddreg [dreg:$0x1b]  }
0x96: {  	[tilespmem:s30], [sflag:$0x7] =	stream.linear.gather [hbm4b:s24+s25], $0x50, $0x38;
	[tilespmem:$0x1E300] =	vst v63  }
0x97: {  	_ =	swait.ge [sflag:s31], $0x50  }
0x98: {  	[sflag:s31] =	ssyncset.done $0x0  }
0x99: {  	[sflag:s31] =	ssyncadd.s32 $0xFFFFFFB0  }
0x9a: {  	v2 =	vld [tilespmem:$0x7A00];
	_ =	sdelay $0x7  }
0x9b: {  	[tilespmem:v2+s15+$0x0] =	vst.idx.add.f32.msk $0xffff, v1  }
0x9c: {  	v2 =	vld [tilespmem:$0x7A10];
	_ =	sdelay $0x7  }
0x9d: {  	[tilespmem:v2+s15+$0x0] =	vst.idx.add.f32.msk $0xffff, v1  }
0x9e: {  	v2 =	vld [tilespmem:$0x7A20];
	_ =	sdelay $0x7  }
0x9f: {  	[tilespmem:v2+s15+$0x0] =	vst.idx.add.f32.msk $0xffff, v1  }
0xa0: {  	v2 =	vld [tilespmem:$0x7A30];
	_ =	sdelay $0x7  }
0xa1: {  	[tilespmem:v2+s15+$0x0] =	vst.idx.add.f32.msk $0xffff, v1  }
0xa2: {  	v2 =	vld [tilespmem:$0x7A40];
	_ =	sdelay $0x7  }
0xa3: {  	[tilespmem:v2+s15+$0x0] =	vst.idx.add.f32.msk $0xffff, v1  }
0xa4: {  	_ =	swait.ge [sflag:s20], $0x2800  }
0xa5: {  	[sflag:s20] =	ssyncset.done $0x0  }
0xa6: {  	[sflag:s20] =	ssyncadd.s32 $0xFFFFD800  }
0xa7: {  	[tilespmem:s25], [sflag:$0x1] =	stream.indirect.gather [hbm4b:s0+s2], $0x80, s29, s2, $0xb8;
	[tilespmem:$0x1E300] =	vst v63  }
0xa8: {  	_ =	swait.ge [sflag:s21], $0x2800  }
0xa9: {  	[sflag:s21] =	ssyncset.done $0x0  }
0xaa: {  	[sflag:s21] =	ssyncadd.s32 $0xFFFFD800  }
0xab: {  	_ =	swait.ge [sflag:s22], $0x50  }
0xac: {  	[sflag:s22] =	ssyncset.done $0x0  }
0xad: {  	[sflag:s22] =	ssyncadd.s32 $0xFFFFFFB0  }
0xae: {  	[spmem:s3] =	stream.indirect.scatter.add.f32 [tilespmem:s17], [sflag:$0xC], $0x80, s12, s2, $0xb8;
	[tilespmem:$0x1E300] =	vst v63  }
0xaf: {  	s13 =	rddreg [dreg:$0x1c]  }
0xb0: {  	[tilespmem:s9], [sflag:$0x6] =	stream.linear.gather [hbm4b:s13+s25], $0x50, $0x38;
	[tilespmem:$0x1E300] =	vst v63  }
0xb1: {  	s24 =	rddreg [dreg:$0x1f]  }
0xb2: {  	[tilespmem:s6], [sflag:$0x8] =	stream.linear.gather [hbm4b:s24+s25], $0x50, $0x38;
	[tilespmem:$0x1E300] =	vst v63  }
0xb3: {  	_ =	swait.ge [sflag:s7], $0x50  }
0xb4: {  	[sflag:s7] =	ssyncset.done $0x0  }
0xb5: {  	[sflag:s7] =	ssyncadd.s32 $0xFFFFFFB0  }
0xb6: {  	v2 =	vld [tilespmem:$0x7A80];
	_ =	sdelay $0x7  }
0xb7: {  	[tilespmem:v2+s15+$0x0] =	vst.idx.add.f32.msk $0xffff, v1  }
0xb8: {  	v2 =	vld [tilespmem:$0x7A90];
	_ =	sdelay $0x7  }
0xb9: {  	[tilespmem:v2+s15+$0x0] =	vst.idx.add.f32.msk $0xffff, v1  }
0xba: {  	v2 =	vld [tilespmem:$0x7AA0];
	_ =	sdelay $0x7  }
0xbb: {  	[tilespmem:v2+s15+$0x0] =	vst.idx.add.f32.msk $0xffff, v1  }
0xbc: {  	v2 =	vld [tilespmem:$0x7AB0];
	_ =	sdelay $0x7  }
0xbd: {  	[tilespmem:v2+s15+$0x0] =	vst.idx.add.f32.msk $0xffff, v1  }
0xbe: {  	v2 =	vld [tilespmem:$0x7AC0];
	_ =	sdelay $0x7  }
0xbf: {  	[tilespmem:v2+s15+$0x0] =	vst.idx.add.f32.msk $0xffff, v1  }
0xc0: {  	_ =	swait.ge [sflag:s23], $0x2800  }
0xc1: {  	[sflag:s23] =	ssyncset.done $0x0  }
0xc2: {  	[sflag:s23] =	ssyncadd.s32 $0xFFFFD800  }
0xc3: {  	[tilespmem:s8], [sflag:$0x2] =	stream.indirect.gather [hbm4b:s0+s2], $0x80, s1, s2, $0xb8;
	[tilespmem:$0x1E300] =	vst v63  }
.LBB2_6:
0xc4: {  	_ =	swait.ge [sflag:s10], $0x2800  }
0xc5: {  	[sflag:s10] =	ssyncset.done $0x0  }
0xc6: {  	[sflag:s10] =	ssyncadd.s32 $0xFFFFD800  }
0xc7: {  	_ =	swait.ge [sflag:s11], $0x50  }
0xc8: {  	[sflag:s11] =	ssyncset.done $0x0  }
0xc9: {  	s5 =	rddreg [dreg:$0x9];
	[sflag:s11] =	ssyncadd.s32 $0xFFFFFFB0  }
0xca: {  	[spmem:s3] =	stream.indirect.scatter.add.f32 [tilespmem:s4], [sflag:$0xA], $0x80, s30, s2, $0xb8;
	[tilespmem:$0x1E300] =	vst v63  }
0xcb: {  	s13 =	rddreg [dreg:$0x6];
	s5 =	sadd.s32 s25, s5  }
0xcc: {  	[tilespmem:s29], [sflag:$0x4] =	stream.linear.gather [hbm4b:s5+s4], $0x50, $0x38;
	[tilespmem:$0x1E300] =	vst v63  }
0xcd: {  	s24 =	sadd.s32 s25, s13  }
0xce: {  	[tilespmem:s12], [sflag:$0x9] =	stream.linear.gather [hbm4b:s24+s4], $0x50, $0x38;
	[tilespmem:$0x1E300] =	vst v63  }
0xcf: {  	_ =	swait.ge [sflag:s14], $0x50  }
0xd0: {  	[sflag:s14] =	ssyncset.done $0x0  }
0xd1: {  	[sflag:s14] =	ssyncadd.s32 $0xFFFFFFB0  }
0xd2: {  	v2 =	vld [tilespmem:$0x7980];
	_ =	sdelay $0x7  }
0xd3: {  	[tilespmem:v2+s15+$0x0] =	vst.idx.add.f32.msk $0xffff, v1  }
0xd4: {  	v2 =	vld [tilespmem:$0x7990];
	_ =	sdelay $0x7  }
0xd5: {  	[tilespmem:v2+s15+$0x0] =	vst.idx.add.f32.msk $0xffff, v1  }
0xd6: {  	v2 =	vld [tilespmem:$0x79A0];
	_ =	sdelay $0x7  }
0xd7: {  	[tilespmem:v2+s15+$0x0] =	vst.idx.add.f32.msk $0xffff, v1  }
0xd8: {  	v2 =	vld [tilespmem:$0x79B0];
	_ =	sdelay $0x7  }
0xd9: {  	[tilespmem:v2+s15+$0x0] =	vst.idx.add.f32.msk $0xffff, v1  }
0xda: {  	v2 =	vld [tilespmem:$0x79C0];
	_ =	sdelay $0x7  }
0xdb: {  	[tilespmem:v2+s15+$0x0] =	vst.idx.add.f32.msk $0xffff, v1  }
0xdc: {  	_ =	swait.ge [sflag:s16], $0x2800  }
0xdd: {  	[sflag:s16] =	ssyncset.done $0x0  }
0xde: {  	[sflag:s16] =	ssyncadd.s32 $0xFFFFD800  }
0xdf: {  	[tilespmem:s17], [sflag:$0x3] =	stream.indirect.gather [hbm4b:s0+s2], $0x80, s9, s2, $0xb8;
	[tilespmem:$0x1E300] =	vst v63  }
0xe0: {  	_ =	swait.ge [sflag:s18], $0x2800  }
0xe1: {  	[sflag:s18] =	ssyncset.done $0x0  }
0xe2: {  	[sflag:s18] =	ssyncadd.s32 $0xFFFFD800  }
0xe3: {  	_ =	swait.ge [sflag:s19], $0x50  }
0xe4: {  	[sflag:s19] =	ssyncset.done $0x0  }
0xe5: {  	s13 =	rddreg [dreg:$0x7];
	[sflag:s19] =	ssyncadd.s32 $0xFFFFFFB0  }
0xe6: {  	[spmem:s3] =	stream.indirect.scatter.add.f32 [tilespmem:s8], [sflag:$0xB], $0x80, s6, s2, $0xb8;
	[tilespmem:$0x1E300] =	vst v63  }
0xe7: {  	s24 =	rddreg [dreg:$0xa];
	s5 =	sadd.s32 s25, s13  }
0xe8: {  	[tilespmem:s1], [sflag:$0x5] =	stream.linear.gather [hbm4b:s5+s4], $0x50, $0x38;
	[tilespmem:$0x1E300] =	vst v63  }
0xe9: {  	s24 =	sadd.s32 s25, s24  }
0xea: {  	[tilespmem:s30], [sflag:$0x7] =	stream.linear.gather [hbm4b:s24+s4], $0x50, $0x38;
	[tilespmem:$0x1E300] =	vst v63  }
0xeb: {  	_ =	swait.ge [sflag:s31], $0x50  }
0xec: {  	[sflag:s31] =	ssyncset.done $0x0  }
0xed: {  	[sflag:s31] =	ssyncadd.s32 $0xFFFFFFB0  }
0xee: {  	v2 =	vld [tilespmem:$0x7A00];
	_ =	sdelay $0x7  }
0xef: {  	[tilespmem:v2+s15+$0x0] =	vst.idx.add.f32.msk $0xffff, v1  }
0xf0: {  	v2 =	vld [tilespmem:$0x7A10];
	_ =	sdelay $0x7  }
0xf1: {  	[tilespmem:v2+s15+$0x0] =	vst.idx.add.f32.msk $0xffff, v1  }
0xf2: {  	v2 =	vld [tilespmem:$0x7A20];
	_ =	sdelay $0x7  }
0xf3: {  	[tilespmem:v2+s15+$0x0] =	vst.idx.add.f32.msk $0xffff, v1  }
0xf4: {  	v2 =	vld [tilespmem:$0x7A30];
	_ =	sdelay $0x7  }
0xf5: {  	[tilespmem:v2+s15+$0x0] =	vst.idx.add.f32.msk $0xffff, v1  }
0xf6: {  	v2 =	vld [tilespmem:$0x7A40];
	_ =	sdelay $0x7  }
0xf7: {  	[tilespmem:v2+s15+$0x0] =	vst.idx.add.f32.msk $0xffff, v1  }
0xf8: {  	_ =	swait.ge [sflag:s20], $0x2800  }
0xf9: {  	[sflag:s20] =	ssyncset.done $0x0  }
0xfa: {  	[sflag:s20] =	ssyncadd.s32 $0xFFFFD800  }
0xfb: {  	[tilespmem:s4], [sflag:$0x1] =	stream.indirect.gather [hbm4b:s0+s2], $0x80, s29, s2, $0xb8;
	[tilespmem:$0x1E300] =	vst v63  }
0xfc: {  	_ =	swait.ge [sflag:s21], $0x2800  }
0xfd: {  	[sflag:s21] =	ssyncset.done $0x0  }
0xfe: {  	[sflag:s21] =	ssyncadd.s32 $0xFFFFD800  }
0xff: {  	_ =	swait.ge [sflag:s22], $0x50  }
0x100: {  	[sflag:s22] =	ssyncset.done $0x0  }
0x101: {  	s13 =	rddreg [dreg:$0x5];
	[sflag:s22] =	ssyncadd.s32 $0xFFFFFFB0  }
0x102: {  	[spmem:s3] =	stream.indirect.scatter.add.f32 [tilespmem:s17], [sflag:$0xC], $0x80, s12, s2, $0xb8;
	[tilespmem:$0x1E300] =	vst v63  }
0x103: {  	s24 =	rddreg [dreg:$0x8];
	s5 =	sadd.s32 s25, s13  }
0x104: {  	[tilespmem:s9], [sflag:$0x6] =	stream.linear.gather [hbm4b:s5+s4], $0x50, $0x38;
	[tilespmem:$0x1E300] =	vst v63  }
0x105: {  	s24 =	sadd.s32 s25, s24  }
0x106: {  	[tilespmem:s6], [sflag:$0x8] =	stream.linear.gather [hbm4b:s24+s4], $0x50, $0x38;
	[tilespmem:$0x1E300] =	vst v63  }
0x107: {  	_ =	swait.ge [sflag:s7], $0x50  }
0x108: {  	[sflag:s7] =	ssyncset.done $0x0  }
0x109: {  	[sflag:s7] =	ssyncadd.s32 $0xFFFFFFB0  }
0x10a: {  	v2 =	vld [tilespmem:$0x7A80];
	_ =	sdelay $0x7  }
0x10b: {  	[tilespmem:v2+s15+$0x0] =	vst.idx.add.f32.msk $0xffff, v1  }
0x10c: {  	v2 =	vld [tilespmem:$0x7A90];
	_ =	sdelay $0x7  }
0x10d: {  	[tilespmem:v2+s15+$0x0] =	vst.idx.add.f32.msk $0xffff, v1  }
0x10e: {  	v2 =	vld [tilespmem:$0x7AA0];
	_ =	sdelay $0x7  }
0x10f: {  	[tilespmem:v2+s15+$0x0] =	vst.idx.add.f32.msk $0xffff, v1  }
0x110: {  	v2 =	vld [tilespmem:$0x7AB0];
	_ =	sdelay $0x7  }
0x111: {  	[tilespmem:v2+s15+$0x0] =	vst.idx.add.f32.msk $0xffff, v1  }
0x112: {  	v2 =	vld [tilespmem:$0x7AC0];
	_ =	sdelay $0x6  }
0x113: {  	p0 =	sne.s32 s25, $0x492  }
.Ltmp2:
0x114: {  	[tilespmem:v2+s15+$0x0] =	vst.idx.add.f32.msk $0xffff, v1;
	(pc) =	sbr.rel @p0 .LBB2_6-.Ltmp2, $4  }
0x115: {  	_ =	swait.ge [sflag:s23], $0x2800  }
0x116: {  	[sflag:s23] =	ssyncset.done $0x0  }
0x117: {  	s25 =	sadd.s32 $0x1E, s25;
	[sflag:s23] =	ssyncadd.s32 $0xFFFFD800  }
0x118: {  	[tilespmem:s8], [sflag:$0x2] =	stream.indirect.gather [hbm4b:s0+s2], $0x80, s1, s2, $0xb8;
	[tilespmem:$0x1E300] =	vst v63  }
0x119: {  	_ =	swait.ge [sflag:s10], $0x2800  }
0x11a: {  	[sflag:s10] =	ssyncset.done $0x0  }
0x11b: {  	[sflag:s10] =	ssyncadd.s32 $0xFFFFD800  }
0x11c: {  	_ =	swait.ge [sflag:s11], $0x50  }
0x11d: {  	[sflag:s11] =	ssyncset.done $0x0  }
0x11e: {  	[sflag:s11] =	ssyncadd.s32 $0xFFFFFFB0  }
0x11f: {  	[spmem:s3] =	stream.indirect.scatter.add.f32 [tilespmem:s4], [sflag:$0xA], $0x80, s30, s2, $0xb8;
	[tilespmem:$0x1E300] =	vst v63  }
0x120: {  	v2 =	vld [tilespmem:$0x7980];
	_ =	sdelay $0x7  }
0x121: {  	[tilespmem:v2+s15+$0x0] =	vst.idx.add.f32.msk $0xffff, v1  }
0x122: {  	v2 =	vld [tilespmem:$0x7990];
	_ =	sdelay $0x7  }
0x123: {  	[tilespmem:v2+s15+$0x0] =	vst.idx.add.f32.msk $0xffff, v1  }
0x124: {  	v2 =	vld [tilespmem:$0x79A0];
	_ =	sdelay $0x7  }
0x125: {  	[tilespmem:v2+s15+$0x0] =	vst.idx.add.f32.msk $0xffff, v1  }
0x126: {  	v2 =	vld [tilespmem:$0x79B0];
	_ =	sdelay $0x7  }
0x127: {  	[tilespmem:v2+s15+$0x0] =	vst.idx.add.f32.msk $0xffff, v1  }
0x128: {  	v2 =	vld [tilespmem:$0x79C0];
	_ =	sdelay $0x7  }
0x129: {  	[tilespmem:v2+s15+$0x0] =	vst.idx.add.f32.msk $0xffff, v1  }
0x12a: {  	_ =	swait.ge [sflag:s16], $0x2800  }
0x12b: {  	[sflag:s16] =	ssyncset.done $0x0  }
0x12c: {  	[sflag:s16] =	ssyncadd.s32 $0xFFFFD800  }
0x12d: {  	_ =	swait.ge [sflag:s18], $0x2800  }
0x12e: {  	[sflag:s18] =	ssyncset.done $0x0  }
0x12f: {  	[sflag:s18] =	ssyncadd.s32 $0xFFFFD800  }
0x130: {  	_ =	swait.ge [sflag:s19], $0x50  }
0x131: {  	[sflag:s19] =	ssyncset.done $0x0  }
0x132: {  	[sflag:s19] =	ssyncadd.s32 $0xFFFFFFB0  }
0x133: {  	[spmem:s3] =	stream.indirect.scatter.add.f32 [tilespmem:s8], [sflag:$0xB], $0x80, s6, s2, $0xb8;
	[tilespmem:$0x1E300] =	vst v63  }
0x134: {  	v2 =	vld [tilespmem:$0x7A00];
	_ =	sdelay $0x7  }
0x135: {  	[tilespmem:v2+s15+$0x0] =	vst.idx.add.f32.msk $0xffff, v1  }
0x136: {  	v2 =	vld [tilespmem:$0x7A10];
	_ =	sdelay $0x7  }
0x137: {  	[tilespmem:v2+s15+$0x0] =	vst.idx.add.f32.msk $0xffff, v1  }
0x138: {  	v2 =	vld [tilespmem:$0x7A20];
	_ =	sdelay $0x7  }
0x139: {  	[tilespmem:v2+s15+$0x0] =	vst.idx.add.f32.msk $0xffff, v1  }
0x13a: {  	v2 =	vld [tilespmem:$0x7A30];
	_ =	sdelay $0x7  }
0x13b: {  	[tilespmem:v2+s15+$0x0] =	vst.idx.add.f32.msk $0xffff, v1  }
0x13c: {  	v2 =	vld [tilespmem:$0x7A40];
	_ =	sdelay $0x7  }
0x13d: {  	[tilespmem:v2+s15+$0x0] =	vst.idx.add.f32.msk $0xffff, v1  }
0x13e: {  	_ =	swait.ge [sflag:s20], $0x2800  }
0x13f: {  	[sflag:s20] =	ssyncset.done $0x0  }
0x140: {  	s5 =	stileid.u32;
	[sflag:s20] =	ssyncadd.s32 $0xFFFFD800  }
0x141: {  	s5 =	sshll.u32 s5, $0x6;
	[bflag:$0x0] =	sbarrier.arrive $0xFFFF  }
0x142: {  	s13 =	sshrl.u32 s26, $0x3;
	s5 =	sor.u32 $0x1C0D, s5;
	s24 =	rddreg [dreg:$0x1d]  }
0x143: {  	[hbm:s24], [sflag:s5] =	dma.local [spmem:s13], $0x2800  }
0x144: {  	_ =	swait.ge [sflag:s28], $0x2800  }
0x145: {  	s25 =	simm.s32 $0x400;
	[sflag:s28] =	ssyncset.done $0x0  }
0x146: {  	s24 =	simm.s32 $0x80;
	s13 =	rddreg [dreg:$0x1a];
	[sflag:s28] =	ssyncadd.s32 $0xFFFFD800  }
0x147: {  	[hbm4b:s13+s24] =	stream.strided.scatter [tilespmem:s15], [sflag:$0xD], $0x2800, s25, s24, $0x38;
	[tilespmem:$0x1E300] =	vst v63  }
0x148: {  	_ =	swait.ge [sflag:s28], $0x2800  }
0x149: {  	s24 =	sld [smem:$0x7FD];
	_ =	sdelay $0x2  }
0x14a: {  	s25 =	rddreg [dreg:$0x1e];
	s13 =	sadd.s32 $0x1, s24  }
0x14b: {  	p0 =	sne.s32 s13, s25  }
.Ltmp3:
0x14c: {  	_ = 	snop;
	(pc) =	sbr.rel @p0 .LBB2_1-.Ltmp3, $3  }
0x14d: {  	_ =	sdelay $0x1  }
0x14e: {  	[sflag:s28] =	ssyncset.done $0x0  }
0x14f: {  	[sflag:s28] =	ssyncadd.s32 $0xFFFFD800  }
0x150: {  	_ =	sfence.sel $0x180000  }
0x151: {  	[bflag:$0x0] =	sbarrier.arrive $0xFFFF  }
0x152: {  	_ =	strace $0x90000047  }
0x153: {  	s0 =	stileid.u32;
	[bflag:$0x2] =	sbarrier.arrive $0xFFFF  }
0x154: {  	p0 =	sne.s32 s0, $0x0;
	s0 =	rddreg [dreg:$0x4]  }
0x155: {  	s0 =	sadd.s32 @!p0 $0x100000, s0  }
0x156: {  	[sflag:s0] =	ssyncadd.tile.s32 @!p0 $0x1;
	_ =	shalt  }
.Lfunc_end2:
_tile_overlayer_lowered:
.L_overlay_start_2:
0x157: {  	(tag) =	ssettag $0x2  }
0x158: {  	s0 =	rddreg [dreg:$0x0];
	s2 =	stileid.u32  }
0x159: {  	s1 =	rddreg [dreg:$0x1];
	p0 =	sne.s32 s2, $0x0  }
0x15a: {  	s3 =	rddreg [dreg:$0x2];
	[bflag:$0x3] =	sbarrier.arrive $0xFFFF;
	s2 =	simm.s32 @!p0 $0x1C0D  }
0x15b: {  	[timem:s3], [sflag:s2] =	dma.local @!p0 [hbm:s0], s1  }
0x15c: {  	s0 =	simm.s32 @!p0 $0xD  }
0x15d: {  	_ =	swait.ge @!p0 [sflag:s0], s1  }
0x15e: {  	s1 =	ssub.s32 @!p0 $0x0, s1;
	[sflag:s0] =	ssyncset.done @!p0 $0x0  }
0x15f: {  	[sflag:s0] =	ssyncadd.s32 @!p0 s1  }
0x160: {  	[bflag:$0x3] =	sbarrier.arrive $0xFFFF  }
0x161: {  	_ =	shalt  }

// kernel: kernel.9.cloned.1.call-start
scs
__scs_entry_jumppad:
0x0: {  	(pc) =	sbr.rel $0x88, $3  }
0x1: {  	(tag) =	ssettag $0x0;
	lr =	simm.s32 $0x1  }
0x2: {  	[smem:$0x3F99] =	sst lr;
	_ =	strace $0xD0000000  }
0x3: {  	_ = 	snop  }
0x4: {  	_ = 	snop  }
0x5: {  	_ = 	snop  }
0x6: {  	_ = 	snop  }
0x7: {  	_ = 	snop  }
__scs_overlays_trampoline_lowered:
0x8: {  	[smem:$0x3FA8] =	sst s0  }
0x9: {  	[smem:$0x3FA9] =	sst s1  }
0xa: {  	[smem:$0x3FAA] =	sst s2  }
0xb: {  	[smem:$0x3FAB] =	sst s3  }
0xc: {  	[smem:$0x3FAC] =	sst s4  }
0xd: {  	[smem:$0x3FAD] =	sst s5  }
0xe: {  	[smem:$0x3FAE] =	sst s6  }
0xf: {  	[smem:$0x3FAF] =	sst s7  }
0x10: {  	[smem:$0x3FB0] =	sst s8  }
0x11: {  	[smem:$0x3FB1] =	sst s9;
	s0 =	simm.s32 @!p0 $0x0  }
0x12: {  	s1 =	sld [smem:$0x3F97];
	s0 =	simm.s32 @p0 $0x1  }
0x13: {  	[smem:$0x3FB2] =	sst s0;
	s0 =	simm.s32 @!p1 $0x0  }
0x14: {  	s2 =	sld [smem:$0x3F96];
	s0 =	simm.s32 @p1 $0x1  }
0x15: {  	[smem:$0x3FB3] =	sst s0;
	s0 =	simm.s32 @!p2 $0x0  }
0x16: {  	s3 =	sld [smem:$0x3FDB];
	s0 =	simm.s32 @p2 $0x1  }
0x17: {  	s4 =	simm.s32 $0x1BF5;
	[smem:$0x3FB5] =	sst s0  }
0x18: {  	s0 =	sld [smem:$0x3F98];
	_ =	swait.ge [sflag:s4], $0x0  }
0x19: {  	s7 =	sld [smem:$0x3F99]  }
0x1a: {  	s8 =	sadd.s32 $0xFFFFE003, lr  }
0x1b: {  	s9 =	sadd.s32 $0xFFFFFEF7, lr;
	s5 =	simm.s32 $0xFFFFFFFF;
	p2 =	slt.u32 s8, $0xFFFFF086  }
0x1c: {  	p1 =	slt.u32 s9, $0xF7A;
	s5 =	simm.s32 @!p2 $0x0  }
0x1d: {  	s5 =	simm.s32 @p1 $0x1;
	p0 =	seq.s32 s7, s2  }
0x1e: {  	s7 =	smul.u32 @!p0 $0xF7A, s2;
	p2 =	seq.s32 @!p0 s5, $0x0  }
0x1f: {  	s9 =	smul.u32 $0xF7A, s1;
	s8 =	simm.s32 @!p0 $0x1BF5;
	p2 =	por !p2, p0  }
0x20: {  	[sflag:s8] =	ssyncset.s32 @!p0 $0xFFFFF086;
	s6 =	sadd.s32 @!p0 s3, s7;
	s7 =	simm.s32 @!p0 $0x108  }
0x21: {  	s3 =	sadd.s32 s3, s9;
	s6 =	sadd.s32 @!p0 $0x88, s6;
	s7 =	simm.s32 @p2 $0x1082  }
0x22: {  	[simem:s7], [sflag:s8] =	dma.local @!p0 [hbm:s6], $0xF7A  }
0x23: {  	s9 =	sor.u32 $0xD0000000, s2;
	s6 =	simm.s32 $0x108;
	_ =	swait.ge @!p0 [sflag:s8], $0x0  }
0x24: {  	s3 =	sadd.s32 $0x88, s3;
	s6 =	simm.s32 @!p1 $0x1082;
	[sflag:s4] =	ssyncset.s32 $0xFFFFF086  }
0x25: {  	[simem:s6], [sflag:s4] =	dma.local [hbm:s3], $0xF7A  }
0x26: {  	[smem:$0x3F99] =	sst s1;
	(tag) =	ssettag s2;
	_ =	strace s9  }
0x27: {  	s1 =	sld [smem:$0x3FA9]  }
0x28: {  	s2 =	sld [smem:$0x3FAA]  }
0x29: {  	s4 =	sld [smem:$0x3FAC]  }
0x2a: {  	p0 =	seq.s32 s5, $0x0;
	s5 =	sld [smem:$0x3FAD]  }
0x2b: {  	s6 =	sld [smem:$0x3FAE]  }
0x2c: {  	s7 =	sld [smem:$0x3FAF]  }
0x2d: {  	s3 =	simm.s32 $0x108;
	s8 =	sld [smem:$0x3FB0]  }
0x2e: {  	s3 =	simm.s32 @!p0 $0x1082;
	s9 =	sld [smem:$0x3FB1]  }
0x2f: {  	lr =	sadd.s32 s0, s3;
	s0 =	sld [smem:$0x3FA8]  }
0x30: {  	s3 =	sld [smem:$0x3FAB]  }
0x31: {  	[smem:$0x3FB4] =	sst s10  }
0x32: {  	s10 =	sld [smem:$0x3FB2];
	_ =	sdelay $0x3  }
0x33: {  	p0 =	seq.s32 s10, $0x1;
	s10 =	sld [smem:$0x3FB4];
	_ =	sdelay $0x3  }
0x34: {  	[smem:$0x3FB4] =	sst s10  }
0x35: {  	s10 =	sld [smem:$0x3FB3];
	_ =	sdelay $0x3  }
0x36: {  	p1 =	seq.s32 s10, $0x1;
	s10 =	sld [smem:$0x3FB4];
	_ =	sdelay $0x3  }
0x37: {  	[smem:$0x3FB4] =	sst s10  }
0x38: {  	s10 =	sld [smem:$0x3FB5]  }
0x39: {  	_ = 	snop;
	(pc) =	sbr.ind lr, $3  }
0x3a: {  	_ = 	snop  }
0x3b: {  	_ = 	snop  }
0x3c: {  	p2 =	seq.s32 s10, $0x1;
	s10 =	sld [smem:$0x3FB4]  }
0x3d: {  	_ =	shalt  }
0x3e: {  	_ =	shalt  }
0x3f: {  	_ =	shalt  }
0x40: {  	_ =	shalt  }
0x41: {  	_ =	shalt  }
0x42: {  	_ =	shalt  }
0x43: {  	_ =	shalt  }
0x44: {  	_ =	shalt  }
0x45: {  	_ =	shalt  }
0x46: {  	_ =	shalt  }
0x47: {  	_ =	shalt  }
0x48: {  	_ =	shalt  }
0x49: {  	_ =	shalt  }
0x4a: {  	_ =	shalt  }
0x4b: {  	_ =	shalt  }
0x4c: {  	_ =	shalt  }
0x4d: {  	_ =	shalt  }
0x4e: {  	_ =	shalt  }
0x4f: {  	_ =	shalt  }
0x50: {  	_ =	shalt  }
0x51: {  	_ =	shalt  }
0x52: {  	_ =	shalt  }
0x53: {  	_ =	shalt  }
0x54: {  	_ =	shalt  }
0x55: {  	_ =	shalt  }
0x56: {  	_ =	shalt  }
0x57: {  	_ =	shalt  }
0x58: {  	_ =	shalt  }
0x59: {  	_ =	shalt  }
0x5a: {  	_ =	shalt  }
0x5b: {  	_ =	shalt  }
0x5c: {  	_ =	shalt  }
0x5d: {  	_ =	shalt  }
0x5e: {  	_ =	shalt  }
0x5f: {  	_ =	shalt  }
0x60: {  	_ =	shalt  }
0x61: {  	_ =	shalt  }
0x62: {  	_ =	shalt  }
0x63: {  	_ =	shalt  }
0x64: {  	_ =	shalt  }
0x65: {  	_ =	shalt  }
0x66: {  	_ =	shalt  }
0x67: {  	_ =	shalt  }
0x68: {  	_ =	shalt  }
0x69: {  	_ =	shalt  }
0x6a: {  	_ =	shalt  }
0x6b: {  	_ =	shalt  }
0x6c: {  	_ =	shalt  }
0x6d: {  	_ =	shalt  }
0x6e: {  	_ =	shalt  }
0x6f: {  	_ =	shalt  }
0x70: {  	_ =	shalt  }
0x71: {  	_ =	shalt  }
0x72: {  	_ =	shalt  }
0x73: {  	_ =	shalt  }
0x74: {  	_ =	shalt  }
0x75: {  	_ =	shalt  }
0x76: {  	_ =	shalt  }
0x77: {  	_ =	shalt  }
0x78: {  	_ =	shalt  }
0x79: {  	_ =	shalt  }
0x7a: {  	_ =	shalt  }
0x7b: {  	_ =	shalt  }
0x7c: {  	_ =	shalt  }
0x7d: {  	_ =	shalt  }
0x7e: {  	_ =	shalt  }
0x7f: {  	_ =	shalt  }
0x80: {  	_ =	shalt  }
0x81: {  	_ =	shalt  }
0x82: {  	_ =	shalt  }
0x83: {  	_ =	shalt  }
0x84: {  	_ =	shalt  }
0x85: {  	_ =	shalt  }
0x86: {  	_ =	shalt  }
0x87: {  	_ =	shalt  }
.Lfunc_end0:
.L_simem_size_0:
called_computation.1_lowered:
.L_overlay_start_0:
0x88: {  	s2 =	sld [smem:$0x3FD9]  }
0x89: {  	s3 =	sld [smem:$0x3FFE];
	_ =	sdelay $0x1  }
0x8a: {  	s1 =	srdreg.scid  }
0x8b: {  	s0 =	sand.u32 $0x1, s1  }
0x8c: {  	s16 =	sshll.u32 s0, $0xA;
	s2 =	sadd.s32 s3, s2  }
0x8d: {  	s2 =	sadd.s32 s2, s16  }
0x8e: {  	[smem:$0x3FC0] =	sst s2  }
0x8f: {  	_ = 	snop  }
0x90: {  	(tm) =	ssettm $0x1  }
0x91: {  	s17 =	sld [smem:$0x3FFB];
	_ =	sdelay $0x3  }
0x92: {  	_ =	strace s17  }
0x93: {  	s2 =	sld [smem:$0x3FFC];
	_ =	sdelay $0x3  }
0x94: {  	_ =	strace s2  }
0x95: {  	s2 =	sld [smem:$0x3FFD];
	_ =	sdelay $0x3  }
0x96: {  	_ =	strace s2  }
0x97: {  	_ =	strace $0x8FFFFFFF  }
0x98: {  	s18 =	sld [smem:$0x3FDB];
	_ =	sdelay $0x1  }
0x99: {  	s19 =	simm.s32 $_scs_section_size  }
0x9a: {  	s4 =	simm.s32 $_size__tile_overlayer_lowered;
	s5 =	simm.s32 $_tile_overlayer_lowered  }
0x9b: {  	s22 =	simm.s32 $0x1BFF;
	s21 =	sshll.u32 s5, $0x1;
	s2 =	sadd.s32 s19, s18  }
0x9c: {  	s6 =	simm.s32 $0x0;
	s20 =	sshll.u32 s4, $0x1;
	s4 =	sadd.s32 s21, s2  }
0x9d: {  	[timem:s6], [sflag:s22] =	dma.local [hbm:s4], s20  }
0x9e: {  	_ =	swait.ge [sflag:s22], s20  }
0x9f: {  	s3 =	ssub.s32 $0x0, s20;
	[sflag:s22] =	ssyncset.done $0x0  }
0xa0: {  	[sflag:s22] =	ssyncadd.s32 s3;
	_ =	sdelay $0x1  }
0xa1: {  	s23 =	simm.s32 $0x1B8B  }
0xa2: {  	_ =	swait.ge [sflag:s23], $0x1  }
0xa3: {  	[sflag:s23] =	ssyncset.done $0x0  }
0xa4: {  	s25 =	simm.s32 $0x1B8E;
	s24 =	sld [smem:$0x3FFE];
	[sflag:s23] =	ssyncadd.s32 $0xFFFFFFFF  }
0xa5: {  	s26 =	simm.s32 $execute0_lowered;
	[smem:$0x3FD2] =	sst s25  }
0xa6: {  	s4 =	sshll.u32 s26, $0x1;
	_ =	strace $0x80000049;
	[dreg:$0x1] =	wrdreg $0xFFFFFFFF  }
0xa7: {  	s28 =	simm.s32 $_size_execute0_lowered;
	s2 =	sadd.s32 s2, s4;
	[dreg:$0x0] =	wrdreg $0x0  }
0xa8: {  	s4 =	sshll.u32 s28, $0x1;
	[dreg:$0x2] =	wrdreg s2  }
0xa9: {  	[dreg:$0x3] =	wrdreg s4  }
0xaa: {  	[dreg:$0x4] =	wrdreg $0xC0  }
0xab: {  	_ =	task [dreg:s6], $0x5FFFF  }
0xac: {  	[dreg:$0x1] =	wrdreg $0xFFFFFFFF  }
0xad: {  	[dreg:$0x0] =	wrdreg $0x60  }
0xae: {  	[dreg:$0x2] =	wrdreg s24  }
0xaf: {  	[dreg:$0x3] =	wrdreg $0x7B000  }
0xb0: {  	[dreg:$0x4] =	wrdreg $0x9  }
0xb1: {  	_ =	task.clear_ibuf [dreg:s6], $0x5FFFF;
	_ =	strace $0x90000049  }
0xb2: {  	s29 =	simm.s32 $0x9;
	_ =	strace $0x8000004B  }
0xb3: {  	_ =	swait.ge [sflag:s29], $0x1  }
0xb4: {  	[sflag:s29] =	ssyncadd.s32 $0xFFFFFFFF  }
0xb5: {  	_ =	strace $0x9000004B  }
0xb6: {  	_ =	sfence  }
0xb7: {  	s30 =	sld [smem:$0x0];
	_ =	sdelay $0x2  }
0xb8: {  	s31 =	sshll.u32 s1, $0xD;
	s1 =	sshrl.u32 s1, $0x2  }
0xb9: {  	s3 =	sand.u32 $0x4000, s31;
	s1 =	sadd.s32 s1, s30  }
0xba: {  	s0 =	sor.u32 s3, s0;
	s1 =	sshll.u32 s1, $0x11  }
0xbb: {  	s0 =	sor.u32 s1, s0  }
0xbc: {  	s0 =	sadd.s32 $0x8F2B, s0  }
0xbd: {  	[sflag:s0] =	ssyncadd.remote.s32 $0x1  }
0xbe: {  	_ =	sfence.sel $0xFFFF  }
0xbf: {  	[dreg:$0x0] =	wrdreg $0xFFFFFFFF;
	(pc) =	sbr.abs _section_cstart, $3  }
0xc0: {  	[dreg:$0x1] =	wrdreg $0xFFFFFFFF  }
0xc1: {  	_ =	task.clear_ibuf [dreg:s6], $0x2FFFF;
	_ =	strace $0x9FFFFFFF  }
0xc2: {  	(tm) =	ssettm $0x7FFFFFFF  }
0xc3: {  	_ =	shalt  }
tec
execute0_lowered:
.L_overlay_start_1:
0x0: {  	(tag) =	ssettag $0x1  }
0x1: {  	s0 =	rddreg [dreg:$0x0];
	s1 =	srdreg.scid  }
0x2: {  	s2 =	rddreg [dreg:$0x1];
	s10 =	stileid.u32  }
0x3: {  	s3 =	simm.s32 $0x0;
	s28 =	simm.s32 $0x7800;
	s29 =	simm.s32 $0x7980  }
0x4: {  	s30 =	simm.s32 $0x4;
	s31 =	simm.s32 $0x50;
	s5 =	smul.u32 $0x14000, s10  }
0x5: {  	s1 =	sand.u32 $0x1, s1;
	[smem:$0x7FF] =	sst s3;
	s6 =	smul.u32 $0x50000, s10  }
0x6: {  	s7 =	sadd.s32 $0x2400, s0;
	s9 =	sshll.u32 s10, $0x1;
	s4 =	smul.u32 $0x140000, s1  }
0x7: {  	s19 =	smul.u32 $0x4E20, s10;
	_ =	strace $0x8000004A;
	s13 =	ssub.s32 $0x2, s1  }
0x8: {  	s9 =	sor.u32 s1, s9;
	s1 =	smul.u32 $0x2710, s1;
	s5 =	sadd.s32 s5, s4  }
0x9: {  	s8 =	sshrl.u32 s13, $0x1;
	s6 =	sshrl.u32 s6, $0x2;
	s5 =	sshrl.u32 s5, $0x3  }
0xa: {  	s4 =	sadd.s32 $0x15E00, s0;
	s0 =	sadd.s32 s5, s0;
	s5 =	sadd.s32 s6, s2  }
0xb: {  	s14 =	smul.u32 $0x2710, s9;
	s8 =	ssub.s32 s13, s8;
	s15 =	sadd.s32 $0x2800, s5  }
0xc: {  	s1 =	sadd.s32 s1, s19;
	s16 =	sadd.s32 $0x5000, s5;
	[dreg:$0x9] =	wrdreg s15  }
0xd: {  	s26 =	sadd.s32 $0x280, s1;
	s17 =	sadd.s32 $0x7800, s5;
	[dreg:$0xa] =	wrdreg s16  }
0xe: {  	s12 =	sadd.s32 $0x4E390, s1;
	s18 =	sadd.s32 $0xA000, s5;
	[dreg:$0xb] =	wrdreg s17  }
0xf: {  	s13 =	sadd.s32 $0x230, s1;
	s20 =	sadd.s32 $0xC800, s5;
	[dreg:$0xc] =	wrdreg s18  }
0x10: {  	s19 =	sadd.s32 $0x1E0, s1;
	s21 =	sadd.s32 $0xF000, s5;
	[dreg:$0xd] =	wrdreg s20  }
0x11: {  	s9 =	sshrl.u32 s12, $0x3;
	s22 =	sadd.s32 $0x11800, s5;
	[dreg:$0xe] =	wrdreg s21  }
0x12: {  	s6 =	sshrl.u32 s14, $0x3;
	s14 =	sadd.s32 s9, s7;
	[dreg:$0xf] =	wrdreg s22  }
0x13: {  	s12 =	simm.s32 $0x6;
	s11 =	sadd.s32 s7, s6;
	[dreg:$0x4] =	wrdreg s14  }
0x14: {  	s9 =	sshrl.u32 s19, $0x3;
	s0 =	sadd.s32 $0x3D000, s0;
	[dreg:$0x10] =	wrdreg s11  }
0x15: {  	s19 =	simm.s32 $0x3;
	s6 =	sadd.s32 $0x9C40, s11;
	[dreg:$0x1b] =	wrdreg s0  }
0x16: {  	s23 =	sadd.s32 $0xA, s11;
	s24 =	sadd.s32 $0x9C4A, s11;
	[dreg:$0x11] =	wrdreg s6  }
0x17: {  	s25 =	sadd.s32 $0x14, s11;
	s10 =	sadd.s32 $0x1E, s11;
	[dreg:$0x12] =	wrdreg s23  }
0x18: {  	s15 =	sshrl.u32 s13, $0x3;
	s17 =	sadd.s32 $0x4E430, s1;
	[dreg:$0x13] =	wrdreg s24  }
0x19: {  	s20 =	sadd.s32 $0x9C54, s11;
	s21 =	sadd.s32 s9, s7;
	[dreg:$0x14] =	wrdreg s25  }
0x1a: {  	s1 =	sadd.s32 $0x4E3E0, s1;
	s22 =	sadd.s32 $0x28, s11;
	[dreg:$0x15] =	wrdreg s10  }
0x1b: {  	s0 =	simm.s32 $0x7880;
	s9 =	simm.s32 $0x1;
	[dreg:$0x16] =	wrdreg s20  }
0x1c: {  	s14 =	simm.s32 $0xA;
	s6 =	sshrl.u32 s26, $0x3;
	[dreg:$0x17] =	wrdreg s22  }
0x1d: {  	s16 =	sadd.s32 s15, s7;
	s18 =	sshrl.u32 s17, $0x3;
	[dreg:$0x7] =	wrdreg s21  }
0x1e: {  	s1 =	sshrl.u32 s1, $0x3;
	s23 =	sadd.s32 $0x9C5E, s11;
	s24 =	sadd.s32 $0x32, s11  }
0x1f: {  	s25 =	sadd.s32 $0x9C68, s11;
	s26 =	smax.u32 s8, $0x1;
	s8 =	simm.s32 $0x7900  }
0x20: {  	s10 =	simm.s32 $0x7;
	s11 =	simm.s32 $0x7A80;
	[dreg:$0x5] =	wrdreg s16  }
0x21: {  	s15 =	simm.s32 $0x5000;
	s17 =	simm.s32 $0x8;
	[dreg:$0x18] =	wrdreg s23  }
0x22: {  	s20 =	simm.s32 $0x9;
	s21 =	simm.s32 $0xC;
	[dreg:$0x19] =	wrdreg s24  }
0x23: {  	s22 =	simm.s32 $0x0;
	s6 =	sadd.s32 s6, s7;
	[dreg:$0x1a] =	wrdreg s25  }
0x24: {  	s1 =	sadd.s32 s1, s7;
	[dreg:$0x1c] =	wrdreg s26;
	s26 =	simm.s32 $0xD  }
0x25: {  	s16 =	simm.s32 $0x2;
	[dreg:$0x3] =	wrdreg s6;
	s6 =	sadd.s32 s18, s7  }
0x26: {  	[dreg:$0x8] =	wrdreg s1;
	s1 =	simm.s32 $0x7A00;
	s7 =	simm.s32 $0x2800  }
0x27: {  	v0 =	vimm.f32 $0.0e+00;
	s18 =	simm.s32 $0xB;
	[dreg:$0x6] =	wrdreg s6;
	s6 =	simm.s32 $0x5  }
.LBB2_1:
0x28: {  	s23 =	sand.u32 $0xFE00, s3  }
0x29: {  	s24 =	sand.u32 $0x70, s3;
	s25 =	sshrl.u32 s23, $0x2  }
0x2a: {  	s23 =	simm.s32 $0x40;
	s25 =	sor.u32 s24, s25;
	s24 =	simm.s32 $0x0  }
.LBB2_2:
0x2b: {  	p0 =	sne.s32 s23, $0x9FC0  }
0x2c: {  	[tilespmem:s25+$0x0] =	vst v0;
	s24 =	sadd.s32 $0x10, s24;
	s25 =	smov.u32 s23;
	s23 =	sadd.s32 $0x40, s23  }
.Ltmp0:
0x2d: {  	(pc) =	sbr.rel @p0 .LBB2_2-.Ltmp0, $4  }
0x2e: {  	_ = 	snop  }
0x2f: {  	s25 =	sand.u32 $0xFE00, s25  }
0x30: {  	s13 =	sand.u32 $0x70, s24;
	s25 =	sshrl.u32 s25, $0x2  }
0x31: {  	s25 =	sor.u32 s13, s25  }
0x32: {  	[tilespmem:s25+$0x0] =	vst v0;
	s23 =	simm.s32 $0x0  }
0x33: {  	[spmem:s5] =	stream.linear.scatter [tilespmem:s23], [sflag:$0xD], $0x2800, $0x38;
	[tilespmem:$0x1BB00] =	vst v63  }
0x34: {  	_ =	swait.ge [sflag:s26], $0x2800  }
0x35: {  	[sflag:s26] =	ssyncset.done $0x0  }
0x36: {  	s13 =	rddreg [dreg:$0x9];
	[sflag:s26] =	ssyncadd.s32 $0xFFFFD800  }
0x37: {  	[spmem:s13] =	stream.linear.scatter [tilespmem:s23], [sflag:$0xD], $0x2800, $0x38;
	[tilespmem:$0x1BB00] =	vst v63  }
0x38: {  	_ =	swait.ge [sflag:s26], $0x2800  }
0x39: {  	[sflag:s26] =	ssyncset.done $0x0  }
0x3a: {  	s25 =	rddreg [dreg:$0xa];
	[sflag:s26] =	ssyncadd.s32 $0xFFFFD800  }
0x3b: {  	[spmem:s25] =	stream.linear.scatter [tilespmem:s23], [sflag:$0xD], $0x2800, $0x38;
	[tilespmem:$0x1BB00] =	vst v63  }
0x3c: {  	_ =	swait.ge [sflag:s26], $0x2800  }
0x3d: {  	[sflag:s26] =	ssyncset.done $0x0  }
0x3e: {  	s24 =	rddreg [dreg:$0xb];
	[sflag:s26] =	ssyncadd.s32 $0xFFFFD800  }
0x3f: {  	[spmem:s24] =	stream.linear.scatter [tilespmem:s23], [sflag:$0xD], $0x2800, $0x38;
	[tilespmem:$0x1BB00] =	vst v63  }
0x40: {  	_ =	swait.ge [sflag:s26], $0x2800  }
0x41: {  	[sflag:s26] =	ssyncset.done $0x0  }
0x42: {  	s25 =	rddreg [dreg:$0xc];
	[sflag:s26] =	ssyncadd.s32 $0xFFFFD800  }
0x43: {  	[spmem:s25] =	stream.linear.scatter [tilespmem:s23], [sflag:$0xD], $0x2800, $0x38;
	[tilespmem:$0x1BB00] =	vst v63  }
0x44: {  	_ =	swait.ge [sflag:s26], $0x2800  }
0x45: {  	[sflag:s26] =	ssyncset.done $0x0  }
0x46: {  	s24 =	rddreg [dreg:$0xd];
	[sflag:s26] =	ssyncadd.s32 $0xFFFFD800  }
0x47: {  	[spmem:s24] =	stream.linear.scatter [tilespmem:s23], [sflag:$0xD], $0x2800, $0x38;
	[tilespmem:$0x1BB00] =	vst v63  }
0x48: {  	_ =	swait.ge [sflag:s26], $0x2800  }
0x49: {  	[sflag:s26] =	ssyncset.done $0x0  }
0x4a: {  	s25 =	rddreg [dreg:$0xe];
	[sflag:s26] =	ssyncadd.s32 $0xFFFFD800  }
0x4b: {  	[spmem:s25] =	stream.linear.scatter [tilespmem:s23], [sflag:$0xD], $0x2800, $0x38;
	[tilespmem:$0x1BB00] =	vst v63  }
0x4c: {  	_ =	swait.ge [sflag:s26], $0x2800  }
0x4d: {  	[sflag:s26] =	ssyncset.done $0x0  }
0x4e: {  	s24 =	rddreg [dreg:$0xf];
	[sflag:s26] =	ssyncadd.s32 $0xFFFFD800  }
0x4f: {  	[spmem:s24] =	stream.linear.scatter [tilespmem:s23], [sflag:$0xD], $0x2800, $0x38;
	[tilespmem:$0x1BB00] =	vst v63  }
0x50: {  	_ =	swait.ge [sflag:s26], $0x2800  }
0x51: {  	[sflag:s26] =	ssyncset.done $0x0  }
0x52: {  	[sflag:s26] =	ssyncadd.s32 $0xFFFFD800  }
0x53: {  	[bflag:$0x0] =	sbarrier.arrive $0xFFFF  }
0x54: {  	s25 =	rddreg [dreg:$0x10]  }
0x55: {  	[tilespmem:s28], [sflag:$0x4] =	stream.linear.gather [hbm4b:s25+s23], $0x50, $0x38;
	[tilespmem:$0x1BB00] =	vst v63  }
0x56: {  	s24 =	rddreg [dreg:$0x11]  }
0x57: {  	[tilespmem:s29], [sflag:$0x7] =	stream.linear.gather [hbm4b:s24+s23], $0x50, $0x38;
	[tilespmem:$0x1BB00] =	vst v63  }
0x58: {  	_ =	swait.ge [sflag:s30], $0x50  }
0x59: {  	[sflag:s30] =	ssyncset.done $0x0  }
0x5a: {  	[sflag:s30] =	ssyncadd.s32 $0xFFFFFFB0  }
0x5b: {  	[tilespmem:s23], [sflag:$0x1] =	stream.indirect.gather [hbm4b:s4+s31], $0x80, s28, s31, $0xb8;
	[tilespmem:$0x1BB00] =	vst v63  }
0x5c: {  	s25 =	rddreg [dreg:$0x12]  }
0x5d: {  	[tilespmem:s0], [sflag:$0x5] =	stream.linear.gather [hbm4b:s25+s23], $0x50, $0x38;
	[tilespmem:$0x1BB00] =	vst v63  }
0x5e: {  	s24 =	rddreg [dreg:$0x13]  }
0x5f: {  	[tilespmem:s1], [sflag:$0x8] =	stream.linear.gather [hbm4b:s24+s23], $0x50, $0x38;
	[tilespmem:$0x1BB00] =	vst v63  }
0x60: {  	_ =	swait.ge [sflag:s6], $0x50  }
0x61: {  	[sflag:s6] =	ssyncset.done $0x0  }
0x62: {  	[sflag:s6] =	ssyncadd.s32 $0xFFFFFFB0  }
0x63: {  	[tilespmem:s7], [sflag:$0x2] =	stream.indirect.gather [hbm4b:s4+s31], $0x80, s0, s31, $0xb8;
	[tilespmem:$0x1BB00] =	vst v63  }
0x64: {  	s25 =	rddreg [dreg:$0x14]  }
0x65: {  	[tilespmem:s8], [sflag:$0x6] =	stream.linear.gather [hbm4b:s25+s23], $0x50, $0x38;
	[tilespmem:$0x1BB00] =	vst v63  }
0x66: {  	_ =	swait.ge [sflag:s9], $0x2800  }
0x67: {  	[sflag:s9] =	ssyncset.done $0x0  }
0x68: {  	[sflag:s9] =	ssyncadd.s32 $0xFFFFD800  }
0x69: {  	_ =	swait.ge [sflag:s10], $0x50  }
0x6a: {  	[sflag:s10] =	ssyncset.done $0x0  }
0x6b: {  	[sflag:s10] =	ssyncadd.s32 $0xFFFFFFB0  }
0x6c: {  	[spmem:s2] =	stream.indirect.scatter.add.f32 [tilespmem:s23], [sflag:$0xA], $0x80, s29, s31, $0xb8;
	[tilespmem:$0x1BB00] =	vst v63  }
0x6d: {  	s24 =	rddreg [dreg:$0x15]  }
0x6e: {  	[tilespmem:s28], [sflag:$0x4] =	stream.linear.gather [hbm4b:s24+s23], $0x50, $0x38;
	[tilespmem:$0x1BB00] =	vst v63  }
0x6f: {  	s25 =	rddreg [dreg:$0x16]  }
0x70: {  	[tilespmem:s11], [sflag:$0x9] =	stream.linear.gather [hbm4b:s25+s23], $0x50, $0x38;
	[tilespmem:$0x1BB00] =	vst v63  }
0x71: {  	_ =	swait.ge [sflag:s12], $0x50  }
0x72: {  	[sflag:s12] =	ssyncset.done $0x0  }
0x73: {  	[sflag:s12] =	ssyncadd.s32 $0xFFFFFFB0  }
0x74: {  	_ =	swait.ge [sflag:s14], $0x2800  }
0x75: {  	[sflag:s14] =	ssyncset.done $0x0  }
0x76: {  	[sflag:s14] =	ssyncadd.s32 $0xFFFFD800  }
0x77: {  	[tilespmem:s15], [sflag:$0x3] =	stream.indirect.gather [hbm4b:s4+s31], $0x80, s8, s31, $0xb8;
	[tilespmem:$0x1BB00] =	vst v63  }
0x78: {  	_ =	swait.ge [sflag:s16], $0x2800  }
0x79: {  	[sflag:s16] =	ssyncset.done $0x0  }
0x7a: {  	[sflag:s16] =	ssyncadd.s32 $0xFFFFD800  }
0x7b: {  	_ =	swait.ge [sflag:s17], $0x50  }
0x7c: {  	[sflag:s17] =	ssyncset.done $0x0  }
0x7d: {  	[sflag:s17] =	ssyncadd.s32 $0xFFFFFFB0  }
0x7e: {  	[spmem:s2] =	stream.indirect.scatter.add.f32 [tilespmem:s7], [sflag:$0xB], $0x80, s1, s31, $0xb8;
	[tilespmem:$0x1BB00] =	vst v63  }
0x7f: {  	s24 =	rddreg [dreg:$0x17]  }
0x80: {  	[tilespmem:s0], [sflag:$0x5] =	stream.linear.gather [hbm4b:s24+s23], $0x50, $0x38;
	[tilespmem:$0x1BB00] =	vst v63  }
0x81: {  	s25 =	rddreg [dreg:$0x18]  }
0x82: {  	[tilespmem:s29], [sflag:$0x7] =	stream.linear.gather [hbm4b:s25+s23], $0x50, $0x38;
	[tilespmem:$0x1BB00] =	vst v63  }
0x83: {  	_ =	swait.ge [sflag:s30], $0x50  }
0x84: {  	[sflag:s30] =	ssyncset.done $0x0  }
0x85: {  	[sflag:s30] =	ssyncadd.s32 $0xFFFFFFB0  }
0x86: {  	_ =	swait.ge [sflag:s18], $0x2800  }
0x87: {  	[sflag:s18] =	ssyncset.done $0x0  }
0x88: {  	[sflag:s18] =	ssyncadd.s32 $0xFFFFD800  }
0x89: {  	[tilespmem:s23], [sflag:$0x1] =	stream.indirect.gather [hbm4b:s4+s31], $0x80, s28, s31, $0xb8;
	[tilespmem:$0x1BB00] =	vst v63  }
0x8a: {  	_ =	swait.ge [sflag:s19], $0x2800  }
0x8b: {  	[sflag:s19] =	ssyncset.done $0x0  }
0x8c: {  	[sflag:s19] =	ssyncadd.s32 $0xFFFFD800  }
0x8d: {  	_ =	swait.ge [sflag:s20], $0x50  }
0x8e: {  	[sflag:s20] =	ssyncset.done $0x0  }
0x8f: {  	[sflag:s20] =	ssyncadd.s32 $0xFFFFFFB0  }
0x90: {  	[spmem:s2] =	stream.indirect.scatter.add.f32 [tilespmem:s15], [sflag:$0xC], $0x80, s11, s31, $0xb8;
	[tilespmem:$0x1BB00] =	vst v63  }
0x91: {  	s24 =	rddreg [dreg:$0x19]  }
0x92: {  	[tilespmem:s8], [sflag:$0x6] =	stream.linear.gather [hbm4b:s24+s23], $0x50, $0x38;
	[tilespmem:$0x1BB00] =	vst v63  }
0x93: {  	s25 =	rddreg [dreg:$0x1a]  }
0x94: {  	[tilespmem:s1], [sflag:$0x8] =	stream.linear.gather [hbm4b:s25+s23], $0x50, $0x38;
	[tilespmem:$0x1BB00] =	vst v63  }
0x95: {  	_ =	swait.ge [sflag:s6], $0x50  }
0x96: {  	[sflag:s6] =	ssyncset.done $0x0  }
0x97: {  	[sflag:s6] =	ssyncadd.s32 $0xFFFFFFB0  }
0x98: {  	_ =	swait.ge [sflag:s21], $0x2800  }
0x99: {  	[sflag:s21] =	ssyncset.done $0x0  }
0x9a: {  	[sflag:s21] =	ssyncadd.s32 $0xFFFFD800  }
0x9b: {  	[tilespmem:s7], [sflag:$0x2] =	stream.indirect.gather [hbm4b:s4+s31], $0x80, s0, s31, $0xb8;
	[tilespmem:$0x1BB00] =	vst v63  }
0x9c: {  	_ =	swait.ge [sflag:s9], $0x2800  }
0x9d: {  	[sflag:s9] =	ssyncset.done $0x0  }
0x9e: {  	[sflag:s9] =	ssyncadd.s32 $0xFFFFD800  }
0x9f: {  	_ =	swait.ge [sflag:s10], $0x50  }
0xa0: {  	[sflag:s10] =	ssyncset.done $0x0  }
0xa1: {  	s23 =	rddreg [dreg:$0x7];
	[sflag:s10] =	ssyncadd.s32 $0xFFFFFFB0  }
0xa2: {  	[spmem:s2] =	stream.indirect.scatter.add.f32 [tilespmem:s3], [sflag:$0xA], $0x80, s29, s31, $0xb8;
	[tilespmem:$0x1BB00] =	vst v63  }
0xa3: {  	s24 =	rddreg [dreg:$0x4];
	s13 =	sadd.s32 $0x0, s23  }
0xa4: {  	[tilespmem:s28], [sflag:$0x4] =	stream.linear.gather [hbm4b:s13+s3], $0x50, $0x38;
	[tilespmem:$0x1BB00] =	vst v63  }
0xa5: {  	s25 =	sadd.s32 $0x0, s24  }
0xa6: {  	[tilespmem:s11], [sflag:$0x9] =	stream.linear.gather [hbm4b:s25+s3], $0x50, $0x38;
	[tilespmem:$0x1BB00] =	vst v63  }
0xa7: {  	_ =	swait.ge [sflag:s12], $0x50  }
0xa8: {  	[sflag:s12] =	ssyncset.done $0x0  }
0xa9: {  	[sflag:s12] =	ssyncadd.s32 $0xFFFFFFB0  }
0xaa: {  	_ =	swait.ge [sflag:s14], $0x2800  }
0xab: {  	[sflag:s14] =	ssyncset.done $0x0  }
0xac: {  	[sflag:s14] =	ssyncadd.s32 $0xFFFFD800  }
0xad: {  	[tilespmem:s15], [sflag:$0x3] =	stream.indirect.gather [hbm4b:s4+s31], $0x80, s8, s31, $0xb8;
	[tilespmem:$0x1BB00] =	vst v63  }
0xae: {  	_ =	swait.ge [sflag:s16], $0x2800  }
0xaf: {  	[sflag:s16] =	ssyncset.done $0x0  }
0xb0: {  	[sflag:s16] =	ssyncadd.s32 $0xFFFFD800  }
0xb1: {  	_ =	swait.ge [sflag:s17], $0x50  }
0xb2: {  	[sflag:s17] =	ssyncset.done $0x0  }
0xb3: {  	s23 =	rddreg [dreg:$0x5];
	[sflag:s17] =	ssyncadd.s32 $0xFFFFFFB0  }
0xb4: {  	[spmem:s2] =	stream.indirect.scatter.add.f32 [tilespmem:s7], [sflag:$0xB], $0x80, s1, s31, $0xb8;
	[tilespmem:$0x1BB00] =	vst v63  }
0xb5: {  	s24 =	rddreg [dreg:$0x8];
	s13 =	sadd.s32 $0x0, s23  }
0xb6: {  	[tilespmem:s0], [sflag:$0x5] =	stream.linear.gather [hbm4b:s13+s3], $0x50, $0x38;
	[tilespmem:$0x1BB00] =	vst v63  }
0xb7: {  	s25 =	sadd.s32 $0x0, s24  }
0xb8: {  	[tilespmem:s29], [sflag:$0x7] =	stream.linear.gather [hbm4b:s25+s3], $0x50, $0x38;
	[tilespmem:$0x1BB00] =	vst v63  }
0xb9: {  	_ =	swait.ge [sflag:s30], $0x50  }
0xba: {  	[sflag:s30] =	ssyncset.done $0x0  }
0xbb: {  	[sflag:s30] =	ssyncadd.s32 $0xFFFFFFB0  }
0xbc: {  	_ =	swait.ge [sflag:s18], $0x2800  }
0xbd: {  	[sflag:s18] =	ssyncset.done $0x0  }
0xbe: {  	[sflag:s18] =	ssyncadd.s32 $0xFFFFD800  }
0xbf: {  	[tilespmem:s3], [sflag:$0x1] =	stream.indirect.gather [hbm4b:s4+s31], $0x80, s28, s31, $0xb8;
	[tilespmem:$0x1BB00] =	vst v63  }
0xc0: {  	_ =	swait.ge [sflag:s19], $0x2800  }
0xc1: {  	[sflag:s19] =	ssyncset.done $0x0  }
0xc2: {  	[sflag:s19] =	ssyncadd.s32 $0xFFFFD800  }
0xc3: {  	_ =	swait.ge [sflag:s20], $0x50  }
0xc4: {  	[sflag:s20] =	ssyncset.done $0x0  }
0xc5: {  	s23 =	rddreg [dreg:$0x3];
	[sflag:s20] =	ssyncadd.s32 $0xFFFFFFB0  }
0xc6: {  	[spmem:s2] =	stream.indirect.scatter.add.f32 [tilespmem:s15], [sflag:$0xC], $0x80, s11, s31, $0xb8;
	[tilespmem:$0x1BB00] =	vst v63  }
0xc7: {  	s24 =	rddreg [dreg:$0x6];
	s13 =	sadd.s32 $0x0, s23  }
0xc8: {  	[tilespmem:s8], [sflag:$0x6] =	stream.linear.gather [hbm4b:s13+s3], $0x50, $0x38;
	[tilespmem:$0x1BB00] =	vst v63  }
0xc9: {  	s25 =	sadd.s32 $0x0, s24  }
0xca: {  	[tilespmem:s1], [sflag:$0x8] =	stream.linear.gather [hbm4b:s25+s3], $0x50, $0x38;
	[tilespmem:$0x1BB00] =	vst v63  }
0xcb: {  	_ =	swait.ge [sflag:s6], $0x50  }
0xcc: {  	[sflag:s6] =	ssyncset.done $0x0  }
0xcd: {  	[sflag:s6] =	ssyncadd.s32 $0xFFFFFFB0  }
0xce: {  	_ =	swait.ge [sflag:s21], $0x2800  }
0xcf: {  	[sflag:s21] =	ssyncset.done $0x0  }
0xd0: {  	s23 =	simm.s32 $0x1E;
	[sflag:s21] =	ssyncadd.s32 $0xFFFFD800  }
.LBB2_4:
0xd1: {  	[tilespmem:s7], [sflag:$0x2] =	stream.indirect.gather [hbm4b:s4+s31], $0x80, s0, s31, $0xb8;
	[tilespmem:$0x1BB00] =	vst v63  }
0xd2: {  	_ =	swait.ge [sflag:s9], $0x2800  }
0xd3: {  	[sflag:s9] =	ssyncset.done $0x0  }
0xd4: {  	[sflag:s9] =	ssyncadd.s32 $0xFFFFD800  }
0xd5: {  	_ =	swait.ge [sflag:s10], $0x50  }
0xd6: {  	[sflag:s10] =	ssyncset.done $0x0  }
0xd7: {  	s24 =	smov.u32 s23;
	s13 =	rddreg [dreg:$0x7];
	[sflag:s10] =	ssyncadd.s32 $0xFFFFFFB0  }
0xd8: {  	[spmem:s2] =	stream.indirect.scatter.add.f32 [tilespmem:s3], [sflag:$0xA], $0x80, s29, s31, $0xb8;
	[tilespmem:$0x1BB00] =	vst v63  }
0xd9: {  	s25 =	rddreg [dreg:$0x4];
	s13 =	sadd.s32 s24, s13  }
0xda: {  	[tilespmem:s28], [sflag:$0x4] =	stream.linear.gather [hbm4b:s13+s3], $0x50, $0x38;
	[tilespmem:$0x1BB00] =	vst v63  }
0xdb: {  	s25 =	sadd.s32 s24, s25  }
0xdc: {  	[tilespmem:s11], [sflag:$0x9] =	stream.linear.gather [hbm4b:s25+s3], $0x50, $0x38;
	[tilespmem:$0x1BB00] =	vst v63  }
0xdd: {  	_ =	swait.ge [sflag:s12], $0x50  }
0xde: {  	[sflag:s12] =	ssyncset.done $0x0  }
0xdf: {  	[sflag:s12] =	ssyncadd.s32 $0xFFFFFFB0  }
0xe0: {  	_ =	swait.ge [sflag:s14], $0x2800  }
0xe1: {  	[sflag:s14] =	ssyncset.done $0x0  }
0xe2: {  	[sflag:s14] =	ssyncadd.s32 $0xFFFFD800  }
0xe3: {  	[tilespmem:s15], [sflag:$0x3] =	stream.indirect.gather [hbm4b:s4+s31], $0x80, s8, s31, $0xb8;
	[tilespmem:$0x1BB00] =	vst v63  }
0xe4: {  	_ =	swait.ge [sflag:s16], $0x2800  }
0xe5: {  	[sflag:s16] =	ssyncset.done $0x0  }
0xe6: {  	[sflag:s16] =	ssyncadd.s32 $0xFFFFD800  }
0xe7: {  	_ =	swait.ge [sflag:s17], $0x50  }
0xe8: {  	[sflag:s17] =	ssyncset.done $0x0  }
0xe9: {  	s13 =	rddreg [dreg:$0x5];
	[sflag:s17] =	ssyncadd.s32 $0xFFFFFFB0  }
0xea: {  	[spmem:s2] =	stream.indirect.scatter.add.f32 [tilespmem:s7], [sflag:$0xB], $0x80, s1, s31, $0xb8;
	[tilespmem:$0x1BB00] =	vst v63  }
0xeb: {  	s25 =	rddreg [dreg:$0x8];
	s13 =	sadd.s32 s24, s13  }
0xec: {  	[tilespmem:s0], [sflag:$0x5] =	stream.linear.gather [hbm4b:s13+s3], $0x50, $0x38;
	[tilespmem:$0x1BB00] =	vst v63  }
0xed: {  	s25 =	sadd.s32 s24, s25  }
0xee: {  	[tilespmem:s29], [sflag:$0x7] =	stream.linear.gather [hbm4b:s25+s3], $0x50, $0x38;
	[tilespmem:$0x1BB00] =	vst v63  }
0xef: {  	_ =	swait.ge [sflag:s30], $0x50  }
0xf0: {  	[sflag:s30] =	ssyncset.done $0x0  }
0xf1: {  	[sflag:s30] =	ssyncadd.s32 $0xFFFFFFB0  }
0xf2: {  	_ =	swait.ge [sflag:s18], $0x2800  }
0xf3: {  	[sflag:s18] =	ssyncset.done $0x0  }
0xf4: {  	[sflag:s18] =	ssyncadd.s32 $0xFFFFD800  }
0xf5: {  	[tilespmem:s3], [sflag:$0x1] =	stream.indirect.gather [hbm4b:s4+s31], $0x80, s28, s31, $0xb8;
	[tilespmem:$0x1BB00] =	vst v63  }
0xf6: {  	_ =	swait.ge [sflag:s19], $0x2800  }
0xf7: {  	[sflag:s19] =	ssyncset.done $0x0  }
0xf8: {  	[sflag:s19] =	ssyncadd.s32 $0xFFFFD800  }
0xf9: {  	_ =	swait.ge [sflag:s20], $0x50  }
0xfa: {  	[sflag:s20] =	ssyncset.done $0x0  }
0xfb: {  	s13 =	rddreg [dreg:$0x3];
	[sflag:s20] =	ssyncadd.s32 $0xFFFFFFB0  }
0xfc: {  	[spmem:s2] =	stream.indirect.scatter.add.f32 [tilespmem:s15], [sflag:$0xC], $0x80, s11, s31, $0xb8;
	[tilespmem:$0x1BB00] =	vst v63  }
0xfd: {  	s25 =	rddreg [dreg:$0x6];
	s13 =	sadd.s32 s24, s13  }
0xfe: {  	[tilespmem:s8], [sflag:$0x6] =	stream.linear.gather [hbm4b:s13+s3], $0x50, $0x38;
	[tilespmem:$0x1BB00] =	vst v63  }
0xff: {  	s25 =	sadd.s32 s24, s25  }
0x100: {  	[tilespmem:s1], [sflag:$0x8] =	stream.linear.gather [hbm4b:s25+s3], $0x50, $0x38;
	[tilespmem:$0x1BB00] =	vst v63  }
0x101: {  	p0 =	sne.s32 s23, $0x492;
	_ =	swait.ge [sflag:s6], $0x50  }
.Ltmp1:
0x102: {  	[sflag:s6] =	ssyncset.done $0x0;
	(pc) =	sbr.rel @p0 .LBB2_4-.Ltmp1, $4  }
0x103: {  	[sflag:s6] =	ssyncadd.s32 $0xFFFFFFB0  }
0x104: {  	_ =	swait.ge [sflag:s21], $0x2800  }
0x105: {  	[sflag:s21] =	ssyncset.done $0x0  }
0x106: {  	s23 =	sadd.s32 $0x1E, s23;
	[sflag:s21] =	ssyncadd.s32 $0xFFFFD800  }
0x107: {  	[tilespmem:s7], [sflag:$0x2] =	stream.indirect.gather [hbm4b:s4+s31], $0x80, s0, s31, $0xb8;
	[tilespmem:$0x1BB00] =	vst v63  }
0x108: {  	_ =	swait.ge [sflag:s9], $0x2800  }
0x109: {  	[sflag:s9] =	ssyncset.done $0x0  }
0x10a: {  	[sflag:s9] =	ssyncadd.s32 $0xFFFFD800  }
0x10b: {  	_ =	swait.ge [sflag:s10], $0x50  }
0x10c: {  	[sflag:s10] =	ssyncset.done $0x0  }
0x10d: {  	[sflag:s10] =	ssyncadd.s32 $0xFFFFFFB0  }
0x10e: {  	[spmem:s2] =	stream.indirect.scatter.add.f32 [tilespmem:s3], [sflag:$0xA], $0x80, s29, s31, $0xb8;
	[tilespmem:$0x1BB00] =	vst v63  }
0x10f: {  	_ =	swait.ge [sflag:s14], $0x2800  }
0x110: {  	[sflag:s14] =	ssyncset.done $0x0  }
0x111: {  	[sflag:s14] =	ssyncadd.s32 $0xFFFFD800  }
0x112: {  	_ =	swait.ge [sflag:s16], $0x2800  }
0x113: {  	[sflag:s16] =	ssyncset.done $0x0  }
0x114: {  	[sflag:s16] =	ssyncadd.s32 $0xFFFFD800  }
0x115: {  	_ =	swait.ge [sflag:s17], $0x50  }
0x116: {  	[sflag:s17] =	ssyncset.done $0x0  }
0x117: {  	[sflag:s17] =	ssyncadd.s32 $0xFFFFFFB0  }
0x118: {  	[spmem:s2] =	stream.indirect.scatter.add.f32 [tilespmem:s7], [sflag:$0xB], $0x80, s1, s31, $0xb8;
	[tilespmem:$0x1BB00] =	vst v63  }
0x119: {  	_ =	swait.ge [sflag:s18], $0x2800  }
0x11a: {  	[sflag:s18] =	ssyncset.done $0x0  }
0x11b: {  	s13 =	stileid.u32;
	[sflag:s18] =	ssyncadd.s32 $0xFFFFD800  }
0x11c: {  	s13 =	sshll.u32 s13, $0x6;
	[bflag:$0x0] =	sbarrier.arrive $0xFFFF  }
0x11d: {  	s23 =	sshrl.u32 s5, $0x3;
	s13 =	sor.u32 $0x1C0D, s13;
	s24 =	rddreg [dreg:$0x1b]  }
0x11e: {  	[hbm:s24], [sflag:s13] =	dma.local [spmem:s23], $0x2800  }
0x11f: {  	_ =	swait.ge [sflag:s26], $0x2800  }
0x120: {  	s22 =	sadd.s32 $0x1, s22;
	s25 =	rddreg [dreg:$0x1c]  }
0x121: {  	p0 =	sne.s32 s22, s25  }
.Ltmp2:
0x122: {  	_ = 	snop;
	(pc) =	sbr.rel @p0 .LBB2_1-.Ltmp2, $3  }
0x123: {  	_ =	sdelay $0x1  }
0x124: {  	[sflag:s26] =	ssyncset.done $0x0  }
0x125: {  	[sflag:s26] =	ssyncadd.s32 $0xFFFFD800  }
0x126: {  	_ =	sfence.sel $0x180000  }
0x127: {  	[bflag:$0x0] =	sbarrier.arrive $0xFFFF  }
0x128: {  	_ =	strace $0x9000004A  }
0x129: {  	s0 =	stileid.u32;
	[bflag:$0x2] =	sbarrier.arrive $0xFFFF  }
0x12a: {  	p0 =	sne.s32 s0, $0x0;
	s0 =	rddreg [dreg:$0x2]  }
0x12b: {  	s0 =	sadd.s32 @!p0 $0x100000, s0  }
0x12c: {  	[sflag:s0] =	ssyncadd.tile.s32 @!p0 $0x1;
	_ =	shalt  }
.Lfunc_end2:
_tile_overlayer_lowered:
.L_overlay_start_2:
0x12d: {  	(tag) =	ssettag $0x2  }
0x12e: {  	s0 =	rddreg [dreg:$0x0];
	s2 =	stileid.u32  }
0x12f: {  	s1 =	rddreg [dreg:$0x1];
	p0 =	sne.s32 s2, $0x0  }
0x130: {  	s3 =	rddreg [dreg:$0x2];
	[bflag:$0x3] =	sbarrier.arrive $0xFFFF;
	s2 =	simm.s32 @!p0 $0x1C0D  }
0x131: {  	[timem:s3], [sflag:s2] =	dma.local @!p0 [hbm:s0], s1  }
0x132: {  	s0 =	simm.s32 @!p0 $0xD  }
0x133: {  	_ =	swait.ge @!p0 [sflag:s0], s1  }
0x134: {  	s1 =	ssub.s32 @!p0 $0x0, s1;
	[sflag:s0] =	ssyncset.done @!p0 $0x0  }
0x135: {  	[sflag:s0] =	ssyncadd.s32 @!p0 s1  }
0x136: {  	[bflag:$0x3] =	sbarrier.arrive $0xFFFF  }
0x137: {  	_ =	shalt  }

</sc_bundles>
